<compile_context>
chip_gen: v7x
topology: tpu7x:2x2x1
jax: 0.10.2.dev20260603
libtpu: 0.0.44.dev20260713+nightly
codegen_flags: <defaults>
</compile_context>

<pallas_src>
import functools

import jax
import jax.numpy as jnp
import numpy as np
from jax import lax
from jax.experimental import pallas as pl
from jax.experimental.pallas import tpu as pltpu
from jax.experimental.pallas import tpu_sc as plsc

_EMBED = 256
_HEADS = 8
_LEVELS = 4
_POINTS = 4
_HD = _EMBED // _HEADS
_NW = 32
_QB = 32


def _matmul_bias_kernel(x_ref, w_ref, b_ref, o_ref):
    o_ref[...] = (
        jnp.dot(x_ref[...], w_ref[...], preferred_element_type=jnp.float32)
        + b_ref[0:1, :]
    )


def _matmul_bias(x, w, b, block_rows, out_rows=None):
    rows = x.shape[0]
    assert rows % block_rows == 0, (rows, block_rows)
    out_rows = rows if out_rows is None else out_rows
    k, n = w.shape
    b2 = jnp.broadcast_to(b.reshape(1, n), (8, n))
    return pl.pallas_call(
        _matmul_bias_kernel,
        grid=(rows // block_rows,),
        in_specs=[
            pl.BlockSpec((block_rows, k), lambda i: (i, 0)),
            pl.BlockSpec((k, n), lambda i: (0, 0)),
            pl.BlockSpec((8, n), lambda i: (0, 0)),
        ],
        out_specs=pl.BlockSpec((block_rows, n), lambda i: (i, 0)),
        out_shape=jax.ShapeDtypeStruct((out_rows, n), jnp.float32),
    )(x, w, b2)


def _proj_kernel(nblks, x0_ref, x1_ref, x2_ref, x3_ref, we_ref, wo_ref,
                 be_ref, bo_ref, o_ref):
    i = pl.program_id(0)
    bnd = [0] + list(nblks)

    for l, x_ref in enumerate((x0_ref, x1_ref, x2_ref, x3_ref)):
        @pl.when((i >= bnd[l]) & (i < bnd[l + 1]))
        def _(x_ref=x_ref):
            x = x_ref[...]
            re = (jnp.dot(x, we_ref[...], preferred_element_type=jnp.float32)
                  + be_ref[0:1, :])
            ro = (jnp.dot(x, wo_ref[...], preferred_element_type=jnp.float32)
                  + bo_ref[0:1, :])

            def rne16(f):
                u = lax.bitcast_convert_type(f, jnp.uint32)
                return (u + jnp.uint32(0x7FFF)
                        + ((u >> jnp.uint32(16)) & jnp.uint32(1))
                        ) >> jnp.uint32(16)

            o_ref[...] = lax.bitcast_convert_type(
                rne16(re) | (rne16(ro) << jnp.uint32(16)), jnp.int32)


def _project_values(vals2d, w, b, block_rows):
    we = w[:, 0::2]
    wo = w[:, 1::2]
    n = we.shape[1]
    be2 = jnp.broadcast_to(b[0::2].reshape(1, n), (8, n))
    bo2 = jnp.broadcast_to(b[1::2].reshape(1, n), (8, n))
    sizes = [v.shape[0] for v in vals2d]
    nblks = []
    acc = 0
    for s in sizes:
        assert s % block_rows == 0
        acc += s // block_rows
        nblks.append(acc)
    starts = [e - s // block_rows for e, s in zip(nblks, sizes)]

    def mk_map(start, nb):
        return lambda i: (jnp.clip(i - start, 0, nb - 1), 0)

    in_specs = [
        pl.BlockSpec((block_rows, _EMBED), mk_map(st, sz // block_rows))
        for st, sz in zip(starts, sizes)
    ] + [
        pl.BlockSpec((_EMBED, n), lambda i: (0, 0)),
        pl.BlockSpec((_EMBED, n), lambda i: (0, 0)),
        pl.BlockSpec((8, n), lambda i: (0, 0)),
        pl.BlockSpec((8, n), lambda i: (0, 0)),
    ]
    total = sum(sizes)
    return pl.pallas_call(
        functools.partial(_proj_kernel, nblks),
        grid=(total // block_rows,),
        in_specs=in_specs,
        out_specs=pl.BlockSpec((block_rows, n), lambda i: (i, 0)),
        out_shape=jax.ShapeDtypeStruct((total, n), jnp.int32),
    )(*vals2d, we, wo, be2, bo2)


def _idxw_math(q, refi, refj, bid, wsi, wsj, bsi, bsj, wa, ba, gmat, scale,
               baseh, hw, maxi):
    offi = jnp.dot(q, wsi, preferred_element_type=jnp.float32) + bsi
    offj = jnp.dot(q, wsj, preferred_element_type=jnp.float32) + bsj
    logits = jnp.dot(q, wa, preferred_element_type=jnp.float32) + ba
    m = jnp.max(logits, axis=-1, keepdims=True)
    e = jnp.exp(logits - m)
    s = jnp.dot(e, gmat, preferred_element_type=jnp.float32)
    attn = e / s

    loci = (refi + offi) * scale
    locj = (refj + offj) * scale
    sci = jnp.maximum(loci - 0.5, 0.0)
    scj = jnp.maximum(locj - 0.5, 0.0)
    fli = jnp.floor(sci)
    flj = jnp.floor(scj)
    i0 = fli.astype(jnp.int32)
    j0 = flj.astype(jnp.int32)
    fri = sci - fli
    frj = scj - flj
    i0c = jnp.minimum(i0, maxi)
    i1c = jnp.minimum(i0 + 1, maxi)
    j0c = jnp.minimum(j0, maxi)
    j1c = jnp.minimum(j0 + 1, maxi)

    hw8 = hw * _HEADS
    ai0 = baseh + (bid * hw + i0c) * hw8
    ai1 = baseh + (bid * hw + i1c) * hw8
    bj0 = j0c * _HEADS
    bj1 = j1c * _HEADS
    idx = jnp.concatenate(
        [ai0 + bj0, ai0 + bj1, ai1 + bj0, ai1 + bj1], axis=-1)
    wi0 = 1.0 - fri
    wj0 = 1.0 - frj
    w = jnp.concatenate(
        [wi0 * wj0 * attn, wi0 * frj * attn, fri * wj0 * attn,
         fri * frj * attn], axis=-1)
    return idx, w


def _idxw_kernel(nb, q_ref, rp_ref, offs_ref, wsi_ref, wsj_ref, bsi_ref,
                 bsj_ref, wa_ref, ba_ref, g_ref, scale_ref, baseh_ref, hw_ref,
                 maxi_ref, idx_ref, w_ref):
    blk = q_ref.shape[0]
    rows = (lax.broadcasted_iota(jnp.int32, (blk, 128), 0)
            + pl.program_id(0) * blk)
    bid = jnp.full((blk, 128), -1, jnp.int32)
    for k in range(nb):
        bid = bid + (rows >= offs_ref[0, k]).astype(jnp.int32)
    idx, w = _idxw_math(
        q_ref[...], rp_ref[:, 0:1], rp_ref[:, 1:2], bid, wsi_ref[...],
        wsj_ref[...], bsi_ref[0:1, :], bsj_ref[0:1, :], wa_ref[...],
        ba_ref[0:1, :], g_ref[...], scale_ref[0:1, :], baseh_ref[0:1, :],
        hw_ref[0:1, :], maxi_ref[0:1, :])
    idx_ref[...] = idx
    w_ref[...] = w


def _compute_idxw(qpad, rp_pad, offs, wsi, wsj, bsi, bsj, wa, ba, hw_consts,
                  base_consts, block_rows):
    npad = qpad.shape[0]
    nb = offs.shape[0]
    offs2 = jnp.broadcast_to(
        jnp.pad(offs, (0, 128 - nb)).reshape(1, 128), (8, 128))
    bsi2 = jnp.broadcast_to(bsi.reshape(1, 128), (8, 128))
    bsj2 = jnp.broadcast_to(bsj.reshape(1, 128), (8, 128))
    ba2 = jnp.broadcast_to(ba.reshape(1, 128), (8, 128))
    col = jnp.arange(128, dtype=jnp.int32)
    gmat = (col[:, None] // 16 == col[None, :] // 16).astype(jnp.float32)
    level = (col % 16) // 4
    hw_v = jnp.array(hw_consts, jnp.int32)[level]
    base_v = jnp.array(base_consts, jnp.int32)[level] + col // 16
    scale_v = hw_v.astype(jnp.float32) * (1.0 / float(hw_consts[3]))
    maxi_v = hw_v - 1
    scale2 = jnp.broadcast_to(scale_v.reshape(1, 128), (8, 128))
    baseh2 = jnp.broadcast_to(base_v.reshape(1, 128), (8, 128))
    hw2 = jnp.broadcast_to(hw_v.reshape(1, 128), (8, 128))
    maxi2 = jnp.broadcast_to(maxi_v.reshape(1, 128), (8, 128))
    cspec = pl.BlockSpec((8, 128), lambda i: (0, 0))
    return pl.pallas_call(
        functools.partial(_idxw_kernel, nb),
        grid=(npad // block_rows,),
        in_specs=[
            pl.BlockSpec((block_rows, _EMBED), lambda i: (i, 0)),
            pl.BlockSpec((block_rows, 2), lambda i: (i, 0)),
            cspec,
            pl.BlockSpec((_EMBED, 128), lambda i: (0, 0)),
            pl.BlockSpec((_EMBED, 128), lambda i: (0, 0)),
            cspec,
            cspec,
            pl.BlockSpec((_EMBED, 128), lambda i: (0, 0)),
            cspec,
            pl.BlockSpec((128, 128), lambda i: (0, 0)),
            cspec,
            cspec,
            cspec,
            cspec,
        ],
        out_specs=[
            pl.BlockSpec((block_rows, 512), lambda i: (i, 0)),
            pl.BlockSpec((block_rows, 512), lambda i: (i, 0)),
        ],
        out_shape=[
            jax.ShapeDtypeStruct((npad, 512), jnp.int32),
            jax.ShapeDtypeStruct((npad, 512), jnp.float32),
        ],
    )(qpad, rp_pad, offs2, wsi, wsj, bsi2, bsj2, wa, ba2, gmat, scale2,
      baseh2, hw2, maxi2)


def _make_sc_gather(npad, nrows):
    per_w = npad // _NW
    nblk = per_w // _QB
    mesh = plsc.VectorSubcoreMesh(core_axis_name="c", subcore_axis_name="s")

    @functools.partial(
        pl.kernel,
        out_type=jax.ShapeDtypeStruct((npad, _EMBED), jnp.float32),
        mesh=mesh,
        scratch_types=[
            pltpu.VMEM((2, _QB, 4, 128), jnp.int32),
            pltpu.VMEM((2, _QB, 512), jnp.float32),
            pltpu.VMEM((4, 4, 128, 16), jnp.int32),
            pltpu.VMEM((_QB, _EMBED), jnp.float32),
            pltpu.SemaphoreType.DMA,
            pltpu.SemaphoreType.DMA,
        ],
        compiler_params=pltpu.CompilerParams(use_tc_tiling_on_sc=False),
    )
    def sc_kernel(table_hbm, idx_hbm, w_hbm, out_hbm, idx_v, w_v, rows_v,
                  out_v, sem, semb):
        wid = lax.axis_index("s") * 2 + lax.axis_index("c")

        def start_blk(b):
            st = wid * per_w + b * _QB
            ib = lax.rem(b, 2)
            pltpu.async_copy(idx_hbm.at[pl.ds(st, _QB)], idx_v.at[ib], semb)
            pltpu.async_copy(w_hbm.at[pl.ds(st, _QB)], w_v.at[ib], semb)

        def wait_blk(b):
            st = wid * per_w + b * _QB
            ib = lax.rem(b, 2)
            pltpu.make_async_copy(idx_hbm.at[pl.ds(st, _QB)], idx_v.at[ib],
                                  semb).wait()
            pltpu.make_async_copy(w_hbm.at[pl.ds(st, _QB)], w_v.at[ib],
                                  semb).wait()

        start_blk(0)

        def blk_body(bi, carry):
            start = wid * per_w + bi * _QB
            ib = lax.rem(bi, 2)
            wait_blk(bi)

            @pl.when(bi + 1 < nblk)
            def _():
                start_blk(bi + 1)

            def issue(qi, buf):
                for c in range(4):
                    pltpu.async_copy(table_hbm.at[idx_v.at[ib, qi, c]],
                                     rows_v.at[buf, c], sem)

            for k in range(3):
                issue(k, k)

            def q_body(qi, c2):
                buf = lax.rem(qi, 4)

                @pl.when(qi + 3 < _QB)
                def _():
                    issue(qi + 3, lax.rem(qi + 3, 4))

                for c in range(4):
                    pltpu.make_async_copy(table_hbm.at[idx_v.at[ib, qi, c]],
                                          rows_v.at[buf, c], sem).wait()
                zero = jnp.zeros((16,), jnp.float32)
                accs = (zero,) * (2 * _HEADS)

                for c in range(4):
                    wvecs = [
                        w_v[ib, qi, pl.ds(c * 128 + h * 16, 16)]
                        for h in range(_HEADS)
                    ]

                    def t_body(t, accs, c=c, wvecs=wvecs):
                        accs = list(accs)
                        tvec = jnp.full((16, 1), t, jnp.int32)
                        dnums = lax.GatherDimensionNumbers(
                            offset_dims=(), collapsed_slice_dims=(0,),
                            start_index_map=(0,))
                        for h in range(_HEADS):
                            wb = lax.gather(
                                wvecs[h], tvec, dnums, (1,),
                                mode=lax.GatherScatterMode.PROMISE_IN_BOUNDS)
                            r = h * 16 + t
                            u = rows_v[buf, c, r, :]
                            r0 = lax.bitcast_convert_type(u << 16,
                                                          jnp.float32)
                            r1 = lax.bitcast_convert_type(
                                u & jnp.int32(-65536), jnp.float32)
                            accs[2 * h] = accs[2 * h] + wb * r0
                            accs[2 * h + 1] = accs[2 * h + 1] + wb * r1
                        return tuple(accs)

                    accs = lax.fori_loop(0, 16, t_body, accs)
                for h in range(_HEADS):
                    out_v[qi, pl.ds(h * 32, 16)] = accs[2 * h]
                    out_v[qi, pl.ds(h * 32 + 16, 16)] = accs[2 * h + 1]
                return c2

            lax.fori_loop(0, _QB, q_body, 0)
            pltpu.sync_copy(out_v, out_hbm.at[pl.ds(start, _QB)])
            return carry

        lax.fori_loop(0, nblk, blk_body, 0)

    return sc_kernel


def kernel(query, query_offsets, reference_points, value_l0, value_l1,
           value_l2, value_l3, W_sampling, b_sampling, W_attn, b_attn,
           W_value, b_value, W_out, b_out):
    values = [value_l0, value_l1, value_l2, value_l3]
    N = query.shape[0]
    B = value_l0.shape[0]

    vals2d = [v.reshape(-1, _EMBED) for v in values]
    P = sum(v.shape[0] for v in vals2d)
    table = _project_values(vals2d, W_value, b_value, block_rows=512)
    table = table.reshape(P * _HEADS, 16)

    hw_consts = [v.shape[1] for v in values]
    pix_prefix = []
    acc = 0
    for v in values:
        pix_prefix.append(acc)
        acc += B * v.shape[1] * v.shape[2]
    base_consts = [p * _HEADS for p in pix_prefix]

    npad = ((N + _NW * _QB - 1) // (_NW * _QB)) * (_NW * _QB)
    qpad = jnp.pad(query, ((0, npad - N), (0, 0)))
    rp_pad = jnp.pad(reference_points, ((0, npad - N), (0, 0)))

    wsi = W_sampling[:, 0::2]
    wsj = W_sampling[:, 1::2]
    bsi = b_sampling[0::2]
    bsj = b_sampling[1::2]
    idx, w = _compute_idxw(qpad, rp_pad, query_offsets, wsi, wsj, bsi, bsj,
                           W_attn, b_attn, hw_consts, base_consts,
                           block_rows=1024)

    idx3 = idx.reshape(npad, 4, 128)
    sc_gather = _make_sc_gather(npad, table.shape[0])
    sampled = sc_gather(table, idx3, w)

    j = np.arange(_HD)
    within = np.where(j < 16, 2 * j, 2 * (j - 16) + 1)
    perm = (np.arange(_EMBED) // _HD) * _HD + within[np.arange(_EMBED) % _HD]
    w_out_perm = W_out[jnp.asarray(perm)]
    return _matmul_bias(sampled, w_out_perm, b_out, block_rows=1024,
                        out_rows=N)

# --- scband reference (transcript-rebuilt; emitter-appended) ---
"""Pipeline reference for scband-sparse-msdeformable-attention-10651518894417 (READ-ONLY COPY).

The authoritative reference and input builder live on the scoring server;
editing this copy changes nothing except your own understanding.
"""

import jax, jax.numpy as jnp
import numpy as np

EMBED = 256
HEADS = 8
LEVELS = 4
POINTS = 4
HD = EMBED // HEADS
SHAPES = [(128, 128), (64, 64), (32, 32), (16, 16)]


def setup_inputs(seed: int = 0):
    key = jax.random.key(seed)
    ks = jax.random.split(key, 16)
    N = 10000
    B = 2
    inp = {}
    inp["query"] = jax.random.normal(ks[0], (N, EMBED), dtype=jnp.float32)
    inp["query_offsets"] = jnp.array([0, N // 2], dtype=jnp.int32)
    base = jnp.array(SHAPES[-1], dtype=jnp.float32)
    inp["reference_points"] = jax.random.uniform(ks[1], (N, 2), dtype=jnp.float32) * (base - 1.0)
    for l, (h, w) in enumerate(SHAPES):
        inp["value_l%d" % l] = jax.random.normal(ks[2 + l], (B, h, w, EMBED), dtype=jnp.float32) * 0.1
    inp["W_sampling"] = jax.random.normal(ks[6], (EMBED, HEADS * LEVELS * POINTS * 2), dtype=jnp.float32) * 0.01
    thetas = jnp.arange(HEADS, dtype=jnp.float32) * (2.0 * np.pi / HEADS)
    grid = jnp.stack([jnp.cos(thetas), jnp.sin(thetas)], -1)
    grid = grid / jnp.max(jnp.abs(grid), axis=-1, keepdims=True)
    grid = jnp.tile(grid.reshape(HEADS, 1, 1, 2), (1, LEVELS, POINTS, 1))
    grid = grid * (jnp.arange(POINTS, dtype=jnp.float32) + 1.0).reshape(1, 1, POINTS, 1)
    inp["b_sampling"] = grid.reshape(-1)
    inp["W_attn"] = jax.random.normal(ks[7], (EMBED, HEADS * LEVELS * POINTS), dtype=jnp.float32) * 0.02
    inp["b_attn"] = jnp.zeros((HEADS * LEVELS * POINTS,), jnp.float32)
    inp["W_value"] = jax.random.normal(ks[8], (EMBED, EMBED), dtype=jnp.float32) * (1.0 / np.sqrt(EMBED))
    inp["b_value"] = jnp.zeros((EMBED,), jnp.float32)
    inp["W_out"] = jax.random.normal(ks[9], (EMBED, EMBED), dtype=jnp.float32) * (1.0 / np.sqrt(EMBED))
    inp["b_out"] = jnp.zeros((EMBED,), jnp.float32)
    return inp


def _bilinear(v, loc, batch_ids):
    # v: [B, H, W, HEADS, HD]; loc: [N, HEADS, P, 2] un-normalized (i, j) pixel coords
    Hh, Ww = v.shape[1], v.shape[2]
    sc = jnp.maximum(loc - 0.5, 0.0)
    fl = jnp.floor(sc)
    i0 = fl.astype(jnp.int32)
    maxi = jnp.array([Hh - 1, Ww - 1], dtype=jnp.int32)
    b = batch_ids[:, None, None]
    h = jnp.arange(v.shape[3])[None, :, None]

    def g(idx):
        idx = jnp.minimum(idx, maxi)
        return v[b, idx[..., 0], idx[..., 1], h, :]

    v00 = g(i0)
    v01 = g(i0 + jnp.array([0, 1], dtype=jnp.int32))
    v10 = g(i0 + jnp.array([1, 0], dtype=jnp.int32))
    v11 = g(i0 + jnp.array([1, 1], dtype=jnp.int32))
    frac = sc - fl
    dw = frac[..., 0:1]
    rw = frac[..., 1:2]
    uw = 1.0 - dw
    lw = 1.0 - rw
    return uw * lw * v00 + uw * rw * v01 + dw * lw * v10 + dw * rw * v11


def reference(query, query_offsets, reference_points, value_l0, value_l1, value_l2, value_l3,
              W_sampling, b_sampling, W_attn, b_attn, W_value, b_value, W_out, b_out):
    values = [value_l0, value_l1, value_l2, value_l3]
    N = query.shape[0]
    batch_ids = jnp.searchsorted(query_offsets, jnp.arange(N), side='right') - 1
    # value_proj: 1x1 subm conv == per-pixel linear; split embed into heads
    proj = [(v @ W_value + b_value).reshape(v.shape[0], v.shape[1], v.shape[2], HEADS, HD) for v in values]
    off = (query @ W_sampling + b_sampling).reshape(N, HEADS, LEVELS, POINTS, 2)
    attn = jax.nn.softmax((query @ W_attn + b_attn).reshape(N, HEADS, LEVELS * POINTS), axis=-1)
    attn = attn.reshape(N, HEADS, LEVELS, POINTS)
    shapes_arr = jnp.array([[v.shape[1], v.shape[2]] for v in values], dtype=jnp.float32)
    scaler = shapes_arr / shapes_arr[-1]  # base level = last (coarsest) level, per torch code
    locs = (reference_points.reshape(N, 1, 1, 1, 2) + off) * scaler.reshape(1, 1, LEVELS, 1, 2)
    sampled = jnp.stack([_bilinear(proj[l], locs[:, :, l], batch_ids) for l in range(LEVELS)], axis=2)
    out = (sampled * attn[..., None]).sum(axis=(2, 3)).reshape(N, EMBED)
    return out @ W_out + b_out

if __name__ == "__main__":
    import jax
    _d = setup_inputs()
    print(jax.jit(kernel)(*tuple(_d.values())))

</pallas_src>

<mosaic_0001>
#map = affine_map<(d0, d1) -> (0, 0)>
#map1 = affine_map<(d0, d1) -> (0, 0, 0)>
module attributes {stable_mosaic.version = 14 : i64} {
  func.func @sc_kernel(%arg0: i32, %arg1: i32, %arg2: memref<348160x16xi32, #tpu.memory_space<hbm>>, %arg3: memref<10240x4x128xi32, #tpu.memory_space<hbm>>, %arg4: memref<10240x512xf32, #tpu.memory_space<hbm>>, %arg5: memref<10240x256xf32, #tpu.memory_space<hbm>>, %arg6: memref<2x32x4x128xi32, #tpu.memory_space<vmem>>, %arg7: memref<2x32x512xf32, #tpu.memory_space<vmem>>, %arg8: memref<4x4x128x16xi32, #tpu.memory_space<vmem>>, %arg9: memref<32x256xf32, #tpu.memory_space<vmem>>, %arg10: memref<!tpu.dma_semaphore, #tpu.memory_space<semaphore_mem>>, %arg11: memref<!tpu.dma_semaphore, #tpu.memory_space<semaphore_mem>>) attributes {dimension_semantics = [#tpu.dimension_semantics<core_parallel>, #tpu.dimension_semantics<subcore_parallel>], iteration_bounds = array<i64: 2, 16>, scalar_prefetch = 0 : i64, scratch_operands = 6 : i64, tpu.core_type = #tpu.core_type<sc_vector_subcore>, window_params = [{transform_indices = #map}, {transform_indices = #map1}, {transform_indices = #map}, {transform_indices = #map}]} {
    %mul3A = arith.constant 2 : i32
    %mul3A_0 = arith.muli %arg1, %mul3A : i32
    %add3A = arith.addi %mul3A_0, %arg0 : i32
    %mul3A_1 = arith.constant 320 : i32
    %mul3A_2 = arith.muli %add3A, %mul3A_1 : i32
    %add3A_3 = arith.constant 0 : i32
    %add3A_4 = arith.addi %mul3A_2, %add3A_3 : i32
    %rem3A = arith.constant 0 : i32
    %rem3A_5 = arith.constant 2 : i32
    %rem3A_6 = arith.remsi %rem3A, %rem3A_5 : i32
    %dma_start3A = arith.constant 0 : i32
    %dma_start3A_7 = arith.constant 0 : i32
    %dma_start3A_8 = arith.constant 0 : i32
    %dma_start3A_9 = tpu.memref_slice %arg6[%rem3A_6, %dma_start3A, %dma_start3A_7, %dma_start3A_8] : memref<2x32x4x128xi32, #tpu.memory_space<vmem>> -> memref<1x32x4x128xi32, #tpu.memory_space<vmem>>
    %dma_start3A_10 = tpu.memref_squeeze %dma_start3A_9 : memref<1x32x4x128xi32, #tpu.memory_space<vmem>> -> memref<32x4x128xi32, #tpu.memory_space<vmem>>
    %dma_start3A_11 = arith.constant 0 : i32
    %dma_start3A_12 = arith.constant 0 : i32
    %dma_start3A_13 = tpu.memref_slice %arg3[%add3A_4, %dma_start3A_11, %dma_start3A_12] : memref<10240x4x128xi32, #tpu.memory_space<hbm>> -> memref<32x4x128xi32, #tpu.memory_space<hbm>>
    %dma_start3A_14 = arith.constant 0 : i32
    %dma_start3A_15 = arith.constant 0 : i32
    %dma_start3A_16 = arith.constant 0 : i32
    %dma_start3A_17 = tpu.memref_slice %arg6[%rem3A_6, %dma_start3A_14, %dma_start3A_15, %dma_start3A_16] : memref<2x32x4x128xi32, #tpu.memory_space<vmem>> -> memref<1x32x4x128xi32, #tpu.memory_space<vmem>>
    %dma_start3A_18 = tpu.memref_squeeze %dma_start3A_17 : memref<1x32x4x128xi32, #tpu.memory_space<vmem>> -> memref<32x4x128xi32, #tpu.memory_space<vmem>>
    %dma_start3A_19 = arith.constant 0 : i32
    %dma_start3A_20 = arith.constant 0 : i32
    %dma_start3A_21 = tpu.memref_slice %arg3[%add3A_4, %dma_start3A_19, %dma_start3A_20] : memref<10240x4x128xi32, #tpu.memory_space<hbm>> -> memref<32x4x128xi32, #tpu.memory_space<hbm>>
    tpu.enqueue_dma source(%dma_start3A_21 : memref<32x4x128xi32, #tpu.memory_space<hbm>>) target(%dma_start3A_18 : memref<32x4x128xi32, #tpu.memory_space<vmem>>) target_semaphore(%arg11 : memref<!tpu.dma_semaphore, #tpu.memory_space<semaphore_mem>>)
    %dma_start3A_22 = arith.constant 0 : i32
    %dma_start3A_23 = arith.constant 0 : i32
    %dma_start3A_24 = tpu.memref_slice %arg7[%rem3A_6, %dma_start3A_22, %dma_start3A_23] : memref<2x32x512xf32, #tpu.memory_space<vmem>> -> memref<1x32x512xf32, #tpu.memory_space<vmem>>
    %dma_start3A_25 = tpu.memref_squeeze %dma_start3A_24 : memref<1x32x512xf32, #tpu.memory_space<vmem>> -> memref<32x512xf32, #tpu.memory_space<vmem>>
    %dma_start3A_26 = arith.constant 0 : i32
    %dma_start3A_27 = tpu.memref_slice %arg4[%add3A_4, %dma_start3A_26] : memref<10240x512xf32, #tpu.memory_space<hbm>> -> memref<32x512xf32, #tpu.memory_space<hbm>>
    %dma_start3A_28 = arith.constant 0 : i32
    %dma_start3A_29 = arith.constant 0 : i32
    %dma_start3A_30 = tpu.memref_slice %arg7[%rem3A_6, %dma_start3A_28, %dma_start3A_29] : memref<2x32x512xf32, #tpu.memory_space<vmem>> -> memref<1x32x512xf32, #tpu.memory_space<vmem>>
    %dma_start3A_31 = tpu.memref_squeeze %dma_start3A_30 : memref<1x32x512xf32, #tpu.memory_space<vmem>> -> memref<32x512xf32, #tpu.memory_space<vmem>>
    %dma_start3A_32 = arith.constant 0 : i32
    %dma_start3A_33 = tpu.memref_slice %arg4[%add3A_4, %dma_start3A_32] : memref<10240x512xf32, #tpu.memory_space<hbm>> -> memref<32x512xf32, #tpu.memory_space<hbm>>
    tpu.enqueue_dma source(%dma_start3A_33 : memref<32x512xf32, #tpu.memory_space<hbm>>) target(%dma_start3A_31 : memref<32x512xf32, #tpu.memory_space<vmem>>) target_semaphore(%arg11 : memref<!tpu.dma_semaphore, #tpu.memory_space<semaphore_mem>>)
    %scan3A = arith.constant 0 : i32
    %scan3A_34 = arith.constant 0 : i32
    %scan3A_35 = arith.constant 10 : i32
    %scan3A_36 = arith.addi %scan3A_34, %scan3A_35 : i32
    %scan3A_37 = arith.constant 1 : i32
    scf.for %scan3A_39 = %scan3A_34 to %scan3A_36 step %scan3A_37  : i32 {
      %mul3A_40 = arith.constant 320 : i32
      %mul3A_41 = arith.muli %add3A, %mul3A_40 : i32
      %mul3A_42 = arith.constant 32 : i32
      %mul3A_43 = arith.muli %scan3A_39, %mul3A_42 : i32
      %add3A_44 = arith.addi %mul3A_41, %mul3A_43 : i32
      %rem3A_45 = arith.constant 2 : i32
      %rem3A_46 = arith.remsi %scan3A_39, %rem3A_45 : i32
      %mul3A_47 = arith.constant 320 : i32
      %mul3A_48 = arith.muli %add3A, %mul3A_47 : i32
      %mul3A_49 = arith.constant 32 : i32
      %mul3A_50 = arith.muli %scan3A_39, %mul3A_49 : i32
      %add3A_51 = arith.addi %mul3A_48, %mul3A_50 : i32
      %rem3A_52 = arith.constant 2 : i32
      %rem3A_53 = arith.remsi %scan3A_39, %rem3A_52 : i32
      %dma_wait3A = arith.constant 0 : i32
      %dma_wait3A_54 = arith.constant 0 : i32
      %dma_wait3A_55 = arith.constant 0 : i32
      %dma_wait3A_56 = tpu.memref_slice %arg6[%rem3A_53, %dma_wait3A, %dma_wait3A_54, %dma_wait3A_55] : memref<2x32x4x128xi32, #tpu.memory_space<vmem>> -> memref<1x32x4x128xi32, #tpu.memory_space<vmem>>
      %dma_wait3A_57 = tpu.memref_squeeze %dma_wait3A_56 : memref<1x32x4x128xi32, #tpu.memory_space<vmem>> -> memref<32x4x128xi32, #tpu.memory_space<vmem>>
      %dma_wait3A_58 = arith.constant 0 : i32
      %dma_wait3A_59 = arith.constant 0 : i32
      %dma_wait3A_60 = tpu.memref_slice %arg3[%add3A_51, %dma_wait3A_58, %dma_wait3A_59] : memref<10240x4x128xi32, #tpu.memory_space<hbm>> -> memref<32x4x128xi32, #tpu.memory_space<hbm>>
      %dma_wait3A_61 = arith.constant 0 : i32
      %dma_wait3A_62 = arith.constant 0 : i32
      %dma_wait3A_63 = arith.constant 0 : i32
      %dma_wait3A_64 = tpu.memref_slice %arg6[%rem3A_53, %dma_wait3A_61, %dma_wait3A_62, %dma_wait3A_63] : memref<2x32x4x128xi32, #tpu.memory_space<vmem>> -> memref<1x32x4x128xi32, #tpu.memory_space<vmem>>
      %dma_wait3A_65 = tpu.memref_squeeze %dma_wait3A_64 : memref<1x32x4x128xi32, #tpu.memory_space<vmem>> -> memref<32x4x128xi32, #tpu.memory_space<vmem>>
      %dma_wait3A_66 = arith.constant 0 : i32
      %dma_wait3A_67 = arith.constant 0 : i32
      %dma_wait3A_68 = tpu.memref_slice %arg3[%add3A_51, %dma_wait3A_66, %dma_wait3A_67] : memref<10240x4x128xi32, #tpu.memory_space<hbm>> -> memref<32x4x128xi32, #tpu.memory_space<hbm>>
      tpu.wait_dma2 semaphore(%arg11 : memref<!tpu.dma_semaphore, #tpu.memory_space<semaphore_mem>>) src(%dma_wait3A_68 : memref<32x4x128xi32, #tpu.memory_space<hbm>>) dst(%dma_wait3A_65 : memref<32x4x128xi32, #tpu.memory_space<vmem>>)
      %dma_wait3A_69 = arith.constant 0 : i32
      %dma_wait3A_70 = arith.constant 0 : i32
      %dma_wait3A_71 = tpu.memref_slice %arg7[%rem3A_53, %dma_wait3A_69, %dma_wait3A_70] : memref<2x32x512xf32, #tpu.memory_space<vmem>> -> memref<1x32x512xf32, #tpu.memory_space<vmem>>
      %dma_wait3A_72 = tpu.memref_squeeze %dma_wait3A_71 : memref<1x32x512xf32, #tpu.memory_space<vmem>> -> memref<32x512xf32, #tpu.memory_space<vmem>>
      %dma_wait3A_73 = arith.constant 0 : i32
      %dma_wait3A_74 = tpu.memref_slice %arg4[%add3A_51, %dma_wait3A_73] : memref<10240x512xf32, #tpu.memory_space<hbm>> -> memref<32x512xf32, #tpu.memory_space<hbm>>
      %dma_wait3A_75 = arith.constant 0 : i32
      %dma_wait3A_76 = arith.constant 0 : i32
      %dma_wait3A_77 = tpu.memref_slice %arg7[%rem3A_53, %dma_wait3A_75, %dma_wait3A_76] : memref<2x32x512xf32, #tpu.memory_space<vmem>> -> memref<1x32x512xf32, #tpu.memory_space<vmem>>
      %dma_wait3A_78 = tpu.memref_squeeze %dma_wait3A_77 : memref<1x32x512xf32, #tpu.memory_space<vmem>> -> memref<32x512xf32, #tpu.memory_space<vmem>>
      %dma_wait3A_79 = arith.constant 0 : i32
      %dma_wait3A_80 = tpu.memref_slice %arg4[%add3A_51, %dma_wait3A_79] : memref<10240x512xf32, #tpu.memory_space<hbm>> -> memref<32x512xf32, #tpu.memory_space<hbm>>
      tpu.wait_dma2 semaphore(%arg11 : memref<!tpu.dma_semaphore, #tpu.memory_space<semaphore_mem>>) src(%dma_wait3A_80 : memref<32x512xf32, #tpu.memory_space<hbm>>) dst(%dma_wait3A_78 : memref<32x512xf32, #tpu.memory_space<vmem>>)
      %add3A_81 = arith.constant 1 : i32
      %add3A_82 = arith.addi %scan3A_39, %add3A_81 : i32
      %lt3A = arith.constant 10 : i32
      %lt3A_83 = arith.cmpi slt, %add3A_82, %lt3A : i32
      %convert_element_type3A = arith.extui %lt3A_83 : i1 to i32
      %cond3A = arith.constant 0 : i32
      %cond3A_84 = arith.cmpi ne, %convert_element_type3A, %cond3A : i32
      scf.if %cond3A_84 {
        %add3A_259 = arith.constant 1 : i32
        %add3A_260 = arith.addi %scan3A_39, %add3A_259 : i32
        %mul3A_261 = arith.constant 320 : i32
        %mul3A_262 = arith.muli %add3A, %mul3A_261 : i32
        %mul3A_263 = arith.constant 32 : i32
        %mul3A_264 = arith.muli %add3A_260, %mul3A_263 : i32
        %add3A_265 = arith.addi %mul3A_262, %mul3A_264 : i32
        %rem3A_266 = arith.constant 2 : i32
        %rem3A_267 = arith.remsi %add3A_260, %rem3A_266 : i32
        %dma_start3A_268 = arith.constant 0 : i32
        %dma_start3A_269 = arith.constant 0 : i32
        %dma_start3A_270 = arith.constant 0 : i32
        %dma_start3A_271 = tpu.memref_slice %arg6[%rem3A_267, %dma_start3A_268, %dma_start3A_269, %dma_start3A_270] : memref<2x32x4x128xi32, #tpu.memory_space<vmem>> -> memref<1x32x4x128xi32, #tpu.memory_space<vmem>>
        %dma_start3A_272 = tpu.memref_squeeze %dma_start3A_271 : memref<1x32x4x128xi32, #tpu.memory_space<vmem>> -> memref<32x4x128xi32, #tpu.memory_space<vmem>>
        %dma_start3A_273 = arith.constant 0 : i32
        %dma_start3A_274 = arith.constant 0 : i32
        %dma_start3A_275 = tpu.memref_slice %arg3[%add3A_265, %dma_start3A_273, %dma_start3A_274] : memref<10240x4x128xi32, #tpu.memory_space<hbm>> -> memref<32x4x128xi32, #tpu.memory_space<hbm>>
        %dma_start3A_276 = arith.constant 0 : i32
        %dma_start3A_277 = arith.constant 0 : i32
        %dma_start3A_278 = arith.constant 0 : i32
        %dma_start3A_279 = tpu.memref_slice %arg6[%rem3A_267, %dma_start3A_276, %dma_start3A_277, %dma_start3A_278] : memref<2x32x4x128xi32, #tpu.memory_space<vmem>> -> memref<1x32x4x128xi32, #tpu.memory_space<vmem>>
        %dma_start3A_280 = tpu.memref_squeeze %dma_start3A_279 : memref<1x32x4x128xi32, #tpu.memory_space<vmem>> -> memref<32x4x128xi32, #tpu.memory_space<vmem>>
        %dma_start3A_281 = arith.constant 0 : i32
        %dma_start3A_282 = arith.constant 0 : i32
        %dma_start3A_283 = tpu.memref_slice %arg3[%add3A_265, %dma_start3A_281, %dma_start3A_282] : memref<10240x4x128xi32, #tpu.memory_space<hbm>> -> memref<32x4x128xi32, #tpu.memory_space<hbm>>
        tpu.enqueue_dma source(%dma_start3A_283 : memref<32x4x128xi32, #tpu.memory_space<hbm>>) target(%dma_start3A_280 : memref<32x4x128xi32, #tpu.memory_space<vmem>>) target_semaphore(%arg11 : memref<!tpu.dma_semaphore, #tpu.memory_space<semaphore_mem>>)
        %dma_start3A_284 = arith.constant 0 : i32
        %dma_start3A_285 = arith.constant 0 : i32
        %dma_start3A_286 = tpu.memref_slice %arg7[%rem3A_267, %dma_start3A_284, %dma_start3A_285] : memref<2x32x512xf32, #tpu.memory_space<vmem>> -> memref<1x32x512xf32, #tpu.memory_space<vmem>>
        %dma_start3A_287 = tpu.memref_squeeze %dma_start3A_286 : memref<1x32x512xf32, #tpu.memory_space<vmem>> -> memref<32x512xf32, #tpu.memory_space<vmem>>
        %dma_start3A_288 = arith.constant 0 : i32
        %dma_start3A_289 = tpu.memref_slice %arg4[%add3A_265, %dma_start3A_288] : memref<10240x512xf32, #tpu.memory_space<hbm>> -> memref<32x512xf32, #tpu.memory_space<hbm>>
        %dma_start3A_290 = arith.constant 0 : i32
        %dma_start3A_291 = arith.constant 0 : i32
        %dma_start3A_292 = tpu.memref_slice %arg7[%rem3A_267, %dma_start3A_290, %dma_start3A_291] : memref<2x32x512xf32, #tpu.memory_space<vmem>> -> memref<1x32x512xf32, #tpu.memory_space<vmem>>
        %dma_start3A_293 = tpu.memref_squeeze %dma_start3A_292 : memref<1x32x512xf32, #tpu.memory_space<vmem>> -> memref<32x512xf32, #tpu.memory_space<vmem>>
        %dma_start3A_294 = arith.constant 0 : i32
        %dma_start3A_295 = tpu.memref_slice %arg4[%add3A_265, %dma_start3A_294] : memref<10240x512xf32, #tpu.memory_space<hbm>> -> memref<32x512xf32, #tpu.memory_space<hbm>>
        tpu.enqueue_dma source(%dma_start3A_295 : memref<32x512xf32, #tpu.memory_space<hbm>>) target(%dma_start3A_293 : memref<32x512xf32, #tpu.memory_space<vmem>>) target_semaphore(%arg11 : memref<!tpu.dma_semaphore, #tpu.memory_space<semaphore_mem>>)
      } else {
      }
      %dma_start3A_85 = arith.constant 0 : i32
      %dma_start3A_86 = arith.constant 0 : i32
      %dma_start3A_87 = arith.constant 0 : i32
      %dma_start3A_88 = arith.constant 0 : i32
      %dma_start3A_89 = arith.constant 0 : i32
      %dma_start3A_90 = arith.constant 0 : i32
      %dma_start3A_91 = tpu.memref_slice %arg8[%dma_start3A_87, %dma_start3A_88, %dma_start3A_89, %dma_start3A_90] : memref<4x4x128x16xi32, #tpu.memory_space<vmem>> -> memref<1x1x128x16xi32, #tpu.memory_space<vmem>>
      %dma_start3A_92 = tpu.memref_squeeze %dma_start3A_91 : memref<1x1x128x16xi32, #tpu.memory_space<vmem>> -> memref<128x16xi32, #tpu.memory_space<vmem>>
      %dma_start3A_93 = arith.constant 0 : i32
      %dma_start3A_94 = tpu.memref_slice %arg6[%rem3A_46, %dma_start3A_85, %dma_start3A_86, %dma_start3A_93] : memref<2x32x4x128xi32, #tpu.memory_space<vmem>> -> memref<1x1x1x128xi32, #tpu.memory_space<vmem>>
      %dma_start3A_95 = tpu.memref_squeeze %dma_start3A_94 : memref<1x1x1x128xi32, #tpu.memory_space<vmem>> -> memref<128xi32, #tpu.memory_space<vmem>>
      %dma_start3A_96 = arith.constant 0 : i32
      %dma_start3A_97 = arith.constant 0 : i32
      %dma_start3A_98 = tpu.memref_slice %arg2[%dma_start3A_96, %dma_start3A_97] : memref<348160x16xi32, #tpu.memory_space<hbm>> -> memref<348160x16xi32, #tpu.memory_space<hbm>>
      tpu.enqueue_indirect_dma source(%dma_start3A_98 : memref<348160x16xi32, #tpu.memory_space<hbm>>) target(%dma_start3A_92 : memref<128x16xi32, #tpu.memory_space<vmem>>) offsets(%dma_start3A_95 : memref<128xi32, #tpu.memory_space<vmem>>) semaphore(%arg10 : memref<!tpu.dma_semaphore, #tpu.memory_space<semaphore_mem>>)
      %dma_start3A_99 = arith.constant 0 : i32
      %dma_start3A_100 = arith.constant 1 : i32
      %dma_start3A_101 = arith.constant 0 : i32
      %dma_start3A_102 = arith.constant 1 : i32
      %dma_start3A_103 = arith.constant 0 : i32
      %dma_start3A_104 = arith.constant 0 : i32
      %dma_start3A_105 = tpu.memref_slice %arg8[%dma_start3A_101, %dma_start3A_102, %dma_start3A_103, %dma_start3A_104] : memref<4x4x128x16xi32, #tpu.memory_space<vmem>> -> memref<1x1x128x16xi32, #tpu.memory_space<vmem>>
      %dma_start3A_106 = tpu.memref_squeeze %dma_start3A_105 : memref<1x1x128x16xi32, #tpu.memory_space<vmem>> -> memref<128x16xi32, #tpu.memory_space<vmem>>
      %dma_start3A_107 = arith.constant 0 : i32
      %dma_start3A_108 = tpu.memref_slice %arg6[%rem3A_46, %dma_start3A_99, %dma_start3A_100, %dma_start3A_107] : memref<2x32x4x128xi32, #tpu.memory_space<vmem>> -> memref<1x1x1x128xi32, #tpu.memory_space<vmem>>
      %dma_start3A_109 = tpu.memref_squeeze %dma_start3A_108 : memref<1x1x1x128xi32, #tpu.memory_space<vmem>> -> memref<128xi32, #tpu.memory_space<vmem>>
      %dma_start3A_110 = arith.constant 0 : i32
      %dma_start3A_111 = arith.constant 0 : i32
      %dma_start3A_112 = tpu.memref_slice %arg2[%dma_start3A_110, %dma_start3A_111] : memref<348160x16xi32, #tpu.memory_space<hbm>> -> memref<348160x16xi32, #tpu.memory_space<hbm>>
      tpu.enqueue_indirect_dma source(%dma_start3A_112 : memref<348160x16xi32, #tpu.memory_space<hbm>>) target(%dma_start3A_106 : memref<128x16xi32, #tpu.memory_space<vmem>>) offsets(%dma_start3A_109 : memref<128xi32, #tpu.memory_space<vmem>>) semaphore(%arg10 : memref<!tpu.dma_semaphore, #tpu.memory_space<semaphore_mem>>)
      %dma_start3A_113 = arith.constant 0 : i32
      %dma_start3A_114 = arith.constant 2 : i32
      %dma_start3A_115 = arith.constant 0 : i32
      %dma_start3A_116 = arith.constant 2 : i32
      %dma_start3A_117 = arith.constant 0 : i32
      %dma_start3A_118 = arith.constant 0 : i32
      %dma_start3A_119 = tpu.memref_slice %arg8[%dma_start3A_115, %dma_start3A_116, %dma_start3A_117, %dma_start3A_118] : memref<4x4x128x16xi32, #tpu.memory_space<vmem>> -> memref<1x1x128x16xi32, #tpu.memory_space<vmem>>
      %dma_start3A_120 = tpu.memref_squeeze %dma_start3A_119 : memref<1x1x128x16xi32, #tpu.memory_space<vmem>> -> memref<128x16xi32, #tpu.memory_space<vmem>>
      %dma_start3A_121 = arith.constant 0 : i32
      %dma_start3A_122 = tpu.memref_slice %arg6[%rem3A_46, %dma_start3A_113, %dma_start3A_114, %dma_start3A_121] : memref<2x32x4x128xi32, #tpu.memory_space<vmem>> -> memref<1x1x1x128xi32, #tpu.memory_space<vmem>>
      %dma_start3A_123 = tpu.memref_squeeze %dma_start3A_122 : memref<1x1x1x128xi32, #tpu.memory_space<vmem>> -> memref<128xi32, #tpu.memory_space<vmem>>
      %dma_start3A_124 = arith.constant 0 : i32
      %dma_start3A_125 = arith.constant 0 : i32
      %dma_start3A_126 = tpu.memref_slice %arg2[%dma_start3A_124, %dma_start3A_125] : memref<348160x16xi32, #tpu.memory_space<hbm>> -> memref<348160x16xi32, #tpu.memory_space<hbm>>
      tpu.enqueue_indirect_dma source(%dma_start3A_126 : memref<348160x16xi32, #tpu.memory_space<hbm>>) target(%dma_start3A_120 : memref<128x16xi32, #tpu.memory_space<vmem>>) offsets(%dma_start3A_123 : memref<128xi32, #tpu.memory_space<vmem>>) semaphore(%arg10 : memref<!tpu.dma_semaphore, #tpu.memory_space<semaphore_mem>>)
      %dma_start3A_127 = arith.constant 0 : i32
      %dma_start3A_128 = arith.constant 3 : i32
      %dma_start3A_129 = arith.constant 0 : i32
      %dma_start3A_130 = arith.constant 3 : i32
      %dma_start3A_131 = arith.constant 0 : i32
      %dma_start3A_132 = arith.constant 0 : i32
      %dma_start3A_133 = tpu.memref_slice %arg8[%dma_start3A_129, %dma_start3A_130, %dma_start3A_131, %dma_start3A_132] : memref<4x4x128x16xi32, #tpu.memory_space<vmem>> -> memref<1x1x128x16xi32, #tpu.memory_space<vmem>>
      %dma_start3A_134 = tpu.memref_squeeze %dma_start3A_133 : memref<1x1x128x16xi32, #tpu.memory_space<vmem>> -> memref<128x16xi32, #tpu.memory_space<vmem>>
      %dma_start3A_135 = arith.constant 0 : i32
      %dma_start3A_136 = tpu.memref_slice %arg6[%rem3A_46, %dma_start3A_127, %dma_start3A_128, %dma_start3A_135] : memref<2x32x4x128xi32, #tpu.memory_space<vmem>> -> memref<1x1x1x128xi32, #tpu.memory_space<vmem>>
      %dma_start3A_137 = tpu.memref_squeeze %dma_start3A_136 : memref<1x1x1x128xi32, #tpu.memory_space<vmem>> -> memref<128xi32, #tpu.memory_space<vmem>>
      %dma_start3A_138 = arith.constant 0 : i32
      %dma_start3A_139 = arith.constant 0 : i32
      %dma_start3A_140 = tpu.memref_slice %arg2[%dma_start3A_138, %dma_start3A_139] : memref<348160x16xi32, #tpu.memory_space<hbm>> -> memref<348160x16xi32, #tpu.memory_space<hbm>>
      tpu.enqueue_indirect_dma source(%dma_start3A_140 : memref<348160x16xi32, #tpu.memory_space<hbm>>) target(%dma_start3A_134 : memref<128x16xi32, #tpu.memory_space<vmem>>) offsets(%dma_start3A_137 : memref<128xi32, #tpu.memory_space<vmem>>) semaphore(%arg10 : memref<!tpu.dma_semaphore, #tpu.memory_space<semaphore_mem>>)
      %dma_start3A_141 = arith.constant 1 : i32
      %dma_start3A_142 = arith.constant 0 : i32
      %dma_start3A_143 = arith.constant 1 : i32
      %dma_start3A_144 = arith.constant 0 : i32
      %dma_start3A_145 = arith.constant 0 : i32
      %dma_start3A_146 = arith.constant 0 : i32
      %dma_start3A_147 = tpu.memref_slice %arg8[%dma_start3A_143, %dma_start3A_144, %dma_start3A_145, %dma_start3A_146] : memref<4x4x128x16xi32, #tpu.memory_space<vmem>> -> memref<1x1x128x16xi32, #tpu.memory_space<vmem>>
      %dma_start3A_148 = tpu.memref_squeeze %dma_start3A_147 : memref<1x1x128x16xi32, #tpu.memory_space<vmem>> -> memref<128x16xi32, #tpu.memory_space<vmem>>
      %dma_start3A_149 = arith.constant 0 : i32
      %dma_start3A_150 = tpu.memref_slice %arg6[%rem3A_46, %dma_start3A_141, %dma_start3A_142, %dma_start3A_149] : memref<2x32x4x128xi32, #tpu.memory_space<vmem>> -> memref<1x1x1x128xi32, #tpu.memory_space<vmem>>
      %dma_start3A_151 = tpu.memref_squeeze %dma_start3A_150 : memref<1x1x1x128xi32, #tpu.memory_space<vmem>> -> memref<128xi32, #tpu.memory_space<vmem>>
      %dma_start3A_152 = arith.constant 0 : i32
      %dma_start3A_153 = arith.constant 0 : i32
      %dma_start3A_154 = tpu.memref_slice %arg2[%dma_start3A_152, %dma_start3A_153] : memref<348160x16xi32, #tpu.memory_space<hbm>> -> memref<348160x16xi32, #tpu.memory_space<hbm>>
      tpu.enqueue_indirect_dma source(%dma_start3A_154 : memref<348160x16xi32, #tpu.memory_space<hbm>>) target(%dma_start3A_148 : memref<128x16xi32, #tpu.memory_space<vmem>>) offsets(%dma_start3A_151 : memref<128xi32, #tpu.memory_space<vmem>>) semaphore(%arg10 : memref<!tpu.dma_semaphore, #tpu.memory_space<semaphore_mem>>)
      %dma_start3A_155 = arith.constant 1 : i32
      %dma_start3A_156 = arith.constant 1 : i32
      %dma_start3A_157 = arith.constant 1 : i32
      %dma_start3A_158 = arith.constant 1 : i32
      %dma_start3A_159 = arith.constant 0 : i32
      %dma_start3A_160 = arith.constant 0 : i32
      %dma_start3A_161 = tpu.memref_slice %arg8[%dma_start3A_157, %dma_start3A_158, %dma_start3A_159, %dma_start3A_160] : memref<4x4x128x16xi32, #tpu.memory_space<vmem>> -> memref<1x1x128x16xi32, #tpu.memory_space<vmem>>
      %dma_start3A_162 = tpu.memref_squeeze %dma_start3A_161 : memref<1x1x128x16xi32, #tpu.memory_space<vmem>> -> memref<128x16xi32, #tpu.memory_space<vmem>>
      %dma_start3A_163 = arith.constant 0 : i32
      %dma_start3A_164 = tpu.memref_slice %arg6[%rem3A_46, %dma_start3A_155, %dma_start3A_156, %dma_start3A_163] : memref<2x32x4x128xi32, #tpu.memory_space<vmem>> -> memref<1x1x1x128xi32, #tpu.memory_space<vmem>>
      %dma_start3A_165 = tpu.memref_squeeze %dma_start3A_164 : memref<1x1x1x128xi32, #tpu.memory_space<vmem>> -> memref<128xi32, #tpu.memory_space<vmem>>
      %dma_start3A_166 = arith.constant 0 : i32
      %dma_start3A_167 = arith.constant 0 : i32
      %dma_start3A_168 = tpu.memref_slice %arg2[%dma_start3A_166, %dma_start3A_167] : memref<348160x16xi32, #tpu.memory_space<hbm>> -> memref<348160x16xi32, #tpu.memory_space<hbm>>
      tpu.enqueue_indirect_dma source(%dma_start3A_168 : memref<348160x16xi32, #tpu.memory_space<hbm>>) target(%dma_start3A_162 : memref<128x16xi32, #tpu.memory_space<vmem>>) offsets(%dma_start3A_165 : memref<128xi32, #tpu.memory_space<vmem>>) semaphore(%arg10 : memref<!tpu.dma_semaphore, #tpu.memory_space<semaphore_mem>>)
      %dma_start3A_169 = arith.constant 1 : i32
      %dma_start3A_170 = arith.constant 2 : i32
      %dma_start3A_171 = arith.constant 1 : i32
      %dma_start3A_172 = arith.constant 2 : i32
      %dma_start3A_173 = arith.constant 0 : i32
      %dma_start3A_174 = arith.constant 0 : i32
      %dma_start3A_175 = tpu.memref_slice %arg8[%dma_start3A_171, %dma_start3A_172, %dma_start3A_173, %dma_start3A_174] : memref<4x4x128x16xi32, #tpu.memory_space<vmem>> -> memref<1x1x128x16xi32, #tpu.memory_space<vmem>>
      %dma_start3A_176 = tpu.memref_squeeze %dma_start3A_175 : memref<1x1x128x16xi32, #tpu.memory_space<vmem>> -> memref<128x16xi32, #tpu.memory_space<vmem>>
      %dma_start3A_177 = arith.constant 0 : i32
      %dma_start3A_178 = tpu.memref_slice %arg6[%rem3A_46, %dma_start3A_169, %dma_start3A_170, %dma_start3A_177] : memref<2x32x4x128xi32, #tpu.memory_space<vmem>> -> memref<1x1x1x128xi32, #tpu.memory_space<vmem>>
      %dma_start3A_179 = tpu.memref_squeeze %dma_start3A_178 : memref<1x1x1x128xi32, #tpu.memory_space<vmem>> -> memref<128xi32, #tpu.memory_space<vmem>>
      %dma_start3A_180 = arith.constant 0 : i32
      %dma_start3A_181 = arith.constant 0 : i32
      %dma_start3A_182 = tpu.memref_slice %arg2[%dma_start3A_180, %dma_start3A_181] : memref<348160x16xi32, #tpu.memory_space<hbm>> -> memref<348160x16xi32, #tpu.memory_space<hbm>>
      tpu.enqueue_indirect_dma source(%dma_start3A_182 : memref<348160x16xi32, #tpu.memory_space<hbm>>) target(%dma_start3A_176 : memref<128x16xi32, #tpu.memory_space<vmem>>) offsets(%dma_start3A_179 : memref<128xi32, #tpu.memory_space<vmem>>) semaphore(%arg10 : memref<!tpu.dma_semaphore, #tpu.memory_space<semaphore_mem>>)
      %dma_start3A_183 = arith.constant 1 : i32
      %dma_start3A_184 = arith.constant 3 : i32
      %dma_start3A_185 = arith.constant 1 : i32
      %dma_start3A_186 = arith.constant 3 : i32
      %dma_start3A_187 = arith.constant 0 : i32
      %dma_start3A_188 = arith.constant 0 : i32
      %dma_start3A_189 = tpu.memref_slice %arg8[%dma_start3A_185, %dma_start3A_186, %dma_start3A_187, %dma_start3A_188] : memref<4x4x128x16xi32, #tpu.memory_space<vmem>> -> memref<1x1x128x16xi32, #tpu.memory_space<vmem>>
      %dma_start3A_190 = tpu.memref_squeeze %dma_start3A_189 : memref<1x1x128x16xi32, #tpu.memory_space<vmem>> -> memref<128x16xi32, #tpu.memory_space<vmem>>
      %dma_start3A_191 = arith.constant 0 : i32
      %dma_start3A_192 = tpu.memref_slice %arg6[%rem3A_46, %dma_start3A_183, %dma_start3A_184, %dma_start3A_191] : memref<2x32x4x128xi32, #tpu.memory_space<vmem>> -> memref<1x1x1x128xi32, #tpu.memory_space<vmem>>
      %dma_start3A_193 = tpu.memref_squeeze %dma_start3A_192 : memref<1x1x1x128xi32, #tpu.memory_space<vmem>> -> memref<128xi32, #tpu.memory_space<vmem>>
      %dma_start3A_194 = arith.constant 0 : i32
      %dma_start3A_195 = arith.constant 0 : i32
      %dma_start3A_196 = tpu.memref_slice %arg2[%dma_start3A_194, %dma_start3A_195] : memref<348160x16xi32, #tpu.memory_space<hbm>> -> memref<348160x16xi32, #tpu.memory_space<hbm>>
      tpu.enqueue_indirect_dma source(%dma_start3A_196 : memref<348160x16xi32, #tpu.memory_space<hbm>>) target(%dma_start3A_190 : memref<128x16xi32, #tpu.memory_space<vmem>>) offsets(%dma_start3A_193 : memref<128xi32, #tpu.memory_space<vmem>>) semaphore(%arg10 : memref<!tpu.dma_semaphore, #tpu.memory_space<semaphore_mem>>)
      %dma_start3A_197 = arith.constant 2 : i32
      %dma_start3A_198 = arith.constant 0 : i32
      %dma_start3A_199 = arith.constant 2 : i32
      %dma_start3A_200 = arith.constant 0 : i32
      %dma_start3A_201 = arith.constant 0 : i32
      %dma_start3A_202 = arith.constant 0 : i32
      %dma_start3A_203 = tpu.memref_slice %arg8[%dma_start3A_199, %dma_start3A_200, %dma_start3A_201, %dma_start3A_202] : memref<4x4x128x16xi32, #tpu.memory_space<vmem>> -> memref<1x1x128x16xi32, #tpu.memory_space<vmem>>
      %dma_start3A_204 = tpu.memref_squeeze %dma_start3A_203 : memref<1x1x128x16xi32, #tpu.memory_space<vmem>> -> memref<128x16xi32, #tpu.memory_space<vmem>>
      %dma_start3A_205 = arith.constant 0 : i32
      %dma_start3A_206 = tpu.memref_slice %arg6[%rem3A_46, %dma_start3A_197, %dma_start3A_198, %dma_start3A_205] : memref<2x32x4x128xi32, #tpu.memory_space<vmem>> -> memref<1x1x1x128xi32, #tpu.memory_space<vmem>>
      %dma_start3A_207 = tpu.memref_squeeze %dma_start3A_206 : memref<1x1x1x128xi32, #tpu.memory_space<vmem>> -> memref<128xi32, #tpu.memory_space<vmem>>
      %dma_start3A_208 = arith.constant 0 : i32
      %dma_start3A_209 = arith.constant 0 : i32
      %dma_start3A_210 = tpu.memref_slice %arg2[%dma_start3A_208, %dma_start3A_209] : memref<348160x16xi32, #tpu.memory_space<hbm>> -> memref<348160x16xi32, #tpu.memory_space<hbm>>
      tpu.enqueue_indirect_dma source(%dma_start3A_210 : memref<348160x16xi32, #tpu.memory_space<hbm>>) target(%dma_start3A_204 : memref<128x16xi32, #tpu.memory_space<vmem>>) offsets(%dma_start3A_207 : memref<128xi32, #tpu.memory_space<vmem>>) semaphore(%arg10 : memref<!tpu.dma_semaphore, #tpu.memory_space<semaphore_mem>>)
      %dma_start3A_211 = arith.constant 2 : i32
      %dma_start3A_212 = arith.constant 1 : i32
      %dma_start3A_213 = arith.constant 2 : i32
      %dma_start3A_214 = arith.constant 1 : i32
      %dma_start3A_215 = arith.constant 0 : i32
      %dma_start3A_216 = arith.constant 0 : i32
      %dma_start3A_217 = tpu.memref_slice %arg8[%dma_start3A_213, %dma_start3A_214, %dma_start3A_215, %dma_start3A_216] : memref<4x4x128x16xi32, #tpu.memory_space<vmem>> -> memref<1x1x128x16xi32, #tpu.memory_space<vmem>>
      %dma_start3A_218 = tpu.memref_squeeze %dma_start3A_217 : memref<1x1x128x16xi32, #tpu.memory_space<vmem>> -> memref<128x16xi32, #tpu.memory_space<vmem>>
      %dma_start3A_219 = arith.constant 0 : i32
      %dma_start3A_220 = tpu.memref_slice %arg6[%rem3A_46, %dma_start3A_211, %dma_start3A_212, %dma_start3A_219] : memref<2x32x4x128xi32, #tpu.memory_space<vmem>> -> memref<1x1x1x128xi32, #tpu.memory_space<vmem>>
      %dma_start3A_221 = tpu.memref_squeeze %dma_start3A_220 : memref<1x1x1x128xi32, #tpu.memory_space<vmem>> -> memref<128xi32, #tpu.memory_space<vmem>>
      %dma_start3A_222 = arith.constant 0 : i32
      %dma_start3A_223 = arith.constant 0 : i32
      %dma_start3A_224 = tpu.memref_slice %arg2[%dma_start3A_222, %dma_start3A_223] : memref<348160x16xi32, #tpu.memory_space<hbm>> -> memref<348160x16xi32, #tpu.memory_space<hbm>>
      tpu.enqueue_indirect_dma source(%dma_start3A_224 : memref<348160x16xi32, #tpu.memory_space<hbm>>) target(%dma_start3A_218 : memref<128x16xi32, #tpu.memory_space<vmem>>) offsets(%dma_start3A_221 : memref<128xi32, #tpu.memory_space<vmem>>) semaphore(%arg10 : memref<!tpu.dma_semaphore, #tpu.memory_space<semaphore_mem>>)
      %dma_start3A_225 = arith.constant 2 : i32
      %dma_start3A_226 = arith.constant 2 : i32
      %dma_start3A_227 = arith.constant 2 : i32
      %dma_start3A_228 = arith.constant 2 : i32
      %dma_start3A_229 = arith.constant 0 : i32
      %dma_start3A_230 = arith.constant 0 : i32
      %dma_start3A_231 = tpu.memref_slice %arg8[%dma_start3A_227, %dma_start3A_228, %dma_start3A_229, %dma_start3A_230] : memref<4x4x128x16xi32, #tpu.memory_space<vmem>> -> memref<1x1x128x16xi32, #tpu.memory_space<vmem>>
      %dma_start3A_232 = tpu.memref_squeeze %dma_start3A_231 : memref<1x1x128x16xi32, #tpu.memory_space<vmem>> -> memref<128x16xi32, #tpu.memory_space<vmem>>
      %dma_start3A_233 = arith.constant 0 : i32
      %dma_start3A_234 = tpu.memref_slice %arg6[%rem3A_46, %dma_start3A_225, %dma_start3A_226, %dma_start3A_233] : memref<2x32x4x128xi32, #tpu.memory_space<vmem>> -> memref<1x1x1x128xi32, #tpu.memory_space<vmem>>
      %dma_start3A_235 = tpu.memref_squeeze %dma_start3A_234 : memref<1x1x1x128xi32, #tpu.memory_space<vmem>> -> memref<128xi32, #tpu.memory_space<vmem>>
      %dma_start3A_236 = arith.constant 0 : i32
      %dma_start3A_237 = arith.constant 0 : i32
      %dma_start3A_238 = tpu.memref_slice %arg2[%dma_start3A_236, %dma_start3A_237] : memref<348160x16xi32, #tpu.memory_space<hbm>> -> memref<348160x16xi32, #tpu.memory_space<hbm>>
      tpu.enqueue_indirect_dma source(%dma_start3A_238 : memref<348160x16xi32, #tpu.memory_space<hbm>>) target(%dma_start3A_232 : memref<128x16xi32, #tpu.memory_space<vmem>>) offsets(%dma_start3A_235 : memref<128xi32, #tpu.memory_space<vmem>>) semaphore(%arg10 : memref<!tpu.dma_semaphore, #tpu.memory_space<semaphore_mem>>)
      %dma_start3A_239 = arith.constant 2 : i32
      %dma_start3A_240 = arith.constant 3 : i32
      %dma_start3A_241 = arith.constant 2 : i32
      %dma_start3A_242 = arith.constant 3 : i32
      %dma_start3A_243 = arith.constant 0 : i32
      %dma_start3A_244 = arith.constant 0 : i32
      %dma_start3A_245 = tpu.memref_slice %arg8[%dma_start3A_241, %dma_start3A_242, %dma_start3A_243, %dma_start3A_244] : memref<4x4x128x16xi32, #tpu.memory_space<vmem>> -> memref<1x1x128x16xi32, #tpu.memory_space<vmem>>
      %dma_start3A_246 = tpu.memref_squeeze %dma_start3A_245 : memref<1x1x128x16xi32, #tpu.memory_space<vmem>> -> memref<128x16xi32, #tpu.memory_space<vmem>>
      %dma_start3A_247 = arith.constant 0 : i32
      %dma_start3A_248 = tpu.memref_slice %arg6[%rem3A_46, %dma_start3A_239, %dma_start3A_240, %dma_start3A_247] : memref<2x32x4x128xi32, #tpu.memory_space<vmem>> -> memref<1x1x1x128xi32, #tpu.memory_space<vmem>>
      %dma_start3A_249 = tpu.memref_squeeze %dma_start3A_248 : memref<1x1x1x128xi32, #tpu.memory_space<vmem>> -> memref<128xi32, #tpu.memory_space<vmem>>
      %dma_start3A_250 = arith.constant 0 : i32
      %dma_start3A_251 = arith.constant 0 : i32
      %dma_start3A_252 = tpu.memref_slice %arg2[%dma_start3A_250, %dma_start3A_251] : memref<348160x16xi32, #tpu.memory_space<hbm>> -> memref<348160x16xi32, #tpu.memory_space<hbm>>
      tpu.enqueue_indirect_dma source(%dma_start3A_252 : memref<348160x16xi32, #tpu.memory_space<hbm>>) target(%dma_start3A_246 : memref<128x16xi32, #tpu.memory_space<vmem>>) offsets(%dma_start3A_249 : memref<128xi32, #tpu.memory_space<vmem>>) semaphore(%arg10 : memref<!tpu.dma_semaphore, #tpu.memory_space<semaphore_mem>>)
      %scan3A_253 = arith.constant 0 : i32
      %scan3A_254 = arith.constant 0 : i32
      %scan3A_255 = arith.constant 32 : i32
      %scan3A_256 = arith.addi %scan3A_254, %scan3A_255 : i32
      %scan3A_257 = arith.constant 1 : i32
      scf.for %scan3A_259 = %scan3A_254 to %scan3A_256 step %scan3A_257  : i32 {
        %rem3A_260 = arith.constant 4 : i32
        %rem3A_261 = arith.remsi %scan3A_259, %rem3A_260 : i32
        %add3A_262 = arith.constant 3 : i32
        %add3A_263 = arith.addi %scan3A_259, %add3A_262 : i32
        %lt3A_264 = arith.constant 32 : i32
        %lt3A_265 = arith.cmpi slt, %add3A_263, %lt3A_264 : i32
        %convert_element_type3A_266 = arith.extui %lt3A_265 : i1 to i32
        %cond3A_267 = arith.constant 0 : i32
        %cond3A_268 = arith.cmpi ne, %convert_element_type3A_266, %cond3A_267 : i32
        scf.if %cond3A_268 {
          %add3A_580 = arith.constant 3 : i32
          %add3A_581 = arith.addi %scan3A_259, %add3A_580 : i32
          %add3A_582 = arith.constant 3 : i32
          %add3A_583 = arith.addi %scan3A_259, %add3A_582 : i32
          %rem3A_584 = arith.constant 4 : i32
          %rem3A_585 = arith.remsi %add3A_583, %rem3A_584 : i32
          %dma_start3A_586 = arith.constant 0 : i32
          %dma_start3A_587 = arith.constant 0 : i32
          %dma_start3A_588 = arith.constant 0 : i32
          %dma_start3A_589 = arith.constant 0 : i32
          %dma_start3A_590 = tpu.memref_slice %arg8[%rem3A_585, %dma_start3A_587, %dma_start3A_588, %dma_start3A_589] : memref<4x4x128x16xi32, #tpu.memory_space<vmem>> -> memref<1x1x128x16xi32, #tpu.memory_space<vmem>>
          %dma_start3A_591 = tpu.memref_squeeze %dma_start3A_590 : memref<1x1x128x16xi32, #tpu.memory_space<vmem>> -> memref<128x16xi32, #tpu.memory_space<vmem>>
          %dma_start3A_592 = arith.constant 0 : i32
          %dma_start3A_593 = tpu.memref_slice %arg6[%rem3A_46, %add3A_581, %dma_start3A_586, %dma_start3A_592] : memref<2x32x4x128xi32, #tpu.memory_space<vmem>> -> memref<1x1x1x128xi32, #tpu.memory_space<vmem>>
          %dma_start3A_594 = tpu.memref_squeeze %dma_start3A_593 : memref<1x1x1x128xi32, #tpu.memory_space<vmem>> -> memref<128xi32, #tpu.memory_space<vmem>>
          %dma_start3A_595 = arith.constant 0 : i32
          %dma_start3A_596 = arith.constant 0 : i32
          %dma_start3A_597 = tpu.memref_slice %arg2[%dma_start3A_595, %dma_start3A_596] : memref<348160x16xi32, #tpu.memory_space<hbm>> -> memref<348160x16xi32, #tpu.memory_space<hbm>>
          tpu.enqueue_indirect_dma source(%dma_start3A_597 : memref<348160x16xi32, #tpu.memory_space<hbm>>) target(%dma_start3A_591 : memref<128x16xi32, #tpu.memory_space<vmem>>) offsets(%dma_start3A_594 : memref<128xi32, #tpu.memory_space<vmem>>) semaphore(%arg10 : memref<!tpu.dma_semaphore, #tpu.memory_space<semaphore_mem>>)
          %dma_start3A_598 = arith.constant 1 : i32
          %dma_start3A_599 = arith.constant 1 : i32
          %dma_start3A_600 = arith.constant 0 : i32
          %dma_start3A_601 = arith.constant 0 : i32
          %dma_start3A_602 = tpu.memref_slice %arg8[%rem3A_585, %dma_start3A_599, %dma_start3A_600, %dma_start3A_601] : memref<4x4x128x16xi32, #tpu.memory_space<vmem>> -> memref<1x1x128x16xi32, #tpu.memory_space<vmem>>
          %dma_start3A_603 = tpu.memref_squeeze %dma_start3A_602 : memref<1x1x128x16xi32, #tpu.memory_space<vmem>> -> memref<128x16xi32, #tpu.memory_space<vmem>>
          %dma_start3A_604 = arith.constant 0 : i32
          %dma_start3A_605 = tpu.memref_slice %arg6[%rem3A_46, %add3A_581, %dma_start3A_598, %dma_start3A_604] : memref<2x32x4x128xi32, #tpu.memory_space<vmem>> -> memref<1x1x1x128xi32, #tpu.memory_space<vmem>>
          %dma_start3A_606 = tpu.memref_squeeze %dma_start3A_605 : memref<1x1x1x128xi32, #tpu.memory_space<vmem>> -> memref<128xi32, #tpu.memory_space<vmem>>
          %dma_start3A_607 = arith.constant 0 : i32
          %dma_start3A_608 = arith.constant 0 : i32
          %dma_start3A_609 = tpu.memref_slice %arg2[%dma_start3A_607, %dma_start3A_608] : memref<348160x16xi32, #tpu.memory_space<hbm>> -> memref<348160x16xi32, #tpu.memory_space<hbm>>
          tpu.enqueue_indirect_dma source(%dma_start3A_609 : memref<348160x16xi32, #tpu.memory_space<hbm>>) target(%dma_start3A_603 : memref<128x16xi32, #tpu.memory_space<vmem>>) offsets(%dma_start3A_606 : memref<128xi32, #tpu.memory_space<vmem>>) semaphore(%arg10 : memref<!tpu.dma_semaphore, #tpu.memory_space<semaphore_mem>>)
          %dma_start3A_610 = arith.constant 2 : i32
          %dma_start3A_611 = arith.constant 2 : i32
          %dma_start3A_612 = arith.constant 0 : i32
          %dma_start3A_613 = arith.constant 0 : i32
          %dma_start3A_614 = tpu.memref_slice %arg8[%rem3A_585, %dma_start3A_611, %dma_start3A_612, %dma_start3A_613] : memref<4x4x128x16xi32, #tpu.memory_space<vmem>> -> memref<1x1x128x16xi32, #tpu.memory_space<vmem>>
          %dma_start3A_615 = tpu.memref_squeeze %dma_start3A_614 : memref<1x1x128x16xi32, #tpu.memory_space<vmem>> -> memref<128x16xi32, #tpu.memory_space<vmem>>
          %dma_start3A_616 = arith.constant 0 : i32
          %dma_start3A_617 = tpu.memref_slice %arg6[%rem3A_46, %add3A_581, %dma_start3A_610, %dma_start3A_616] : memref<2x32x4x128xi32, #tpu.memory_space<vmem>> -> memref<1x1x1x128xi32, #tpu.memory_space<vmem>>
          %dma_start3A_618 = tpu.memref_squeeze %dma_start3A_617 : memref<1x1x1x128xi32, #tpu.memory_space<vmem>> -> memref<128xi32, #tpu.memory_space<vmem>>
          %dma_start3A_619 = arith.constant 0 : i32
          %dma_start3A_620 = arith.constant 0 : i32
          %dma_start3A_621 = tpu.memref_slice %arg2[%dma_start3A_619, %dma_start3A_620] : memref<348160x16xi32, #tpu.memory_space<hbm>> -> memref<348160x16xi32, #tpu.memory_space<hbm>>
          tpu.enqueue_indirect_dma source(%dma_start3A_621 : memref<348160x16xi32, #tpu.memory_space<hbm>>) target(%dma_start3A_615 : memref<128x16xi32, #tpu.memory_space<vmem>>) offsets(%dma_start3A_618 : memref<128xi32, #tpu.memory_space<vmem>>) semaphore(%arg10 : memref<!tpu.dma_semaphore, #tpu.memory_space<semaphore_mem>>)
          %dma_start3A_622 = arith.constant 3 : i32
          %dma_start3A_623 = arith.constant 3 : i32
          %dma_start3A_624 = arith.constant 0 : i32
          %dma_start3A_625 = arith.constant 0 : i32
          %dma_start3A_626 = tpu.memref_slice %arg8[%rem3A_585, %dma_start3A_623, %dma_start3A_624, %dma_start3A_625] : memref<4x4x128x16xi32, #tpu.memory_space<vmem>> -> memref<1x1x128x16xi32, #tpu.memory_space<vmem>>
          %dma_start3A_627 = tpu.memref_squeeze %dma_start3A_626 : memref<1x1x128x16xi32, #tpu.memory_space<vmem>> -> memref<128x16xi32, #tpu.memory_space<vmem>>
          %dma_start3A_628 = arith.constant 0 : i32
          %dma_start3A_629 = tpu.memref_slice %arg6[%rem3A_46, %add3A_581, %dma_start3A_622, %dma_start3A_628] : memref<2x32x4x128xi32, #tpu.memory_space<vmem>> -> memref<1x1x1x128xi32, #tpu.memory_space<vmem>>
          %dma_start3A_630 = tpu.memref_squeeze %dma_start3A_629 : memref<1x1x1x128xi32, #tpu.memory_space<vmem>> -> memref<128xi32, #tpu.memory_space<vmem>>
          %dma_start3A_631 = arith.constant 0 : i32
          %dma_start3A_632 = arith.constant 0 : i32
          %dma_start3A_633 = tpu.memref_slice %arg2[%dma_start3A_631, %dma_start3A_632] : memref<348160x16xi32, #tpu.memory_space<hbm>> -> memref<348160x16xi32, #tpu.memory_space<hbm>>
          tpu.enqueue_indirect_dma source(%dma_start3A_633 : memref<348160x16xi32, #tpu.memory_space<hbm>>) target(%dma_start3A_627 : memref<128x16xi32, #tpu.memory_space<vmem>>) offsets(%dma_start3A_630 : memref<128xi32, #tpu.memory_space<vmem>>) semaphore(%arg10 : memref<!tpu.dma_semaphore, #tpu.memory_space<semaphore_mem>>)
        } else {
        }
        %dma_wait3A_269 = arith.constant 0 : i32
        %dma_wait3A_270 = arith.constant 0 : i32
        %dma_wait3A_271 = arith.constant 0 : i32
        %dma_wait3A_272 = arith.constant 0 : i32
        %dma_wait3A_273 = tpu.memref_slice %arg8[%rem3A_261, %dma_wait3A_270, %dma_wait3A_271, %dma_wait3A_272] : memref<4x4x128x16xi32, #tpu.memory_space<vmem>> -> memref<1x1x128x16xi32, #tpu.memory_space<vmem>>
        %dma_wait3A_274 = tpu.memref_squeeze %dma_wait3A_273 : memref<1x1x128x16xi32, #tpu.memory_space<vmem>> -> memref<128x16xi32, #tpu.memory_space<vmem>>
        %dma_wait3A_275 = arith.constant 0 : i32
        %dma_wait3A_276 = tpu.memref_slice %arg6[%rem3A_46, %scan3A_259, %dma_wait3A_269, %dma_wait3A_275] : memref<2x32x4x128xi32, #tpu.memory_space<vmem>> -> memref<1x1x1x128xi32, #tpu.memory_space<vmem>>
        %dma_wait3A_277 = tpu.memref_squeeze %dma_wait3A_276 : memref<1x1x1x128xi32, #tpu.memory_space<vmem>> -> memref<128xi32, #tpu.memory_space<vmem>>
        %dma_wait3A_278 = arith.constant 0 : i32
        %dma_wait3A_279 = arith.constant 0 : i32
        %dma_wait3A_280 = tpu.memref_slice %arg2[%dma_wait3A_278, %dma_wait3A_279] : memref<348160x16xi32, #tpu.memory_space<hbm>> -> memref<348160x16xi32, #tpu.memory_space<hbm>>
        tpu.wait_indirect_dma semaphore(%arg10 : memref<!tpu.dma_semaphore, #tpu.memory_space<semaphore_mem>>) src(%dma_wait3A_280 : memref<348160x16xi32, #tpu.memory_space<hbm>>) dst(%dma_wait3A_274 : memref<128x16xi32, #tpu.memory_space<vmem>>)
        %dma_wait3A_281 = arith.constant 1 : i32
        %dma_wait3A_282 = arith.constant 1 : i32
        %dma_wait3A_283 = arith.constant 0 : i32
        %dma_wait3A_284 = arith.constant 0 : i32
        %dma_wait3A_285 = tpu.memref_slice %arg8[%rem3A_261, %dma_wait3A_282, %dma_wait3A_283, %dma_wait3A_284] : memref<4x4x128x16xi32, #tpu.memory_space<vmem>> -> memref<1x1x128x16xi32, #tpu.memory_space<vmem>>
        %dma_wait3A_286 = tpu.memref_squeeze %dma_wait3A_285 : memref<1x1x128x16xi32, #tpu.memory_space<vmem>> -> memref<128x16xi32, #tpu.memory_space<vmem>>
        %dma_wait3A_287 = arith.constant 0 : i32
        %dma_wait3A_288 = tpu.memref_slice %arg6[%rem3A_46, %scan3A_259, %dma_wait3A_281, %dma_wait3A_287] : memref<2x32x4x128xi32, #tpu.memory_space<vmem>> -> memref<1x1x1x128xi32, #tpu.memory_space<vmem>>
        %dma_wait3A_289 = tpu.memref_squeeze %dma_wait3A_288 : memref<1x1x1x128xi32, #tpu.memory_space<vmem>> -> memref<128xi32, #tpu.memory_space<vmem>>
        %dma_wait3A_290 = arith.constant 0 : i32
        %dma_wait3A_291 = arith.constant 0 : i32
        %dma_wait3A_292 = tpu.memref_slice %arg2[%dma_wait3A_290, %dma_wait3A_291] : memref<348160x16xi32, #tpu.memory_space<hbm>> -> memref<348160x16xi32, #tpu.memory_space<hbm>>
        tpu.wait_indirect_dma semaphore(%arg10 : memref<!tpu.dma_semaphore, #tpu.memory_space<semaphore_mem>>) src(%dma_wait3A_292 : memref<348160x16xi32, #tpu.memory_space<hbm>>) dst(%dma_wait3A_286 : memref<128x16xi32, #tpu.memory_space<vmem>>)
        %dma_wait3A_293 = arith.constant 2 : i32
        %dma_wait3A_294 = arith.constant 2 : i32
        %dma_wait3A_295 = arith.constant 0 : i32
        %dma_wait3A_296 = arith.constant 0 : i32
        %dma_wait3A_297 = tpu.memref_slice %arg8[%rem3A_261, %dma_wait3A_294, %dma_wait3A_295, %dma_wait3A_296] : memref<4x4x128x16xi32, #tpu.memory_space<vmem>> -> memref<1x1x128x16xi32, #tpu.memory_space<vmem>>
        %dma_wait3A_298 = tpu.memref_squeeze %dma_wait3A_297 : memref<1x1x128x16xi32, #tpu.memory_space<vmem>> -> memref<128x16xi32, #tpu.memory_space<vmem>>
        %dma_wait3A_299 = arith.constant 0 : i32
        %dma_wait3A_300 = tpu.memref_slice %arg6[%rem3A_46, %scan3A_259, %dma_wait3A_293, %dma_wait3A_299] : memref<2x32x4x128xi32, #tpu.memory_space<vmem>> -> memref<1x1x1x128xi32, #tpu.memory_space<vmem>>
        %dma_wait3A_301 = tpu.memref_squeeze %dma_wait3A_300 : memref<1x1x1x128xi32, #tpu.memory_space<vmem>> -> memref<128xi32, #tpu.memory_space<vmem>>
        %dma_wait3A_302 = arith.constant 0 : i32
        %dma_wait3A_303 = arith.constant 0 : i32
        %dma_wait3A_304 = tpu.memref_slice %arg2[%dma_wait3A_302, %dma_wait3A_303] : memref<348160x16xi32, #tpu.memory_space<hbm>> -> memref<348160x16xi32, #tpu.memory_space<hbm>>
        tpu.wait_indirect_dma semaphore(%arg10 : memref<!tpu.dma_semaphore, #tpu.memory_space<semaphore_mem>>) src(%dma_wait3A_304 : memref<348160x16xi32, #tpu.memory_space<hbm>>) dst(%dma_wait3A_298 : memref<128x16xi32, #tpu.memory_space<vmem>>)
        %dma_wait3A_305 = arith.constant 3 : i32
        %dma_wait3A_306 = arith.constant 3 : i32
        %dma_wait3A_307 = arith.constant 0 : i32
        %dma_wait3A_308 = arith.constant 0 : i32
        %dma_wait3A_309 = tpu.memref_slice %arg8[%rem3A_261, %dma_wait3A_306, %dma_wait3A_307, %dma_wait3A_308] : memref<4x4x128x16xi32, #tpu.memory_space<vmem>> -> memref<1x1x128x16xi32, #tpu.memory_space<vmem>>
        %dma_wait3A_310 = tpu.memref_squeeze %dma_wait3A_309 : memref<1x1x128x16xi32, #tpu.memory_space<vmem>> -> memref<128x16xi32, #tpu.memory_space<vmem>>
        %dma_wait3A_311 = arith.constant 0 : i32
        %dma_wait3A_312 = tpu.memref_slice %arg6[%rem3A_46, %scan3A_259, %dma_wait3A_305, %dma_wait3A_311] : memref<2x32x4x128xi32, #tpu.memory_space<vmem>> -> memref<1x1x1x128xi32, #tpu.memory_space<vmem>>
        %dma_wait3A_313 = tpu.memref_squeeze %dma_wait3A_312 : memref<1x1x1x128xi32, #tpu.memory_space<vmem>> -> memref<128xi32, #tpu.memory_space<vmem>>
        %dma_wait3A_314 = arith.constant 0 : i32
        %dma_wait3A_315 = arith.constant 0 : i32
        %dma_wait3A_316 = tpu.memref_slice %arg2[%dma_wait3A_314, %dma_wait3A_315] : memref<348160x16xi32, #tpu.memory_space<hbm>> -> memref<348160x16xi32, #tpu.memory_space<hbm>>
        tpu.wait_indirect_dma semaphore(%arg10 : memref<!tpu.dma_semaphore, #tpu.memory_space<semaphore_mem>>) src(%dma_wait3A_316 : memref<348160x16xi32, #tpu.memory_space<hbm>>) dst(%dma_wait3A_310 : memref<128x16xi32, #tpu.memory_space<vmem>>)
        %broadcast_in_dim3A = arith.constant 0.000000e+00 : f32
        %broadcast_in_dim3A_317 = vector.broadcast %broadcast_in_dim3A : f32 to vector<16xf32>
        %get3A = arith.index_cast %rem3A_46 : i32 to index
        %get3A_318 = arith.index_cast %scan3A_259 : i32 to index
        %get3A_319 = arith.constant 0 : index
        %get3A_320 = tpu.vector_load %arg7[%get3A, %get3A_318, %get3A_319] {strides = array<i32>} : memref<2x32x512xf32, #tpu.memory_space<vmem>>, vector<1x1x16xf32>,
        %get3A_321 = vector.shape_cast %get3A_320 : vector<1x1x16xf32> to vector<16xf32>
        %get3A_322 = arith.index_cast %rem3A_46 : i32 to index
        %get3A_323 = arith.index_cast %scan3A_259 : i32 to index
        %get3A_324 = arith.constant 16 : index
        %get3A_325 = tpu.vector_load %arg7[%get3A_322, %get3A_323, %get3A_324] {strides = array<i32>} : memref<2x32x512xf32, #tpu.memory_space<vmem>>, vector<1x1x16xf32>,
        %get3A_326 = vector.shape_cast %get3A_325 : vector<1x1x16xf32> to vector<16xf32>
        %get3A_327 = arith.index_cast %rem3A_46 : i32 to index
        %get3A_328 = arith.index_cast %scan3A_259 : i32 to index
        %get3A_329 = arith.constant 32 : index
        %get3A_330 = tpu.vector_load %arg7[%get3A_327, %get3A_328, %get3A_329] {strides = array<i32>} : memref<2x32x512xf32, #tpu.memory_space<vmem>>, vector<1x1x16xf32>,
        %get3A_331 = vector.shape_cast %get3A_330 : vector<1x1x16xf32> to vector<16xf32>
        %get3A_332 = arith.index_cast %rem3A_46 : i32 to index
        %get3A_333 = arith.index_cast %scan3A_259 : i32 to index
        %get3A_334 = arith.constant 48 : index
        %get3A_335 = tpu.vector_load %arg7[%get3A_332, %get3A_333, %get3A_334] {strides = array<i32>} : memref<2x32x512xf32, #tpu.memory_space<vmem>>, vector<1x1x16xf32>,
        %get3A_336 = vector.shape_cast %get3A_335 : vector<1x1x16xf32> to vector<16xf32>
        %get3A_337 = arith.index_cast %rem3A_46 : i32 to index
        %get3A_338 = arith.index_cast %scan3A_259 : i32 to index
        %get3A_339 = arith.constant 64 : index
        %get3A_340 = tpu.vector_load %arg7[%get3A_337, %get3A_338, %get3A_339] {strides = array<i32>} : memref<2x32x512xf32, #tpu.memory_space<vmem>>, vector<1x1x16xf32>,
        %get3A_341 = vector.shape_cast %get3A_340 : vector<1x1x16xf32> to vector<16xf32>
        %get3A_342 = arith.index_cast %rem3A_46 : i32 to index
        %get3A_343 = arith.index_cast %scan3A_259 : i32 to index
        %get3A_344 = arith.constant 80 : index
        %get3A_345 = tpu.vector_load %arg7[%get3A_342, %get3A_343, %get3A_344] {strides = array<i32>} : memref<2x32x512xf32, #tpu.memory_space<vmem>>, vector<1x1x16xf32>,
        %get3A_346 = vector.shape_cast %get3A_345 : vector<1x1x16xf32> to vector<16xf32>
        %get3A_347 = arith.index_cast %rem3A_46 : i32 to index
        %get3A_348 = arith.index_cast %scan3A_259 : i32 to index
        %get3A_349 = arith.constant 96 : index
        %get3A_350 = tpu.vector_load %arg7[%get3A_347, %get3A_348, %get3A_349] {strides = array<i32>} : memref<2x32x512xf32, #tpu.memory_space<vmem>>, vector<1x1x16xf32>,
        %get3A_351 = vector.shape_cast %get3A_350 : vector<1x1x16xf32> to vector<16xf32>
        %get3A_352 = arith.index_cast %rem3A_46 : i32 to index
        %get3A_353 = arith.index_cast %scan3A_259 : i32 to index
        %get3A_354 = arith.constant 112 : index
        %get3A_355 = tpu.vector_load %arg7[%get3A_352, %get3A_353, %get3A_354] {strides = array<i32>} : memref<2x32x512xf32, #tpu.memory_space<vmem>>, vector<1x1x16xf32>,
        %get3A_356 = vector.shape_cast %get3A_355 : vector<1x1x16xf32> to vector<16xf32>
        %scan3A_357 = arith.constant 0 : i32
        %scan3A_358 = arith.constant 16 : i32
        %scan3A_359 = arith.addi %scan3A_357, %scan3A_358 : i32
        %scan3A_360 = arith.constant 1 : i32
        %scan3A_361:16 = scf.for %scan3A_580 = %scan3A_357 to %scan3A_359 step %scan3A_360 iter_args(%scan3A_581 = %broadcast_in_dim3A_317, %scan3A_582 = %broadcast_in_dim3A_317, %scan3A_583 = %broadcast_in_dim3A_317, %scan3A_584 = %broadcast_in_dim3A_317, %scan3A_585 = %broadcast_in_dim3A_317, %scan3A_586 = %broadcast_in_dim3A_317, %scan3A_587 = %broadcast_in_dim3A_317, %scan3A_588 = %broadcast_in_dim3A_317, %scan3A_589 = %broadcast_in_dim3A_317, %scan3A_590 = %broadcast_in_dim3A_317, %scan3A_591 = %broadcast_in_dim3A_317, %scan3A_592 = %broadcast_in_dim3A_317, %scan3A_593 = %broadcast_in_dim3A_317, %scan3A_594 = %broadcast_in_dim3A_317, %scan3A_595 = %broadcast_in_dim3A_317, %scan3A_596 = %broadcast_in_dim3A_317) -> (vector<16xf32>, vector<16xf32>, vector<16xf32>, vector<16xf32>, vector<16xf32>, vector<16xf32>, vector<16xf32>, vector<16xf32>, vector<16xf32>, vector<16xf32>, vector<16xf32>, vector<16xf32>, vector<16xf32>, vector<16xf32>, vector<16xf32>, vector<16xf32>)  : i32 {
          %broadcast_in_dim3A_597 = vector.broadcast %scan3A_580 : i32 to vector<16x1xi32>
          %gather3A = vector.shape_cast %broadcast_in_dim3A_597 : vector<16x1xi32> to vector<16xi32>
          %gather3A_598 = tpu.dynamic_gather %get3A_321[%gather3A] in [0] : vector<16xf32>, vector<16xi32> -> vector<16xf32>
          %add3A_599 = arith.constant 0 : i32
          %add3A_600 = arith.addi %add3A_599, %scan3A_580 : i32
          %get3A_601 = arith.constant 0 : i32
          %get3A_602 = arith.index_cast %rem3A_261 : i32 to index
          %get3A_603 = arith.index_cast %get3A_601 : i32 to index
          %get3A_604 = arith.index_cast %add3A_600 : i32 to index
          %get3A_605 = arith.constant 0 : index
          %get3A_606 = tpu.vector_load %arg8[%get3A_602, %get3A_603, %get3A_604, %get3A_605] {strides = array<i32>} : memref<4x4x128x16xi32, #tpu.memory_space<vmem>>, vector<1x1x1x16xi32>,
          %get3A_607 = vector.shape_cast %get3A_606 : vector<1x1x1x16xi32> to vector<16xi32>
          %shift_left3A = arith.constant 16 : i32
          %shift_left3A_608 = vector.broadcast %shift_left3A : i32 to vector<16xi32>
          %shift_left3A_609 = arith.shli %get3A_607, %shift_left3A_608 : vector<16xi32>
          %bitcast_convert_type3A = tpu.bitcast %shift_left3A_609 : vector<16xi32> -> vector<16xf32>
          %and3A = arith.constant -65536 : i32
          %and3A_610 = vector.broadcast %and3A : i32 to vector<16xi32>
          %and3A_611 = arith.andi %get3A_607, %and3A_610 : vector<16xi32>
          %bitcast_convert_type3A_612 = tpu.bitcast %and3A_611 : vector<16xi32> -> vector<16xf32>
          %mul3A_613 = arith.mulf %gather3A_598, %bitcast_convert_type3A : vector<16xf32>
          %add3A_614 = arith.addf %scan3A_581, %mul3A_613 : vector<16xf32>
          %mul3A_615 = arith.mulf %gather3A_598, %bitcast_convert_type3A_612 : vector<16xf32>
          %add3A_616 = arith.addf %scan3A_582, %mul3A_615 : vector<16xf32>
          %gather3A_617 = vector.shape_cast %broadcast_in_dim3A_597 : vector<16x1xi32> to vector<16xi32>
          %gather3A_618 = tpu.dynamic_gather %get3A_326[%gather3A_617] in [0] : vector<16xf32>, vector<16xi32> -> vector<16xf32>
          %add3A_619 = arith.constant 16 : i32
          %add3A_620 = arith.addi %add3A_619, %scan3A_580 : i32
          %get3A_621 = arith.constant 0 : i32
          %get3A_622 = arith.index_cast %rem3A_261 : i32 to index
          %get3A_623 = arith.index_cast %get3A_621 : i32 to index
          %get3A_624 = arith.index_cast %add3A_620 : i32 to index
          %get3A_625 = arith.constant 0 : index
          %get3A_626 = tpu.vector_load %arg8[%get3A_622, %get3A_623, %get3A_624, %get3A_625] {strides = array<i32>} : memref<4x4x128x16xi32, #tpu.memory_space<vmem>>, vector<1x1x1x16xi32>,
          %get3A_627 = vector.shape_cast %get3A_626 : vector<1x1x1x16xi32> to vector<16xi32>
          %shift_left3A_628 = arith.constant 16 : i32
          %shift_left3A_629 = vector.broadcast %shift_left3A_628 : i32 to vector<16xi32>
          %shift_left3A_630 = arith.shli %get3A_627, %shift_left3A_629 : vector<16xi32>
          %bitcast_convert_type3A_631 = tpu.bitcast %shift_left3A_630 : vector<16xi32> -> vector<16xf32>
          %and3A_632 = arith.constant -65536 : i32
          %and3A_633 = vector.broadcast %and3A_632 : i32 to vector<16xi32>
          %and3A_634 = arith.andi %get3A_627, %and3A_633 : vector<16xi32>
          %bitcast_convert_type3A_635 = tpu.bitcast %and3A_634 : vector<16xi32> -> vector<16xf32>
          %mul3A_636 = arith.mulf %gather3A_618, %bitcast_convert_type3A_631 : vector<16xf32>
          %add3A_637 = arith.addf %scan3A_583, %mul3A_636 : vector<16xf32>
          %mul3A_638 = arith.mulf %gather3A_618, %bitcast_convert_type3A_635 : vector<16xf32>
          %add3A_639 = arith.addf %scan3A_584, %mul3A_638 : vector<16xf32>
          %gather3A_640 = vector.shape_cast %broadcast_in_dim3A_597 : vector<16x1xi32> to vector<16xi32>
          %gather3A_641 = tpu.dynamic_gather %get3A_331[%gather3A_640] in [0] : vector<16xf32>, vector<16xi32> -> vector<16xf32>
          %add3A_642 = arith.constant 32 : i32
          %add3A_643 = arith.addi %add3A_642, %scan3A_580 : i32
          %get3A_644 = arith.constant 0 : i32
          %get3A_645 = arith.index_cast %rem3A_261 : i32 to index
          %get3A_646 = arith.index_cast %get3A_644 : i32 to index
          %get3A_647 = arith.index_cast %add3A_643 : i32 to index
          %get3A_648 = arith.constant 0 : index
          %get3A_649 = tpu.vector_load %arg8[%get3A_645, %get3A_646, %get3A_647, %get3A_648] {strides = array<i32>} : memref<4x4x128x16xi32, #tpu.memory_space<vmem>>, vector<1x1x1x16xi32>,
          %get3A_650 = vector.shape_cast %get3A_649 : vector<1x1x1x16xi32> to vector<16xi32>
          %shift_left3A_651 = arith.constant 16 : i32
          %shift_left3A_652 = vector.broadcast %shift_left3A_651 : i32 to vector<16xi32>
          %shift_left3A_653 = arith.shli %get3A_650, %shift_left3A_652 : vector<16xi32>
          %bitcast_convert_type3A_654 = tpu.bitcast %shift_left3A_653 : vector<16xi32> -> vector<16xf32>
          %and3A_655 = arith.constant -65536 : i32
          %and3A_656 = vector.broadcast %and3A_655 : i32 to vector<16xi32>
          %and3A_657 = arith.andi %get3A_650, %and3A_656 : vector<16xi32>
          %bitcast_convert_type3A_658 = tpu.bitcast %and3A_657 : vector<16xi32> -> vector<16xf32>
          %mul3A_659 = arith.mulf %gather3A_641, %bitcast_convert_type3A_654 : vector<16xf32>
          %add3A_660 = arith.addf %scan3A_585, %mul3A_659 : vector<16xf32>
          %mul3A_661 = arith.mulf %gather3A_641, %bitcast_convert_type3A_658 : vector<16xf32>
          %add3A_662 = arith.addf %scan3A_586, %mul3A_661 : vector<16xf32>
          %gather3A_663 = vector.shape_cast %broadcast_in_dim3A_597 : vector<16x1xi32> to vector<16xi32>
          %gather3A_664 = tpu.dynamic_gather %get3A_336[%gather3A_663] in [0] : vector<16xf32>, vector<16xi32> -> vector<16xf32>
          %add3A_665 = arith.constant 48 : i32
          %add3A_666 = arith.addi %add3A_665, %scan3A_580 : i32
          %get3A_667 = arith.constant 0 : i32
          %get3A_668 = arith.index_cast %rem3A_261 : i32 to index
          %get3A_669 = arith.index_cast %get3A_667 : i32 to index
          %get3A_670 = arith.index_cast %add3A_666 : i32 to index
          %get3A_671 = arith.constant 0 : index
          %get3A_672 = tpu.vector_load %arg8[%get3A_668, %get3A_669, %get3A_670, %get3A_671] {strides = array<i32>} : memref<4x4x128x16xi32, #tpu.memory_space<vmem>>, vector<1x1x1x16xi32>,
          %get3A_673 = vector.shape_cast %get3A_672 : vector<1x1x1x16xi32> to vector<16xi32>
          %shift_left3A_674 = arith.constant 16 : i32
          %shift_left3A_675 = vector.broadcast %shift_left3A_674 : i32 to vector<16xi32>
          %shift_left3A_676 = arith.shli %get3A_673, %shift_left3A_675 : vector<16xi32>
          %bitcast_convert_type3A_677 = tpu.bitcast %shift_left3A_676 : vector<16xi32> -> vector<16xf32>
          %and3A_678 = arith.constant -65536 : i32
          %and3A_679 = vector.broadcast %and3A_678 : i32 to vector<16xi32>
          %and3A_680 = arith.andi %get3A_673, %and3A_679 : vector<16xi32>
          %bitcast_convert_type3A_681 = tpu.bitcast %and3A_680 : vector<16xi32> -> vector<16xf32>
          %mul3A_682 = arith.mulf %gather3A_664, %bitcast_convert_type3A_677 : vector<16xf32>
          %add3A_683 = arith.addf %scan3A_587, %mul3A_682 : vector<16xf32>
          %mul3A_684 = arith.mulf %gather3A_664, %bitcast_convert_type3A_681 : vector<16xf32>
          %add3A_685 = arith.addf %scan3A_588, %mul3A_684 : vector<16xf32>
          %gather3A_686 = vector.shape_cast %broadcast_in_dim3A_597 : vector<16x1xi32> to vector<16xi32>
          %gather3A_687 = tpu.dynamic_gather %get3A_341[%gather3A_686] in [0] : vector<16xf32>, vector<16xi32> -> vector<16xf32>
          %add3A_688 = arith.constant 64 : i32
          %add3A_689 = arith.addi %add3A_688, %scan3A_580 : i32
          %get3A_690 = arith.constant 0 : i32
          %get3A_691 = arith.index_cast %rem3A_261 : i32 to index
          %get3A_692 = arith.index_cast %get3A_690 : i32 to index
          %get3A_693 = arith.index_cast %add3A_689 : i32 to index
          %get3A_694 = arith.constant 0 : index
          %get3A_695 = tpu.vector_load %arg8[%get3A_691, %get3A_692, %get3A_693, %get3A_694] {strides = array<i32>} : memref<4x4x128x16xi32, #tpu.memory_space<vmem>>, vector<1x1x1x16xi32>,
          %get3A_696 = vector.shape_cast %get3A_695 : vector<1x1x1x16xi32> to vector<16xi32>
          %shift_left3A_697 = arith.constant 16 : i32
          %shift_left3A_698 = vector.broadcast %shift_left3A_697 : i32 to vector<16xi32>
          %shift_left3A_699 = arith.shli %get3A_696, %shift_left3A_698 : vector<16xi32>
          %bitcast_convert_type3A_700 = tpu.bitcast %shift_left3A_699 : vector<16xi32> -> vector<16xf32>
          %and3A_701 = arith.constant -65536 : i32
          %and3A_702 = vector.broadcast %and3A_701 : i32 to vector<16xi32>
          %and3A_703 = arith.andi %get3A_696, %and3A_702 : vector<16xi32>
          %bitcast_convert_type3A_704 = tpu.bitcast %and3A_703 : vector<16xi32> -> vector<16xf32>
          %mul3A_705 = arith.mulf %gather3A_687, %bitcast_convert_type3A_700 : vector<16xf32>
          %add3A_706 = arith.addf %scan3A_589, %mul3A_705 : vector<16xf32>
          %mul3A_707 = arith.mulf %gather3A_687, %bitcast_convert_type3A_704 : vector<16xf32>
          %add3A_708 = arith.addf %scan3A_590, %mul3A_707 : vector<16xf32>
          %gather3A_709 = vector.shape_cast %broadcast_in_dim3A_597 : vector<16x1xi32> to vector<16xi32>
          %gather3A_710 = tpu.dynamic_gather %get3A_346[%gather3A_709] in [0] : vector<16xf32>, vector<16xi32> -> vector<16xf32>
          %add3A_711 = arith.constant 80 : i32
          %add3A_712 = arith.addi %add3A_711, %scan3A_580 : i32
          %get3A_713 = arith.constant 0 : i32
          %get3A_714 = arith.index_cast %rem3A_261 : i32 to index
          %get3A_715 = arith.index_cast %get3A_713 : i32 to index
          %get3A_716 = arith.index_cast %add3A_712 : i32 to index
          %get3A_717 = arith.constant 0 : index
          %get3A_718 = tpu.vector_load %arg8[%get3A_714, %get3A_715, %get3A_716, %get3A_717] {strides = array<i32>} : memref<4x4x128x16xi32, #tpu.memory_space<vmem>>, vector<1x1x1x16xi32>,
          %get3A_719 = vector.shape_cast %get3A_718 : vector<1x1x1x16xi32> to vector<16xi32>
          %shift_left3A_720 = arith.constant 16 : i32
          %shift_left3A_721 = vector.broadcast %shift_left3A_720 : i32 to vector<16xi32>
          %shift_left3A_722 = arith.shli %get3A_719, %shift_left3A_721 : vector<16xi32>
          %bitcast_convert_type3A_723 = tpu.bitcast %shift_left3A_722 : vector<16xi32> -> vector<16xf32>
          %and3A_724 = arith.constant -65536 : i32
          %and3A_725 = vector.broadcast %and3A_724 : i32 to vector<16xi32>
          %and3A_726 = arith.andi %get3A_719, %and3A_725 : vector<16xi32>
          %bitcast_convert_type3A_727 = tpu.bitcast %and3A_726 : vector<16xi32> -> vector<16xf32>
          %mul3A_728 = arith.mulf %gather3A_710, %bitcast_convert_type3A_723 : vector<16xf32>
          %add3A_729 = arith.addf %scan3A_591, %mul3A_728 : vector<16xf32>
          %mul3A_730 = arith.mulf %gather3A_710, %bitcast_convert_type3A_727 : vector<16xf32>
          %add3A_731 = arith.addf %scan3A_592, %mul3A_730 : vector<16xf32>
          %gather3A_732 = vector.shape_cast %broadcast_in_dim3A_597 : vector<16x1xi32> to vector<16xi32>
          %gather3A_733 = tpu.dynamic_gather %get3A_351[%gather3A_732] in [0] : vector<16xf32>, vector<16xi32> -> vector<16xf32>
          %add3A_734 = arith.constant 96 : i32
          %add3A_735 = arith.addi %add3A_734, %scan3A_580 : i32
          %get3A_736 = arith.constant 0 : i32
          %get3A_737 = arith.index_cast %rem3A_261 : i32 to index
          %get3A_738 = arith.index_cast %get3A_736 : i32 to index
          %get3A_739 = arith.index_cast %add3A_735 : i32 to index
          %get3A_740 = arith.constant 0 : index
          %get3A_741 = tpu.vector_load %arg8[%get3A_737, %get3A_738, %get3A_739, %get3A_740] {strides = array<i32>} : memref<4x4x128x16xi32, #tpu.memory_space<vmem>>, vector<1x1x1x16xi32>,
          %get3A_742 = vector.shape_cast %get3A_741 : vector<1x1x1x16xi32> to vector<16xi32>
          %shift_left3A_743 = arith.constant 16 : i32
          %shift_left3A_744 = vector.broadcast %shift_left3A_743 : i32 to vector<16xi32>
          %shift_left3A_745 = arith.shli %get3A_742, %shift_left3A_744 : vector<16xi32>
          %bitcast_convert_type3A_746 = tpu.bitcast %shift_left3A_745 : vector<16xi32> -> vector<16xf32>
          %and3A_747 = arith.constant -65536 : i32
          %and3A_748 = vector.broadcast %and3A_747 : i32 to vector<16xi32>
          %and3A_749 = arith.andi %get3A_742, %and3A_748 : vector<16xi32>
          %bitcast_convert_type3A_750 = tpu.bitcast %and3A_749 : vector<16xi32> -> vector<16xf32>
          %mul3A_751 = arith.mulf %gather3A_733, %bitcast_convert_type3A_746 : vector<16xf32>
          %add3A_752 = arith.addf %scan3A_593, %mul3A_751 : vector<16xf32>
          %mul3A_753 = arith.mulf %gather3A_733, %bitcast_convert_type3A_750 : vector<16xf32>
          %add3A_754 = arith.addf %scan3A_594, %mul3A_753 : vector<16xf32>
          %gather3A_755 = vector.shape_cast %broadcast_in_dim3A_597 : vector<16x1xi32> to vector<16xi32>
          %gather3A_756 = tpu.dynamic_gather %get3A_356[%gather3A_755] in [0] : vector<16xf32>, vector<16xi32> -> vector<16xf32>
          %add3A_757 = arith.constant 112 : i32
          %add3A_758 = arith.addi %add3A_757, %scan3A_580 : i32
          %get3A_759 = arith.constant 0 : i32
          %get3A_760 = arith.index_cast %rem3A_261 : i32 to index
          %get3A_761 = arith.index_cast %get3A_759 : i32 to index
          %get3A_762 = arith.index_cast %add3A_758 : i32 to index
          %get3A_763 = arith.constant 0 : index
          %get3A_764 = tpu.vector_load %arg8[%get3A_760, %get3A_761, %get3A_762, %get3A_763] {strides = array<i32>} : memref<4x4x128x16xi32, #tpu.memory_space<vmem>>, vector<1x1x1x16xi32>,
          %get3A_765 = vector.shape_cast %get3A_764 : vector<1x1x1x16xi32> to vector<16xi32>
          %shift_left3A_766 = arith.constant 16 : i32
          %shift_left3A_767 = vector.broadcast %shift_left3A_766 : i32 to vector<16xi32>
          %shift_left3A_768 = arith.shli %get3A_765, %shift_left3A_767 : vector<16xi32>
          %bitcast_convert_type3A_769 = tpu.bitcast %shift_left3A_768 : vector<16xi32> -> vector<16xf32>
          %and3A_770 = arith.constant -65536 : i32
          %and3A_771 = vector.broadcast %and3A_770 : i32 to vector<16xi32>
          %and3A_772 = arith.andi %get3A_765, %and3A_771 : vector<16xi32>
          %bitcast_convert_type3A_773 = tpu.bitcast %and3A_772 : vector<16xi32> -> vector<16xf32>
          %mul3A_774 = arith.mulf %gather3A_756, %bitcast_convert_type3A_769 : vector<16xf32>
          %add3A_775 = arith.addf %scan3A_595, %mul3A_774 : vector<16xf32>
          %mul3A_776 = arith.mulf %gather3A_756, %bitcast_convert_type3A_773 : vector<16xf32>
          %add3A_777 = arith.addf %scan3A_596, %mul3A_776 : vector<16xf32>
          scf.yield %add3A_614, %add3A_616, %add3A_637, %add3A_639, %add3A_660, %add3A_662, %add3A_683, %add3A_685, %add3A_706, %add3A_708, %add3A_729, %add3A_731, %add3A_752, %add3A_754, %add3A_775, %add3A_777 : vector<16xf32>, vector<16xf32>, vector<16xf32>, vector<16xf32>, vector<16xf32>, vector<16xf32>, vector<16xf32>, vector<16xf32>, vector<16xf32>, vector<16xf32>, vector<16xf32>, vector<16xf32>, vector<16xf32>, vector<16xf32>, vector<16xf32>, vector<16xf32>
        }
        %scan3A_362 = arith.constant 16 : i32
        %get3A_363 = arith.index_cast %rem3A_46 : i32 to index
        %get3A_364 = arith.index_cast %scan3A_259 : i32 to index
        %get3A_365 = arith.constant 128 : index
        %get3A_366 = tpu.vector_load %arg7[%get3A_363, %get3A_364, %get3A_365] {strides = array<i32>} : memref<2x32x512xf32, #tpu.memory_space<vmem>>, vector<1x1x16xf32>,
        %get3A_367 = vector.shape_cast %get3A_366 : vector<1x1x16xf32> to vector<16xf32>
        %get3A_368 = arith.index_cast %rem3A_46 : i32 to index
        %get3A_369 = arith.index_cast %scan3A_259 : i32 to index
        %get3A_370 = arith.constant 144 : index
        %get3A_371 = tpu.vector_load %arg7[%get3A_368, %get3A_369, %get3A_370] {strides = array<i32>} : memref<2x32x512xf32, #tpu.memory_space<vmem>>, vector<1x1x16xf32>,
        %get3A_372 = vector.shape_cast %get3A_371 : vector<1x1x16xf32> to vector<16xf32>
        %get3A_373 = arith.index_cast %rem3A_46 : i32 to index
        %get3A_374 = arith.index_cast %scan3A_259 : i32 to index
        %get3A_375 = arith.constant 160 : index
        %get3A_376 = tpu.vector_load %arg7[%get3A_373, %get3A_374, %get3A_375] {strides = array<i32>} : memref<2x32x512xf32, #tpu.memory_space<vmem>>, vector<1x1x16xf32>,
        %get3A_377 = vector.shape_cast %get3A_376 : vector<1x1x16xf32> to vector<16xf32>
        %get3A_378 = arith.index_cast %rem3A_46 : i32 to index
        %get3A_379 = arith.index_cast %scan3A_259 : i32 to index
        %get3A_380 = arith.constant 176 : index
        %get3A_381 = tpu.vector_load %arg7[%get3A_378, %get3A_379, %get3A_380] {strides = array<i32>} : memref<2x32x512xf32, #tpu.memory_space<vmem>>, vector<1x1x16xf32>,
        %get3A_382 = vector.shape_cast %get3A_381 : vector<1x1x16xf32> to vector<16xf32>
        %get3A_383 = arith.index_cast %rem3A_46 : i32 to index
        %get3A_384 = arith.index_cast %scan3A_259 : i32 to index
        %get3A_385 = arith.constant 192 : index
        %get3A_386 = tpu.vector_load %arg7[%get3A_383, %get3A_384, %get3A_385] {strides = array<i32>} : memref<2x32x512xf32, #tpu.memory_space<vmem>>, vector<1x1x16xf32>,
        %get3A_387 = vector.shape_cast %get3A_386 : vector<1x1x16xf32> to vector<16xf32>
        %get3A_388 = arith.index_cast %rem3A_46 : i32 to index
        %get3A_389 = arith.index_cast %scan3A_259 : i32 to index
        %get3A_390 = arith.constant 208 : index
        %get3A_391 = tpu.vector_load %arg7[%get3A_388, %get3A_389, %get3A_390] {strides = array<i32>} : memref<2x32x512xf32, #tpu.memory_space<vmem>>, vector<1x1x16xf32>,
        %get3A_392 = vector.shape_cast %get3A_391 : vector<1x1x16xf32> to vector<16xf32>
        %get3A_393 = arith.index_cast %rem3A_46 : i32 to index
        %get3A_394 = arith.index_cast %scan3A_259 : i32 to index
        %get3A_395 = arith.constant 224 : index
        %get3A_396 = tpu.vector_load %arg7[%get3A_393, %get3A_394, %get3A_395] {strides = array<i32>} : memref<2x32x512xf32, #tpu.memory_space<vmem>>, vector<1x1x16xf32>,
        %get3A_397 = vector.shape_cast %get3A_396 : vector<1x1x16xf32> to vector<16xf32>
        %get3A_398 = arith.index_cast %rem3A_46 : i32 to index
        %get3A_399 = arith.index_cast %scan3A_259 : i32 to index
        %get3A_400 = arith.constant 240 : index
        %get3A_401 = tpu.vector_load %arg7[%get3A_398, %get3A_399, %get3A_400] {strides = array<i32>} : memref<2x32x512xf32, #tpu.memory_space<vmem>>, vector<1x1x16xf32>,
        %get3A_402 = vector.shape_cast %get3A_401 : vector<1x1x16xf32> to vector<16xf32>
        %scan3A_403 = arith.constant 0 : i32
        %scan3A_404 = arith.constant 16 : i32
        %scan3A_405 = arith.addi %scan3A_403, %scan3A_404 : i32
        %scan3A_406 = arith.constant 1 : i32
        %scan3A_407:16 = scf.for %scan3A_580 = %scan3A_403 to %scan3A_405 step %scan3A_406 iter_args(%scan3A_581 = %scan3A_361#0, %scan3A_582 = %scan3A_361#1, %scan3A_583 = %scan3A_361#2, %scan3A_584 = %scan3A_361#3, %scan3A_585 = %scan3A_361#4, %scan3A_586 = %scan3A_361#5, %scan3A_587 = %scan3A_361#6, %scan3A_588 = %scan3A_361#7, %scan3A_589 = %scan3A_361#8, %scan3A_590 = %scan3A_361#9, %scan3A_591 = %scan3A_361#10, %scan3A_592 = %scan3A_361#11, %scan3A_593 = %scan3A_361#12, %scan3A_594 = %scan3A_361#13, %scan3A_595 = %scan3A_361#14, %scan3A_596 = %scan3A_361#15) -> (vector<16xf32>, vector<16xf32>, vector<16xf32>, vector<16xf32>, vector<16xf32>, vector<16xf32>, vector<16xf32>, vector<16xf32>, vector<16xf32>, vector<16xf32>, vector<16xf32>, vector<16xf32>, vector<16xf32>, vector<16xf32>, vector<16xf32>, vector<16xf32>)  : i32 {
          %broadcast_in_dim3A_597 = vector.broadcast %scan3A_580 : i32 to vector<16x1xi32>
          %gather3A = vector.shape_cast %broadcast_in_dim3A_597 : vector<16x1xi32> to vector<16xi32>
          %gather3A_598 = tpu.dynamic_gather %get3A_367[%gather3A] in [0] : vector<16xf32>, vector<16xi32> -> vector<16xf32>
          %add3A_599 = arith.constant 0 : i32
          %add3A_600 = arith.addi %add3A_599, %scan3A_580 : i32
          %get3A_601 = arith.constant 1 : i32
          %get3A_602 = arith.index_cast %rem3A_261 : i32 to index
          %get3A_603 = arith.index_cast %get3A_601 : i32 to index
          %get3A_604 = arith.index_cast %add3A_600 : i32 to index
          %get3A_605 = arith.constant 0 : index
          %get3A_606 = tpu.vector_load %arg8[%get3A_602, %get3A_603, %get3A_604, %get3A_605] {strides = array<i32>} : memref<4x4x128x16xi32, #tpu.memory_space<vmem>>, vector<1x1x1x16xi32>,
          %get3A_607 = vector.shape_cast %get3A_606 : vector<1x1x1x16xi32> to vector<16xi32>
          %shift_left3A = arith.constant 16 : i32
          %shift_left3A_608 = vector.broadcast %shift_left3A : i32 to vector<16xi32>
          %shift_left3A_609 = arith.shli %get3A_607, %shift_left3A_608 : vector<16xi32>
          %bitcast_convert_type3A = tpu.bitcast %shift_left3A_609 : vector<16xi32> -> vector<16xf32>
          %and3A = arith.constant -65536 : i32
          %and3A_610 = vector.broadcast %and3A : i32 to vector<16xi32>
          %and3A_611 = arith.andi %get3A_607, %and3A_610 : vector<16xi32>
          %bitcast_convert_type3A_612 = tpu.bitcast %and3A_611 : vector<16xi32> -> vector<16xf32>
          %mul3A_613 = arith.mulf %gather3A_598, %bitcast_convert_type3A : vector<16xf32>
          %add3A_614 = arith.addf %scan3A_581, %mul3A_613 : vector<16xf32>
          %mul3A_615 = arith.mulf %gather3A_598, %bitcast_convert_type3A_612 : vector<16xf32>
          %add3A_616 = arith.addf %scan3A_582, %mul3A_615 : vector<16xf32>
          %gather3A_617 = vector.shape_cast %broadcast_in_dim3A_597 : vector<16x1xi32> to vector<16xi32>
          %gather3A_618 = tpu.dynamic_gather %get3A_372[%gather3A_617] in [0] : vector<16xf32>, vector<16xi32> -> vector<16xf32>
          %add3A_619 = arith.constant 16 : i32
          %add3A_620 = arith.addi %add3A_619, %scan3A_580 : i32
          %get3A_621 = arith.constant 1 : i32
          %get3A_622 = arith.index_cast %rem3A_261 : i32 to index
          %get3A_623 = arith.index_cast %get3A_621 : i32 to index
          %get3A_624 = arith.index_cast %add3A_620 : i32 to index
          %get3A_625 = arith.constant 0 : index
          %get3A_626 = tpu.vector_load %arg8[%get3A_622, %get3A_623, %get3A_624, %get3A_625] {strides = array<i32>} : memref<4x4x128x16xi32, #tpu.memory_space<vmem>>, vector<1x1x1x16xi32>,
          %get3A_627 = vector.shape_cast %get3A_626 : vector<1x1x1x16xi32> to vector<16xi32>
          %shift_left3A_628 = arith.constant 16 : i32
          %shift_left3A_629 = vector.broadcast %shift_left3A_628 : i32 to vector<16xi32>
          %shift_left3A_630 = arith.shli %get3A_627, %shift_left3A_629 : vector<16xi32>
          %bitcast_convert_type3A_631 = tpu.bitcast %shift_left3A_630 : vector<16xi32> -> vector<16xf32>
          %and3A_632 = arith.constant -65536 : i32
          %and3A_633 = vector.broadcast %and3A_632 : i32 to vector<16xi32>
          %and3A_634 = arith.andi %get3A_627, %and3A_633 : vector<16xi32>
          %bitcast_convert_type3A_635 = tpu.bitcast %and3A_634 : vector<16xi32> -> vector<16xf32>
          %mul3A_636 = arith.mulf %gather3A_618, %bitcast_convert_type3A_631 : vector<16xf32>
          %add3A_637 = arith.addf %scan3A_583, %mul3A_636 : vector<16xf32>
          %mul3A_638 = arith.mulf %gather3A_618, %bitcast_convert_type3A_635 : vector<16xf32>
          %add3A_639 = arith.addf %scan3A_584, %mul3A_638 : vector<16xf32>
          %gather3A_640 = vector.shape_cast %broadcast_in_dim3A_597 : vector<16x1xi32> to vector<16xi32>
          %gather3A_641 = tpu.dynamic_gather %get3A_377[%gather3A_640] in [0] : vector<16xf32>, vector<16xi32> -> vector<16xf32>
          %add3A_642 = arith.constant 32 : i32
          %add3A_643 = arith.addi %add3A_642, %scan3A_580 : i32
          %get3A_644 = arith.constant 1 : i32
          %get3A_645 = arith.index_cast %rem3A_261 : i32 to index
          %get3A_646 = arith.index_cast %get3A_644 : i32 to index
          %get3A_647 = arith.index_cast %add3A_643 : i32 to index
          %get3A_648 = arith.constant 0 : index
          %get3A_649 = tpu.vector_load %arg8[%get3A_645, %get3A_646, %get3A_647, %get3A_648] {strides = array<i32>} : memref<4x4x128x16xi32, #tpu.memory_space<vmem>>, vector<1x1x1x16xi32>,
          %get3A_650 = vector.shape_cast %get3A_649 : vector<1x1x1x16xi32> to vector<16xi32>
          %shift_left3A_651 = arith.constant 16 : i32
          %shift_left3A_652 = vector.broadcast %shift_left3A_651 : i32 to vector<16xi32>
          %shift_left3A_653 = arith.shli %get3A_650, %shift_left3A_652 : vector<16xi32>
          %bitcast_convert_type3A_654 = tpu.bitcast %shift_left3A_653 : vector<16xi32> -> vector<16xf32>
          %and3A_655 = arith.constant -65536 : i32
          %and3A_656 = vector.broadcast %and3A_655 : i32 to vector<16xi32>
          %and3A_657 = arith.andi %get3A_650, %and3A_656 : vector<16xi32>
          %bitcast_convert_type3A_658 = tpu.bitcast %and3A_657 : vector<16xi32> -> vector<16xf32>
          %mul3A_659 = arith.mulf %gather3A_641, %bitcast_convert_type3A_654 : vector<16xf32>
          %add3A_660 = arith.addf %scan3A_585, %mul3A_659 : vector<16xf32>
          %mul3A_661 = arith.mulf %gather3A_641, %bitcast_convert_type3A_658 : vector<16xf32>
          %add3A_662 = arith.addf %scan3A_586, %mul3A_661 : vector<16xf32>
          %gather3A_663 = vector.shape_cast %broadcast_in_dim3A_597 : vector<16x1xi32> to vector<16xi32>
          %gather3A_664 = tpu.dynamic_gather %get3A_382[%gather3A_663] in [0] : vector<16xf32>, vector<16xi32> -> vector<16xf32>
          %add3A_665 = arith.constant 48 : i32
          %add3A_666 = arith.addi %add3A_665, %scan3A_580 : i32
          %get3A_667 = arith.constant 1 : i32
          %get3A_668 = arith.index_cast %rem3A_261 : i32 to index
          %get3A_669 = arith.index_cast %get3A_667 : i32 to index
          %get3A_670 = arith.index_cast %add3A_666 : i32 to index
          %get3A_671 = arith.constant 0 : index
          %get3A_672 = tpu.vector_load %arg8[%get3A_668, %get3A_669, %get3A_670, %get3A_671] {strides = array<i32>} : memref<4x4x128x16xi32, #tpu.memory_space<vmem>>, vector<1x1x1x16xi32>,
          %get3A_673 = vector.shape_cast %get3A_672 : vector<1x1x1x16xi32> to vector<16xi32>
          %shift_left3A_674 = arith.constant 16 : i32
          %shift_left3A_675 = vector.broadcast %shift_left3A_674 : i32 to vector<16xi32>
          %shift_left3A_676 = arith.shli %get3A_673, %shift_left3A_675 : vector<16xi32>
          %bitcast_convert_type3A_677 = tpu.bitcast %shift_left3A_676 : vector<16xi32> -> vector<16xf32>
          %and3A_678 = arith.constant -65536 : i32
          %and3A_679 = vector.broadcast %and3A_678 : i32 to vector<16xi32>
          %and3A_680 = arith.andi %get3A_673, %and3A_679 : vector<16xi32>
          %bitcast_convert_type3A_681 = tpu.bitcast %and3A_680 : vector<16xi32> -> vector<16xf32>
          %mul3A_682 = arith.mulf %gather3A_664, %bitcast_convert_type3A_677 : vector<16xf32>
          %add3A_683 = arith.addf %scan3A_587, %mul3A_682 : vector<16xf32>
          %mul3A_684 = arith.mulf %gather3A_664, %bitcast_convert_type3A_681 : vector<16xf32>
          %add3A_685 = arith.addf %scan3A_588, %mul3A_684 : vector<16xf32>
          %gather3A_686 = vector.shape_cast %broadcast_in_dim3A_597 : vector<16x1xi32> to vector<16xi32>
          %gather3A_687 = tpu.dynamic_gather %get3A_387[%gather3A_686] in [0] : vector<16xf32>, vector<16xi32> -> vector<16xf32>
          %add3A_688 = arith.constant 64 : i32
          %add3A_689 = arith.addi %add3A_688, %scan3A_580 : i32
          %get3A_690 = arith.constant 1 : i32
          %get3A_691 = arith.index_cast %rem3A_261 : i32 to index
          %get3A_692 = arith.index_cast %get3A_690 : i32 to index
          %get3A_693 = arith.index_cast %add3A_689 : i32 to index
          %get3A_694 = arith.constant 0 : index
          %get3A_695 = tpu.vector_load %arg8[%get3A_691, %get3A_692, %get3A_693, %get3A_694] {strides = array<i32>} : memref<4x4x128x16xi32, #tpu.memory_space<vmem>>, vector<1x1x1x16xi32>,
          %get3A_696 = vector.shape_cast %get3A_695 : vector<1x1x1x16xi32> to vector<16xi32>
          %shift_left3A_697 = arith.constant 16 : i32
          %shift_left3A_698 = vector.broadcast %shift_left3A_697 : i32 to vector<16xi32>
          %shift_left3A_699 = arith.shli %get3A_696, %shift_left3A_698 : vector<16xi32>
          %bitcast_convert_type3A_700 = tpu.bitcast %shift_left3A_699 : vector<16xi32> -> vector<16xf32>
          %and3A_701 = arith.constant -65536 : i32
          %and3A_702 = vector.broadcast %and3A_701 : i32 to vector<16xi32>
          %and3A_703 = arith.andi %get3A_696, %and3A_702 : vector<16xi32>
          %bitcast_convert_type3A_704 = tpu.bitcast %and3A_703 : vector<16xi32> -> vector<16xf32>
          %mul3A_705 = arith.mulf %gather3A_687, %bitcast_convert_type3A_700 : vector<16xf32>
          %add3A_706 = arith.addf %scan3A_589, %mul3A_705 : vector<16xf32>
          %mul3A_707 = arith.mulf %gather3A_687, %bitcast_convert_type3A_704 : vector<16xf32>
          %add3A_708 = arith.addf %scan3A_590, %mul3A_707 : vector<16xf32>
          %gather3A_709 = vector.shape_cast %broadcast_in_dim3A_597 : vector<16x1xi32> to vector<16xi32>
          %gather3A_710 = tpu.dynamic_gather %get3A_392[%gather3A_709] in [0] : vector<16xf32>, vector<16xi32> -> vector<16xf32>
          %add3A_711 = arith.constant 80 : i32
          %add3A_712 = arith.addi %add3A_711, %scan3A_580 : i32
          %get3A_713 = arith.constant 1 : i32
          %get3A_714 = arith.index_cast %rem3A_261 : i32 to index
          %get3A_715 = arith.index_cast %get3A_713 : i32 to index
          %get3A_716 = arith.index_cast %add3A_712 : i32 to index
          %get3A_717 = arith.constant 0 : index
          %get3A_718 = tpu.vector_load %arg8[%get3A_714, %get3A_715, %get3A_716, %get3A_717] {strides = array<i32>} : memref<4x4x128x16xi32, #tpu.memory_space<vmem>>, vector<1x1x1x16xi32>,
          %get3A_719 = vector.shape_cast %get3A_718 : vector<1x1x1x16xi32> to vector<16xi32>
          %shift_left3A_720 = arith.constant 16 : i32
          %shift_left3A_721 = vector.broadcast %shift_left3A_720 : i32 to vector<16xi32>
          %shift_left3A_722 = arith.shli %get3A_719, %shift_left3A_721 : vector<16xi32>
          %bitcast_convert_type3A_723 = tpu.bitcast %shift_left3A_722 : vector<16xi32> -> vector<16xf32>
          %and3A_724 = arith.constant -65536 : i32
          %and3A_725 = vector.broadcast %and3A_724 : i32 to vector<16xi32>
          %and3A_726 = arith.andi %get3A_719, %and3A_725 : vector<16xi32>
          %bitcast_convert_type3A_727 = tpu.bitcast %and3A_726 : vector<16xi32> -> vector<16xf32>
          %mul3A_728 = arith.mulf %gather3A_710, %bitcast_convert_type3A_723 : vector<16xf32>
          %add3A_729 = arith.addf %scan3A_591, %mul3A_728 : vector<16xf32>
          %mul3A_730 = arith.mulf %gather3A_710, %bitcast_convert_type3A_727 : vector<16xf32>
          %add3A_731 = arith.addf %scan3A_592, %mul3A_730 : vector<16xf32>
          %gather3A_732 = vector.shape_cast %broadcast_in_dim3A_597 : vector<16x1xi32> to vector<16xi32>
          %gather3A_733 = tpu.dynamic_gather %get3A_397[%gather3A_732] in [0] : vector<16xf32>, vector<16xi32> -> vector<16xf32>
          %add3A_734 = arith.constant 96 : i32
          %add3A_735 = arith.addi %add3A_734, %scan3A_580 : i32
          %get3A_736 = arith.constant 1 : i32
          %get3A_737 = arith.index_cast %rem3A_261 : i32 to index
          %get3A_738 = arith.index_cast %get3A_736 : i32 to index
          %get3A_739 = arith.index_cast %add3A_735 : i32 to index
          %get3A_740 = arith.constant 0 : index
          %get3A_741 = tpu.vector_load %arg8[%get3A_737, %get3A_738, %get3A_739, %get3A_740] {strides = array<i32>} : memref<4x4x128x16xi32, #tpu.memory_space<vmem>>, vector<1x1x1x16xi32>,
          %get3A_742 = vector.shape_cast %get3A_741 : vector<1x1x1x16xi32> to vector<16xi32>
          %shift_left3A_743 = arith.constant 16 : i32
          %shift_left3A_744 = vector.broadcast %shift_left3A_743 : i32 to vector<16xi32>
          %shift_left3A_745 = arith.shli %get3A_742, %shift_left3A_744 : vector<16xi32>
          %bitcast_convert_type3A_746 = tpu.bitcast %shift_left3A_745 : vector<16xi32> -> vector<16xf32>
          %and3A_747 = arith.constant -65536 : i32
          %and3A_748 = vector.broadcast %and3A_747 : i32 to vector<16xi32>
          %and3A_749 = arith.andi %get3A_742, %and3A_748 : vector<16xi32>
          %bitcast_convert_type3A_750 = tpu.bitcast %and3A_749 : vector<16xi32> -> vector<16xf32>
          %mul3A_751 = arith.mulf %gather3A_733, %bitcast_convert_type3A_746 : vector<16xf32>
          %add3A_752 = arith.addf %scan3A_593, %mul3A_751 : vector<16xf32>
          %mul3A_753 = arith.mulf %gather3A_733, %bitcast_convert_type3A_750 : vector<16xf32>
          %add3A_754 = arith.addf %scan3A_594, %mul3A_753 : vector<16xf32>
          %gather3A_755 = vector.shape_cast %broadcast_in_dim3A_597 : vector<16x1xi32> to vector<16xi32>
          %gather3A_756 = tpu.dynamic_gather %get3A_402[%gather3A_755] in [0] : vector<16xf32>, vector<16xi32> -> vector<16xf32>
          %add3A_757 = arith.constant 112 : i32
          %add3A_758 = arith.addi %add3A_757, %scan3A_580 : i32
          %get3A_759 = arith.constant 1 : i32
          %get3A_760 = arith.index_cast %rem3A_261 : i32 to index
          %get3A_761 = arith.index_cast %get3A_759 : i32 to index
          %get3A_762 = arith.index_cast %add3A_758 : i32 to index
          %get3A_763 = arith.constant 0 : index
          %get3A_764 = tpu.vector_load %arg8[%get3A_760, %get3A_761, %get3A_762, %get3A_763] {strides = array<i32>} : memref<4x4x128x16xi32, #tpu.memory_space<vmem>>, vector<1x1x1x16xi32>,
          %get3A_765 = vector.shape_cast %get3A_764 : vector<1x1x1x16xi32> to vector<16xi32>
          %shift_left3A_766 = arith.constant 16 : i32
          %shift_left3A_767 = vector.broadcast %shift_left3A_766 : i32 to vector<16xi32>
          %shift_left3A_768 = arith.shli %get3A_765, %shift_left3A_767 : vector<16xi32>
          %bitcast_convert_type3A_769 = tpu.bitcast %shift_left3A_768 : vector<16xi32> -> vector<16xf32>
          %and3A_770 = arith.constant -65536 : i32
          %and3A_771 = vector.broadcast %and3A_770 : i32 to vector<16xi32>
          %and3A_772 = arith.andi %get3A_765, %and3A_771 : vector<16xi32>
          %bitcast_convert_type3A_773 = tpu.bitcast %and3A_772 : vector<16xi32> -> vector<16xf32>
          %mul3A_774 = arith.mulf %gather3A_756, %bitcast_convert_type3A_769 : vector<16xf32>
          %add3A_775 = arith.addf %scan3A_595, %mul3A_774 : vector<16xf32>
          %mul3A_776 = arith.mulf %gather3A_756, %bitcast_convert_type3A_773 : vector<16xf32>
          %add3A_777 = arith.addf %scan3A_596, %mul3A_776 : vector<16xf32>
          scf.yield %add3A_614, %add3A_616, %add3A_637, %add3A_639, %add3A_660, %add3A_662, %add3A_683, %add3A_685, %add3A_706, %add3A_708, %add3A_729, %add3A_731, %add3A_752, %add3A_754, %add3A_775, %add3A_777 : vector<16xf32>, vector<16xf32>, vector<16xf32>, vector<16xf32>, vector<16xf32>, vector<16xf32>, vector<16xf32>, vector<16xf32>, vector<16xf32>, vector<16xf32>, vector<16xf32>, vector<16xf32>, vector<16xf32>, vector<16xf32>, vector<16xf32>, vector<16xf32>
        }
        %scan3A_408 = arith.constant 16 : i32
        %get3A_409 = arith.index_cast %rem3A_46 : i32 to index
        %get3A_410 = arith.index_cast %scan3A_259 : i32 to index
        %get3A_411 = arith.constant 256 : index
        %get3A_412 = tpu.vector_load %arg7[%get3A_409, %get3A_410, %get3A_411] {strides = array<i32>} : memref<2x32x512xf32, #tpu.memory_space<vmem>>, vector<1x1x16xf32>,
        %get3A_413 = vector.shape_cast %get3A_412 : vector<1x1x16xf32> to vector<16xf32>
        %get3A_414 = arith.index_cast %rem3A_46 : i32 to index
        %get3A_415 = arith.index_cast %scan3A_259 : i32 to index
        %get3A_416 = arith.constant 272 : index
        %get3A_417 = tpu.vector_load %arg7[%get3A_414, %get3A_415, %get3A_416] {strides = array<i32>} : memref<2x32x512xf32, #tpu.memory_space<vmem>>, vector<1x1x16xf32>,
        %get3A_418 = vector.shape_cast %get3A_417 : vector<1x1x16xf32> to vector<16xf32>
        %get3A_419 = arith.index_cast %rem3A_46 : i32 to index
        %get3A_420 = arith.index_cast %scan3A_259 : i32 to index
        %get3A_421 = arith.constant 288 : index
        %get3A_422 = tpu.vector_load %arg7[%get3A_419, %get3A_420, %get3A_421] {strides = array<i32>} : memref<2x32x512xf32, #tpu.memory_space<vmem>>, vector<1x1x16xf32>,
        %get3A_423 = vector.shape_cast %get3A_422 : vector<1x1x16xf32> to vector<16xf32>
        %get3A_424 = arith.index_cast %rem3A_46 : i32 to index
        %get3A_425 = arith.index_cast %scan3A_259 : i32 to index
        %get3A_426 = arith.constant 304 : index
        %get3A_427 = tpu.vector_load %arg7[%get3A_424, %get3A_425, %get3A_426] {strides = array<i32>} : memref<2x32x512xf32, #tpu.memory_space<vmem>>, vector<1x1x16xf32>,
        %get3A_428 = vector.shape_cast %get3A_427 : vector<1x1x16xf32> to vector<16xf32>
        %get3A_429 = arith.index_cast %rem3A_46 : i32 to index
        %get3A_430 = arith.index_cast %scan3A_259 : i32 to index
        %get3A_431 = arith.constant 320 : index
        %get3A_432 = tpu.vector_load %arg7[%get3A_429, %get3A_430, %get3A_431] {strides = array<i32>} : memref<2x32x512xf32, #tpu.memory_space<vmem>>, vector<1x1x16xf32>,
        %get3A_433 = vector.shape_cast %get3A_432 : vector<1x1x16xf32> to vector<16xf32>
        %get3A_434 = arith.index_cast %rem3A_46 : i32 to index
        %get3A_435 = arith.index_cast %scan3A_259 : i32 to index
        %get3A_436 = arith.constant 336 : index
        %get3A_437 = tpu.vector_load %arg7[%get3A_434, %get3A_435, %get3A_436] {strides = array<i32>} : memref<2x32x512xf32, #tpu.memory_space<vmem>>, vector<1x1x16xf32>,
        %get3A_438 = vector.shape_cast %get3A_437 : vector<1x1x16xf32> to vector<16xf32>
        %get3A_439 = arith.index_cast %rem3A_46 : i32 to index
        %get3A_440 = arith.index_cast %scan3A_259 : i32 to index
        %get3A_441 = arith.constant 352 : index
        %get3A_442 = tpu.vector_load %arg7[%get3A_439, %get3A_440, %get3A_441] {strides = array<i32>} : memref<2x32x512xf32, #tpu.memory_space<vmem>>, vector<1x1x16xf32>,
        %get3A_443 = vector.shape_cast %get3A_442 : vector<1x1x16xf32> to vector<16xf32>
        %get3A_444 = arith.index_cast %rem3A_46 : i32 to index
        %get3A_445 = arith.index_cast %scan3A_259 : i32 to index
        %get3A_446 = arith.constant 368 : index
        %get3A_447 = tpu.vector_load %arg7[%get3A_444, %get3A_445, %get3A_446] {strides = array<i32>} : memref<2x32x512xf32, #tpu.memory_space<vmem>>, vector<1x1x16xf32>,
        %get3A_448 = vector.shape_cast %get3A_447 : vector<1x1x16xf32> to vector<16xf32>
        %scan3A_449 = arith.constant 0 : i32
        %scan3A_450 = arith.constant 16 : i32
        %scan3A_451 = arith.addi %scan3A_449, %scan3A_450 : i32
        %scan3A_452 = arith.constant 1 : i32
        %scan3A_453:16 = scf.for %scan3A_580 = %scan3A_449 to %scan3A_451 step %scan3A_452 iter_args(%scan3A_581 = %scan3A_407#0, %scan3A_582 = %scan3A_407#1, %scan3A_583 = %scan3A_407#2, %scan3A_584 = %scan3A_407#3, %scan3A_585 = %scan3A_407#4, %scan3A_586 = %scan3A_407#5, %scan3A_587 = %scan3A_407#6, %scan3A_588 = %scan3A_407#7, %scan3A_589 = %scan3A_407#8, %scan3A_590 = %scan3A_407#9, %scan3A_591 = %scan3A_407#10, %scan3A_592 = %scan3A_407#11, %scan3A_593 = %scan3A_407#12, %scan3A_594 = %scan3A_407#13, %scan3A_595 = %scan3A_407#14, %scan3A_596 = %scan3A_407#15) -> (vector<16xf32>, vector<16xf32>, vector<16xf32>, vector<16xf32>, vector<16xf32>, vector<16xf32>, vector<16xf32>, vector<16xf32>, vector<16xf32>, vector<16xf32>, vector<16xf32>, vector<16xf32>, vector<16xf32>, vector<16xf32>, vector<16xf32>, vector<16xf32>)  : i32 {
          %broadcast_in_dim3A_597 = vector.broadcast %scan3A_580 : i32 to vector<16x1xi32>
          %gather3A = vector.shape_cast %broadcast_in_dim3A_597 : vector<16x1xi32> to vector<16xi32>
          %gather3A_598 = tpu.dynamic_gather %get3A_413[%gather3A] in [0] : vector<16xf32>, vector<16xi32> -> vector<16xf32>
          %add3A_599 = arith.constant 0 : i32
          %add3A_600 = arith.addi %add3A_599, %scan3A_580 : i32
          %get3A_601 = arith.constant 2 : i32
          %get3A_602 = arith.index_cast %rem3A_261 : i32 to index
          %get3A_603 = arith.index_cast %get3A_601 : i32 to index
          %get3A_604 = arith.index_cast %add3A_600 : i32 to index
          %get3A_605 = arith.constant 0 : index
          %get3A_606 = tpu.vector_load %arg8[%get3A_602, %get3A_603, %get3A_604, %get3A_605] {strides = array<i32>} : memref<4x4x128x16xi32, #tpu.memory_space<vmem>>, vector<1x1x1x16xi32>,
          %get3A_607 = vector.shape_cast %get3A_606 : vector<1x1x1x16xi32> to vector<16xi32>
          %shift_left3A = arith.constant 16 : i32
          %shift_left3A_608 = vector.broadcast %shift_left3A : i32 to vector<16xi32>
          %shift_left3A_609 = arith.shli %get3A_607, %shift_left3A_608 : vector<16xi32>
          %bitcast_convert_type3A = tpu.bitcast %shift_left3A_609 : vector<16xi32> -> vector<16xf32>
          %and3A = arith.constant -65536 : i32
          %and3A_610 = vector.broadcast %and3A : i32 to vector<16xi32>
          %and3A_611 = arith.andi %get3A_607, %and3A_610 : vector<16xi32>
          %bitcast_convert_type3A_612 = tpu.bitcast %and3A_611 : vector<16xi32> -> vector<16xf32>
          %mul3A_613 = arith.mulf %gather3A_598, %bitcast_convert_type3A : vector<16xf32>
          %add3A_614 = arith.addf %scan3A_581, %mul3A_613 : vector<16xf32>
          %mul3A_615 = arith.mulf %gather3A_598, %bitcast_convert_type3A_612 : vector<16xf32>
          %add3A_616 = arith.addf %scan3A_582, %mul3A_615 : vector<16xf32>
          %gather3A_617 = vector.shape_cast %broadcast_in_dim3A_597 : vector<16x1xi32> to vector<16xi32>
          %gather3A_618 = tpu.dynamic_gather %get3A_418[%gather3A_617] in [0] : vector<16xf32>, vector<16xi32> -> vector<16xf32>
          %add3A_619 = arith.constant 16 : i32
          %add3A_620 = arith.addi %add3A_619, %scan3A_580 : i32
          %get3A_621 = arith.constant 2 : i32
          %get3A_622 = arith.index_cast %rem3A_261 : i32 to index
          %get3A_623 = arith.index_cast %get3A_621 : i32 to index
          %get3A_624 = arith.index_cast %add3A_620 : i32 to index
          %get3A_625 = arith.constant 0 : index
          %get3A_626 = tpu.vector_load %arg8[%get3A_622, %get3A_623, %get3A_624, %get3A_625] {strides = array<i32>} : memref<4x4x128x16xi32, #tpu.memory_space<vmem>>, vector<1x1x1x16xi32>,
          %get3A_627 = vector.shape_cast %get3A_626 : vector<1x1x1x16xi32> to vector<16xi32>
          %shift_left3A_628 = arith.constant 16 : i32
          %shift_left3A_629 = vector.broadcast %shift_left3A_628 : i32 to vector<16xi32>
          %shift_left3A_630 = arith.shli %get3A_627, %shift_left3A_629 : vector<16xi32>
          %bitcast_convert_type3A_631 = tpu.bitcast %shift_left3A_630 : vector<16xi32> -> vector<16xf32>
          %and3A_632 = arith.constant -65536 : i32
          %and3A_633 = vector.broadcast %and3A_632 : i32 to vector<16xi32>
          %and3A_634 = arith.andi %get3A_627, %and3A_633 : vector<16xi32>
          %bitcast_convert_type3A_635 = tpu.bitcast %and3A_634 : vector<16xi32> -> vector<16xf32>
          %mul3A_636 = arith.mulf %gather3A_618, %bitcast_convert_type3A_631 : vector<16xf32>
          %add3A_637 = arith.addf %scan3A_583, %mul3A_636 : vector<16xf32>
          %mul3A_638 = arith.mulf %gather3A_618, %bitcast_convert_type3A_635 : vector<16xf32>
          %add3A_639 = arith.addf %scan3A_584, %mul3A_638 : vector<16xf32>
          %gather3A_640 = vector.shape_cast %broadcast_in_dim3A_597 : vector<16x1xi32> to vector<16xi32>
          %gather3A_641 = tpu.dynamic_gather %get3A_423[%gather3A_640] in [0] : vector<16xf32>, vector<16xi32> -> vector<16xf32>
          %add3A_642 = arith.constant 32 : i32
          %add3A_643 = arith.addi %add3A_642, %scan3A_580 : i32
          %get3A_644 = arith.constant 2 : i32
          %get3A_645 = arith.index_cast %rem3A_261 : i32 to index
          %get3A_646 = arith.index_cast %get3A_644 : i32 to index
          %get3A_647 = arith.index_cast %add3A_643 : i32 to index
          %get3A_648 = arith.constant 0 : index
          %get3A_649 = tpu.vector_load %arg8[%get3A_645, %get3A_646, %get3A_647, %get3A_648] {strides = array<i32>} : memref<4x4x128x16xi32, #tpu.memory_space<vmem>>, vector<1x1x1x16xi32>,
          %get3A_650 = vector.shape_cast %get3A_649 : vector<1x1x1x16xi32> to vector<16xi32>
          %shift_left3A_651 = arith.constant 16 : i32
          %shift_left3A_652 = vector.broadcast %shift_left3A_651 : i32 to vector<16xi32>
          %shift_left3A_653 = arith.shli %get3A_650, %shift_left3A_652 : vector<16xi32>
          %bitcast_convert_type3A_654 = tpu.bitcast %shift_left3A_653 : vector<16xi32> -> vector<16xf32>
          %and3A_655 = arith.constant -65536 : i32
          %and3A_656 = vector.broadcast %and3A_655 : i32 to vector<16xi32>
          %and3A_657 = arith.andi %get3A_650, %and3A_656 : vector<16xi32>
          %bitcast_convert_type3A_658 = tpu.bitcast %and3A_657 : vector<16xi32> -> vector<16xf32>
          %mul3A_659 = arith.mulf %gather3A_641, %bitcast_convert_type3A_654 : vector<16xf32>
          %add3A_660 = arith.addf %scan3A_585, %mul3A_659 : vector<16xf32>
          %mul3A_661 = arith.mulf %gather3A_641, %bitcast_convert_type3A_658 : vector<16xf32>
          %add3A_662 = arith.addf %scan3A_586, %mul3A_661 : vector<16xf32>
          %gather3A_663 = vector.shape_cast %broadcast_in_dim3A_597 : vector<16x1xi32> to vector<16xi32>
          %gather3A_664 = tpu.dynamic_gather %get3A_428[%gather3A_663] in [0] : vector<16xf32>, vector<16xi32> -> vector<16xf32>
          %add3A_665 = arith.constant 48 : i32
          %add3A_666 = arith.addi %add3A_665, %scan3A_580 : i32
          %get3A_667 = arith.constant 2 : i32
          %get3A_668 = arith.index_cast %rem3A_261 : i32 to index
          %get3A_669 = arith.index_cast %get3A_667 : i32 to index
          %get3A_670 = arith.index_cast %add3A_666 : i32 to index
          %get3A_671 = arith.constant 0 : index
          %get3A_672 = tpu.vector_load %arg8[%get3A_668, %get3A_669, %get3A_670, %get3A_671] {strides = array<i32>} : memref<4x4x128x16xi32, #tpu.memory_space<vmem>>, vector<1x1x1x16xi32>,
          %get3A_673 = vector.shape_cast %get3A_672 : vector<1x1x1x16xi32> to vector<16xi32>
          %shift_left3A_674 = arith.constant 16 : i32
          %shift_left3A_675 = vector.broadcast %shift_left3A_674 : i32 to vector<16xi32>
          %shift_left3A_676 = arith.shli %get3A_673, %shift_left3A_675 : vector<16xi32>
          %bitcast_convert_type3A_677 = tpu.bitcast %shift_left3A_676 : vector<16xi32> -> vector<16xf32>
          %and3A_678 = arith.constant -65536 : i32
          %and3A_679 = vector.broadcast %and3A_678 : i32 to vector<16xi32>
          %and3A_680 = arith.andi %get3A_673, %and3A_679 : vector<16xi32>
          %bitcast_convert_type3A_681 = tpu.bitcast %and3A_680 : vector<16xi32> -> vector<16xf32>
          %mul3A_682 = arith.mulf %gather3A_664, %bitcast_convert_type3A_677 : vector<16xf32>
          %add3A_683 = arith.addf %scan3A_587, %mul3A_682 : vector<16xf32>
          %mul3A_684 = arith.mulf %gather3A_664, %bitcast_convert_type3A_681 : vector<16xf32>
          %add3A_685 = arith.addf %scan3A_588, %mul3A_684 : vector<16xf32>
          %gather3A_686 = vector.shape_cast %broadcast_in_dim3A_597 : vector<16x1xi32> to vector<16xi32>
          %gather3A_687 = tpu.dynamic_gather %get3A_433[%gather3A_686] in [0] : vector<16xf32>, vector<16xi32> -> vector<16xf32>
          %add3A_688 = arith.constant 64 : i32
          %add3A_689 = arith.addi %add3A_688, %scan3A_580 : i32
          %get3A_690 = arith.constant 2 : i32
          %get3A_691 = arith.index_cast %rem3A_261 : i32 to index
          %get3A_692 = arith.index_cast %get3A_690 : i32 to index
          %get3A_693 = arith.index_cast %add3A_689 : i32 to index
          %get3A_694 = arith.constant 0 : index
          %get3A_695 = tpu.vector_load %arg8[%get3A_691, %get3A_692, %get3A_693, %get3A_694] {strides = array<i32>} : memref<4x4x128x16xi32, #tpu.memory_space<vmem>>, vector<1x1x1x16xi32>,
          %get3A_696 = vector.shape_cast %get3A_695 : vector<1x1x1x16xi32> to vector<16xi32>
          %shift_left3A_697 = arith.constant 16 : i32
          %shift_left3A_698 = vector.broadcast %shift_left3A_697 : i32 to vector<16xi32>
          %shift_left3A_699 = arith.shli %get3A_696, %shift_left3A_698 : vector<16xi32>
          %bitcast_convert_type3A_700 = tpu.bitcast %shift_left3A_699 : vector<16xi32> -> vector<16xf32>
          %and3A_701 = arith.constant -65536 : i32
          %and3A_702 = vector.broadcast %and3A_701 : i32 to vector<16xi32>
          %and3A_703 = arith.andi %get3A_696, %and3A_702 : vector<16xi32>
          %bitcast_convert_type3A_704 = tpu.bitcast %and3A_703 : vector<16xi32> -> vector<16xf32>
          %mul3A_705 = arith.mulf %gather3A_687, %bitcast_convert_type3A_700 : vector<16xf32>
          %add3A_706 = arith.addf %scan3A_589, %mul3A_705 : vector<16xf32>
          %mul3A_707 = arith.mulf %gather3A_687, %bitcast_convert_type3A_704 : vector<16xf32>
          %add3A_708 = arith.addf %scan3A_590, %mul3A_707 : vector<16xf32>
          %gather3A_709 = vector.shape_cast %broadcast_in_dim3A_597 : vector<16x1xi32> to vector<16xi32>
          %gather3A_710 = tpu.dynamic_gather %get3A_438[%gather3A_709] in [0] : vector<16xf32>, vector<16xi32> -> vector<16xf32>
          %add3A_711 = arith.constant 80 : i32
          %add3A_712 = arith.addi %add3A_711, %scan3A_580 : i32
          %get3A_713 = arith.constant 2 : i32
          %get3A_714 = arith.index_cast %rem3A_261 : i32 to index
          %get3A_715 = arith.index_cast %get3A_713 : i32 to index
          %get3A_716 = arith.index_cast %add3A_712 : i32 to index
          %get3A_717 = arith.constant 0 : index
          %get3A_718 = tpu.vector_load %arg8[%get3A_714, %get3A_715, %get3A_716, %get3A_717] {strides = array<i32>} : memref<4x4x128x16xi32, #tpu.memory_space<vmem>>, vector<1x1x1x16xi32>,
          %get3A_719 = vector.shape_cast %get3A_718 : vector<1x1x1x16xi32> to vector<16xi32>
          %shift_left3A_720 = arith.constant 16 : i32
          %shift_left3A_721 = vector.broadcast %shift_left3A_720 : i32 to vector<16xi32>
          %shift_left3A_722 = arith.shli %get3A_719, %shift_left3A_721 : vector<16xi32>
          %bitcast_convert_type3A_723 = tpu.bitcast %shift_left3A_722 : vector<16xi32> -> vector<16xf32>
          %and3A_724 = arith.constant -65536 : i32
          %and3A_725 = vector.broadcast %and3A_724 : i32 to vector<16xi32>
          %and3A_726 = arith.andi %get3A_719, %and3A_725 : vector<16xi32>
          %bitcast_convert_type3A_727 = tpu.bitcast %and3A_726 : vector<16xi32> -> vector<16xf32>
          %mul3A_728 = arith.mulf %gather3A_710, %bitcast_convert_type3A_723 : vector<16xf32>
          %add3A_729 = arith.addf %scan3A_591, %mul3A_728 : vector<16xf32>
          %mul3A_730 = arith.mulf %gather3A_710, %bitcast_convert_type3A_727 : vector<16xf32>
          %add3A_731 = arith.addf %scan3A_592, %mul3A_730 : vector<16xf32>
          %gather3A_732 = vector.shape_cast %broadcast_in_dim3A_597 : vector<16x1xi32> to vector<16xi32>
          %gather3A_733 = tpu.dynamic_gather %get3A_443[%gather3A_732] in [0] : vector<16xf32>, vector<16xi32> -> vector<16xf32>
          %add3A_734 = arith.constant 96 : i32
          %add3A_735 = arith.addi %add3A_734, %scan3A_580 : i32
          %get3A_736 = arith.constant 2 : i32
          %get3A_737 = arith.index_cast %rem3A_261 : i32 to index
          %get3A_738 = arith.index_cast %get3A_736 : i32 to index
          %get3A_739 = arith.index_cast %add3A_735 : i32 to index
          %get3A_740 = arith.constant 0 : index
          %get3A_741 = tpu.vector_load %arg8[%get3A_737, %get3A_738, %get3A_739, %get3A_740] {strides = array<i32>} : memref<4x4x128x16xi32, #tpu.memory_space<vmem>>, vector<1x1x1x16xi32>,
          %get3A_742 = vector.shape_cast %get3A_741 : vector<1x1x1x16xi32> to vector<16xi32>
          %shift_left3A_743 = arith.constant 16 : i32
          %shift_left3A_744 = vector.broadcast %shift_left3A_743 : i32 to vector<16xi32>
          %shift_left3A_745 = arith.shli %get3A_742, %shift_left3A_744 : vector<16xi32>
          %bitcast_convert_type3A_746 = tpu.bitcast %shift_left3A_745 : vector<16xi32> -> vector<16xf32>
          %and3A_747 = arith.constant -65536 : i32
          %and3A_748 = vector.broadcast %and3A_747 : i32 to vector<16xi32>
          %and3A_749 = arith.andi %get3A_742, %and3A_748 : vector<16xi32>
          %bitcast_convert_type3A_750 = tpu.bitcast %and3A_749 : vector<16xi32> -> vector<16xf32>
          %mul3A_751 = arith.mulf %gather3A_733, %bitcast_convert_type3A_746 : vector<16xf32>
          %add3A_752 = arith.addf %scan3A_593, %mul3A_751 : vector<16xf32>
          %mul3A_753 = arith.mulf %gather3A_733, %bitcast_convert_type3A_750 : vector<16xf32>
          %add3A_754 = arith.addf %scan3A_594, %mul3A_753 : vector<16xf32>
          %gather3A_755 = vector.shape_cast %broadcast_in_dim3A_597 : vector<16x1xi32> to vector<16xi32>
          %gather3A_756 = tpu.dynamic_gather %get3A_448[%gather3A_755] in [0] : vector<16xf32>, vector<16xi32> -> vector<16xf32>
          %add3A_757 = arith.constant 112 : i32
          %add3A_758 = arith.addi %add3A_757, %scan3A_580 : i32
          %get3A_759 = arith.constant 2 : i32
          %get3A_760 = arith.index_cast %rem3A_261 : i32 to index
          %get3A_761 = arith.index_cast %get3A_759 : i32 to index
          %get3A_762 = arith.index_cast %add3A_758 : i32 to index
          %get3A_763 = arith.constant 0 : index
          %get3A_764 = tpu.vector_load %arg8[%get3A_760, %get3A_761, %get3A_762, %get3A_763] {strides = array<i32>} : memref<4x4x128x16xi32, #tpu.memory_space<vmem>>, vector<1x1x1x16xi32>,
          %get3A_765 = vector.shape_cast %get3A_764 : vector<1x1x1x16xi32> to vector<16xi32>
          %shift_left3A_766 = arith.constant 16 : i32
          %shift_left3A_767 = vector.broadcast %shift_left3A_766 : i32 to vector<16xi32>
          %shift_left3A_768 = arith.shli %get3A_765, %shift_left3A_767 : vector<16xi32>
          %bitcast_convert_type3A_769 = tpu.bitcast %shift_left3A_768 : vector<16xi32> -> vector<16xf32>
          %and3A_770 = arith.constant -65536 : i32
          %and3A_771 = vector.broadcast %and3A_770 : i32 to vector<16xi32>
          %and3A_772 = arith.andi %get3A_765, %and3A_771 : vector<16xi32>
          %bitcast_convert_type3A_773 = tpu.bitcast %and3A_772 : vector<16xi32> -> vector<16xf32>
          %mul3A_774 = arith.mulf %gather3A_756, %bitcast_convert_type3A_769 : vector<16xf32>
          %add3A_775 = arith.addf %scan3A_595, %mul3A_774 : vector<16xf32>
          %mul3A_776 = arith.mulf %gather3A_756, %bitcast_convert_type3A_773 : vector<16xf32>
          %add3A_777 = arith.addf %scan3A_596, %mul3A_776 : vector<16xf32>
          scf.yield %add3A_614, %add3A_616, %add3A_637, %add3A_639, %add3A_660, %add3A_662, %add3A_683, %add3A_685, %add3A_706, %add3A_708, %add3A_729, %add3A_731, %add3A_752, %add3A_754, %add3A_775, %add3A_777 : vector<16xf32>, vector<16xf32>, vector<16xf32>, vector<16xf32>, vector<16xf32>, vector<16xf32>, vector<16xf32>, vector<16xf32>, vector<16xf32>, vector<16xf32>, vector<16xf32>, vector<16xf32>, vector<16xf32>, vector<16xf32>, vector<16xf32>, vector<16xf32>
        }
        %scan3A_454 = arith.constant 16 : i32
        %get3A_455 = arith.index_cast %rem3A_46 : i32 to index
        %get3A_456 = arith.index_cast %scan3A_259 : i32 to index
        %get3A_457 = arith.constant 384 : index
        %get3A_458 = tpu.vector_load %arg7[%get3A_455, %get3A_456, %get3A_457] {strides = array<i32>} : memref<2x32x512xf32, #tpu.memory_space<vmem>>, vector<1x1x16xf32>,
        %get3A_459 = vector.shape_cast %get3A_458 : vector<1x1x16xf32> to vector<16xf32>
        %get3A_460 = arith.index_cast %rem3A_46 : i32 to index
        %get3A_461 = arith.index_cast %scan3A_259 : i32 to index
        %get3A_462 = arith.constant 400 : index
        %get3A_463 = tpu.vector_load %arg7[%get3A_460, %get3A_461, %get3A_462] {strides = array<i32>} : memref<2x32x512xf32, #tpu.memory_space<vmem>>, vector<1x1x16xf32>,
        %get3A_464 = vector.shape_cast %get3A_463 : vector<1x1x16xf32> to vector<16xf32>
        %get3A_465 = arith.index_cast %rem3A_46 : i32 to index
        %get3A_466 = arith.index_cast %scan3A_259 : i32 to index
        %get3A_467 = arith.constant 416 : index
        %get3A_468 = tpu.vector_load %arg7[%get3A_465, %get3A_466, %get3A_467] {strides = array<i32>} : memref<2x32x512xf32, #tpu.memory_space<vmem>>, vector<1x1x16xf32>,
        %get3A_469 = vector.shape_cast %get3A_468 : vector<1x1x16xf32> to vector<16xf32>
        %get3A_470 = arith.index_cast %rem3A_46 : i32 to index
        %get3A_471 = arith.index_cast %scan3A_259 : i32 to index
        %get3A_472 = arith.constant 432 : index
        %get3A_473 = tpu.vector_load %arg7[%get3A_470, %get3A_471, %get3A_472] {strides = array<i32>} : memref<2x32x512xf32, #tpu.memory_space<vmem>>, vector<1x1x16xf32>,
        %get3A_474 = vector.shape_cast %get3A_473 : vector<1x1x16xf32> to vector<16xf32>
        %get3A_475 = arith.index_cast %rem3A_46 : i32 to index
        %get3A_476 = arith.index_cast %scan3A_259 : i32 to index
        %get3A_477 = arith.constant 448 : index
        %get3A_478 = tpu.vector_load %arg7[%get3A_475, %get3A_476, %get3A_477] {strides = array<i32>} : memref<2x32x512xf32, #tpu.memory_space<vmem>>, vector<1x1x16xf32>,
        %get3A_479 = vector.shape_cast %get3A_478 : vector<1x1x16xf32> to vector<16xf32>
        %get3A_480 = arith.index_cast %rem3A_46 : i32 to index
        %get3A_481 = arith.index_cast %scan3A_259 : i32 to index
        %get3A_482 = arith.constant 464 : index
        %get3A_483 = tpu.vector_load %arg7[%get3A_480, %get3A_481, %get3A_482] {strides = array<i32>} : memref<2x32x512xf32, #tpu.memory_space<vmem>>, vector<1x1x16xf32>,
        %get3A_484 = vector.shape_cast %get3A_483 : vector<1x1x16xf32> to vector<16xf32>
        %get3A_485 = arith.index_cast %rem3A_46 : i32 to index
        %get3A_486 = arith.index_cast %scan3A_259 : i32 to index
        %get3A_487 = arith.constant 480 : index
        %get3A_488 = tpu.vector_load %arg7[%get3A_485, %get3A_486, %get3A_487] {strides = array<i32>} : memref<2x32x512xf32, #tpu.memory_space<vmem>>, vector<1x1x16xf32>,
        %get3A_489 = vector.shape_cast %get3A_488 : vector<1x1x16xf32> to vector<16xf32>
        %get3A_490 = arith.index_cast %rem3A_46 : i32 to index
        %get3A_491 = arith.index_cast %scan3A_259 : i32 to index
        %get3A_492 = arith.constant 496 : index
        %get3A_493 = tpu.vector_load %arg7[%get3A_490, %get3A_491, %get3A_492] {strides = array<i32>} : memref<2x32x512xf32, #tpu.memory_space<vmem>>, vector<1x1x16xf32>,
        %get3A_494 = vector.shape_cast %get3A_493 : vector<1x1x16xf32> to vector<16xf32>
        %scan3A_495 = arith.constant 0 : i32
        %scan3A_496 = arith.constant 16 : i32
        %scan3A_497 = arith.addi %scan3A_495, %scan3A_496 : i32
        %scan3A_498 = arith.constant 1 : i32
        %scan3A_499:16 = scf.for %scan3A_580 = %scan3A_495 to %scan3A_497 step %scan3A_498 iter_args(%scan3A_581 = %scan3A_453#0, %scan3A_582 = %scan3A_453#1, %scan3A_583 = %scan3A_453#2, %scan3A_584 = %scan3A_453#3, %scan3A_585 = %scan3A_453#4, %scan3A_586 = %scan3A_453#5, %scan3A_587 = %scan3A_453#6, %scan3A_588 = %scan3A_453#7, %scan3A_589 = %scan3A_453#8, %scan3A_590 = %scan3A_453#9, %scan3A_591 = %scan3A_453#10, %scan3A_592 = %scan3A_453#11, %scan3A_593 = %scan3A_453#12, %scan3A_594 = %scan3A_453#13, %scan3A_595 = %scan3A_453#14, %scan3A_596 = %scan3A_453#15) -> (vector<16xf32>, vector<16xf32>, vector<16xf32>, vector<16xf32>, vector<16xf32>, vector<16xf32>, vector<16xf32>, vector<16xf32>, vector<16xf32>, vector<16xf32>, vector<16xf32>, vector<16xf32>, vector<16xf32>, vector<16xf32>, vector<16xf32>, vector<16xf32>)  : i32 {
          %broadcast_in_dim3A_597 = vector.broadcast %scan3A_580 : i32 to vector<16x1xi32>
          %gather3A = vector.shape_cast %broadcast_in_dim3A_597 : vector<16x1xi32> to vector<16xi32>
          %gather3A_598 = tpu.dynamic_gather %get3A_459[%gather3A] in [0] : vector<16xf32>, vector<16xi32> -> vector<16xf32>
          %add3A_599 = arith.constant 0 : i32
          %add3A_600 = arith.addi %add3A_599, %scan3A_580 : i32
          %get3A_601 = arith.constant 3 : i32
          %get3A_602 = arith.index_cast %rem3A_261 : i32 to index
          %get3A_603 = arith.index_cast %get3A_601 : i32 to index
          %get3A_604 = arith.index_cast %add3A_600 : i32 to index
          %get3A_605 = arith.constant 0 : index
          %get3A_606 = tpu.vector_load %arg8[%get3A_602, %get3A_603, %get3A_604, %get3A_605] {strides = array<i32>} : memref<4x4x128x16xi32, #tpu.memory_space<vmem>>, vector<1x1x1x16xi32>,
          %get3A_607 = vector.shape_cast %get3A_606 : vector<1x1x1x16xi32> to vector<16xi32>
          %shift_left3A = arith.constant 16 : i32
          %shift_left3A_608 = vector.broadcast %shift_left3A : i32 to vector<16xi32>
          %shift_left3A_609 = arith.shli %get3A_607, %shift_left3A_608 : vector<16xi32>
          %bitcast_convert_type3A = tpu.bitcast %shift_left3A_609 : vector<16xi32> -> vector<16xf32>
          %and3A = arith.constant -65536 : i32
          %and3A_610 = vector.broadcast %and3A : i32 to vector<16xi32>
          %and3A_611 = arith.andi %get3A_607, %and3A_610 : vector<16xi32>
          %bitcast_convert_type3A_612 = tpu.bitcast %and3A_611 : vector<16xi32> -> vector<16xf32>
          %mul3A_613 = arith.mulf %gather3A_598, %bitcast_convert_type3A : vector<16xf32>
          %add3A_614 = arith.addf %scan3A_581, %mul3A_613 : vector<16xf32>
          %mul3A_615 = arith.mulf %gather3A_598, %bitcast_convert_type3A_612 : vector<16xf32>
          %add3A_616 = arith.addf %scan3A_582, %mul3A_615 : vector<16xf32>
          %gather3A_617 = vector.shape_cast %broadcast_in_dim3A_597 : vector<16x1xi32> to vector<16xi32>
          %gather3A_618 = tpu.dynamic_gather %get3A_464[%gather3A_617] in [0] : vector<16xf32>, vector<16xi32> -> vector<16xf32>
          %add3A_619 = arith.constant 16 : i32
          %add3A_620 = arith.addi %add3A_619, %scan3A_580 : i32
          %get3A_621 = arith.constant 3 : i32
          %get3A_622 = arith.index_cast %rem3A_261 : i32 to index
          %get3A_623 = arith.index_cast %get3A_621 : i32 to index
          %get3A_624 = arith.index_cast %add3A_620 : i32 to index
          %get3A_625 = arith.constant 0 : index
          %get3A_626 = tpu.vector_load %arg8[%get3A_622, %get3A_623, %get3A_624, %get3A_625] {strides = array<i32>} : memref<4x4x128x16xi32, #tpu.memory_space<vmem>>, vector<1x1x1x16xi32>,
          %get3A_627 = vector.shape_cast %get3A_626 : vector<1x1x1x16xi32> to vector<16xi32>
          %shift_left3A_628 = arith.constant 16 : i32
          %shift_left3A_629 = vector.broadcast %shift_left3A_628 : i32 to vector<16xi32>
          %shift_left3A_630 = arith.shli %get3A_627, %shift_left3A_629 : vector<16xi32>
          %bitcast_convert_type3A_631 = tpu.bitcast %shift_left3A_630 : vector<16xi32> -> vector<16xf32>
          %and3A_632 = arith.constant -65536 : i32
          %and3A_633 = vector.broadcast %and3A_632 : i32 to vector<16xi32>
          %and3A_634 = arith.andi %get3A_627, %and3A_633 : vector<16xi32>
          %bitcast_convert_type3A_635 = tpu.bitcast %and3A_634 : vector<16xi32> -> vector<16xf32>
          %mul3A_636 = arith.mulf %gather3A_618, %bitcast_convert_type3A_631 : vector<16xf32>
          %add3A_637 = arith.addf %scan3A_583, %mul3A_636 : vector<16xf32>
          %mul3A_638 = arith.mulf %gather3A_618, %bitcast_convert_type3A_635 : vector<16xf32>
          %add3A_639 = arith.addf %scan3A_584, %mul3A_638 : vector<16xf32>
          %gather3A_640 = vector.shape_cast %broadcast_in_dim3A_597 : vector<16x1xi32> to vector<16xi32>
          %gather3A_641 = tpu.dynamic_gather %get3A_469[%gather3A_640] in [0] : vector<16xf32>, vector<16xi32> -> vector<16xf32>
          %add3A_642 = arith.constant 32 : i32
          %add3A_643 = arith.addi %add3A_642, %scan3A_580 : i32
          %get3A_644 = arith.constant 3 : i32
          %get3A_645 = arith.index_cast %rem3A_261 : i32 to index
          %get3A_646 = arith.index_cast %get3A_644 : i32 to index
          %get3A_647 = arith.index_cast %add3A_643 : i32 to index
          %get3A_648 = arith.constant 0 : index
          %get3A_649 = tpu.vector_load %arg8[%get3A_645, %get3A_646, %get3A_647, %get3A_648] {strides = array<i32>} : memref<4x4x128x16xi32, #tpu.memory_space<vmem>>, vector<1x1x1x16xi32>,
          %get3A_650 = vector.shape_cast %get3A_649 : vector<1x1x1x16xi32> to vector<16xi32>
          %shift_left3A_651 = arith.constant 16 : i32
          %shift_left3A_652 = vector.broadcast %shift_left3A_651 : i32 to vector<16xi32>
          %shift_left3A_653 = arith.shli %get3A_650, %shift_left3A_652 : vector<16xi32>
          %bitcast_convert_type3A_654 = tpu.bitcast %shift_left3A_653 : vector<16xi32> -> vector<16xf32>
          %and3A_655 = arith.constant -65536 : i32
          %and3A_656 = vector.broadcast %and3A_655 : i32 to vector<16xi32>
          %and3A_657 = arith.andi %get3A_650, %and3A_656 : vector<16xi32>
          %bitcast_convert_type3A_658 = tpu.bitcast %and3A_657 : vector<16xi32> -> vector<16xf32>
          %mul3A_659 = arith.mulf %gather3A_641, %bitcast_convert_type3A_654 : vector<16xf32>
          %add3A_660 = arith.addf %scan3A_585, %mul3A_659 : vector<16xf32>
          %mul3A_661 = arith.mulf %gather3A_641, %bitcast_convert_type3A_658 : vector<16xf32>
          %add3A_662 = arith.addf %scan3A_586, %mul3A_661 : vector<16xf32>
          %gather3A_663 = vector.shape_cast %broadcast_in_dim3A_597 : vector<16x1xi32> to vector<16xi32>
          %gather3A_664 = tpu.dynamic_gather %get3A_474[%gather3A_663] in [0] : vector<16xf32>, vector<16xi32> -> vector<16xf32>
          %add3A_665 = arith.constant 48 : i32
          %add3A_666 = arith.addi %add3A_665, %scan3A_580 : i32
          %get3A_667 = arith.constant 3 : i32
          %get3A_668 = arith.index_cast %rem3A_261 : i32 to index
          %get3A_669 = arith.index_cast %get3A_667 : i32 to index
          %get3A_670 = arith.index_cast %add3A_666 : i32 to index
          %get3A_671 = arith.constant 0 : index
          %get3A_672 = tpu.vector_load %arg8[%get3A_668, %get3A_669, %get3A_670, %get3A_671] {strides = array<i32>} : memref<4x4x128x16xi32, #tpu.memory_space<vmem>>, vector<1x1x1x16xi32>,
          %get3A_673 = vector.shape_cast %get3A_672 : vector<1x1x1x16xi32> to vector<16xi32>
          %shift_left3A_674 = arith.constant 16 : i32
          %shift_left3A_675 = vector.broadcast %shift_left3A_674 : i32 to vector<16xi32>
          %shift_left3A_676 = arith.shli %get3A_673, %shift_left3A_675 : vector<16xi32>
          %bitcast_convert_type3A_677 = tpu.bitcast %shift_left3A_676 : vector<16xi32> -> vector<16xf32>
          %and3A_678 = arith.constant -65536 : i32
          %and3A_679 = vector.broadcast %and3A_678 : i32 to vector<16xi32>
          %and3A_680 = arith.andi %get3A_673, %and3A_679 : vector<16xi32>
          %bitcast_convert_type3A_681 = tpu.bitcast %and3A_680 : vector<16xi32> -> vector<16xf32>
          %mul3A_682 = arith.mulf %gather3A_664, %bitcast_convert_type3A_677 : vector<16xf32>
          %add3A_683 = arith.addf %scan3A_587, %mul3A_682 : vector<16xf32>
          %mul3A_684 = arith.mulf %gather3A_664, %bitcast_convert_type3A_681 : vector<16xf32>
          %add3A_685 = arith.addf %scan3A_588, %mul3A_684 : vector<16xf32>
          %gather3A_686 = vector.shape_cast %broadcast_in_dim3A_597 : vector<16x1xi32> to vector<16xi32>
          %gather3A_687 = tpu.dynamic_gather %get3A_479[%gather3A_686] in [0] : vector<16xf32>, vector<16xi32> -> vector<16xf32>
          %add3A_688 = arith.constant 64 : i32
          %add3A_689 = arith.addi %add3A_688, %scan3A_580 : i32
          %get3A_690 = arith.constant 3 : i32
          %get3A_691 = arith.index_cast %rem3A_261 : i32 to index
          %get3A_692 = arith.index_cast %get3A_690 : i32 to index
          %get3A_693 = arith.index_cast %add3A_689 : i32 to index
          %get3A_694 = arith.constant 0 : index
          %get3A_695 = tpu.vector_load %arg8[%get3A_691, %get3A_692, %get3A_693, %get3A_694] {strides = array<i32>} : memref<4x4x128x16xi32, #tpu.memory_space<vmem>>, vector<1x1x1x16xi32>,
          %get3A_696 = vector.shape_cast %get3A_695 : vector<1x1x1x16xi32> to vector<16xi32>
          %shift_left3A_697 = arith.constant 16 : i32
          %shift_left3A_698 = vector.broadcast %shift_left3A_697 : i32 to vector<16xi32>
          %shift_left3A_699 = arith.shli %get3A_696, %shift_left3A_698 : vector<16xi32>
          %bitcast_convert_type3A_700 = tpu.bitcast %shift_left3A_699 : vector<16xi32> -> vector<16xf32>
          %and3A_701 = arith.constant -65536 : i32
          %and3A_702 = vector.broadcast %and3A_701 : i32 to vector<16xi32>
          %and3A_703 = arith.andi %get3A_696, %and3A_702 : vector<16xi32>
          %bitcast_convert_type3A_704 = tpu.bitcast %and3A_703 : vector<16xi32> -> vector<16xf32>
          %mul3A_705 = arith.mulf %gather3A_687, %bitcast_convert_type3A_700 : vector<16xf32>
          %add3A_706 = arith.addf %scan3A_589, %mul3A_705 : vector<16xf32>
          %mul3A_707 = arith.mulf %gather3A_687, %bitcast_convert_type3A_704 : vector<16xf32>
          %add3A_708 = arith.addf %scan3A_590, %mul3A_707 : vector<16xf32>
          %gather3A_709 = vector.shape_cast %broadcast_in_dim3A_597 : vector<16x1xi32> to vector<16xi32>
          %gather3A_710 = tpu.dynamic_gather %get3A_484[%gather3A_709] in [0] : vector<16xf32>, vector<16xi32> -> vector<16xf32>
          %add3A_711 = arith.constant 80 : i32
          %add3A_712 = arith.addi %add3A_711, %scan3A_580 : i32
          %get3A_713 = arith.constant 3 : i32
          %get3A_714 = arith.index_cast %rem3A_261 : i32 to index
          %get3A_715 = arith.index_cast %get3A_713 : i32 to index
          %get3A_716 = arith.index_cast %add3A_712 : i32 to index
          %get3A_717 = arith.constant 0 : index
          %get3A_718 = tpu.vector_load %arg8[%get3A_714, %get3A_715, %get3A_716, %get3A_717] {strides = array<i32>} : memref<4x4x128x16xi32, #tpu.memory_space<vmem>>, vector<1x1x1x16xi32>,
          %get3A_719 = vector.shape_cast %get3A_718 : vector<1x1x1x16xi32> to vector<16xi32>
          %shift_left3A_720 = arith.constant 16 : i32
          %shift_left3A_721 = vector.broadcast %shift_left3A_720 : i32 to vector<16xi32>
          %shift_left3A_722 = arith.shli %get3A_719, %shift_left3A_721 : vector<16xi32>
          %bitcast_convert_type3A_723 = tpu.bitcast %shift_left3A_722 : vector<16xi32> -> vector<16xf32>
          %and3A_724 = arith.constant -65536 : i32
          %and3A_725 = vector.broadcast %and3A_724 : i32 to vector<16xi32>
          %and3A_726 = arith.andi %get3A_719, %and3A_725 : vector<16xi32>
          %bitcast_convert_type3A_727 = tpu.bitcast %and3A_726 : vector<16xi32> -> vector<16xf32>
          %mul3A_728 = arith.mulf %gather3A_710, %bitcast_convert_type3A_723 : vector<16xf32>
          %add3A_729 = arith.addf %scan3A_591, %mul3A_728 : vector<16xf32>
          %mul3A_730 = arith.mulf %gather3A_710, %bitcast_convert_type3A_727 : vector<16xf32>
          %add3A_731 = arith.addf %scan3A_592, %mul3A_730 : vector<16xf32>
          %gather3A_732 = vector.shape_cast %broadcast_in_dim3A_597 : vector<16x1xi32> to vector<16xi32>
          %gather3A_733 = tpu.dynamic_gather %get3A_489[%gather3A_732] in [0] : vector<16xf32>, vector<16xi32> -> vector<16xf32>
          %add3A_734 = arith.constant 96 : i32
          %add3A_735 = arith.addi %add3A_734, %scan3A_580 : i32
          %get3A_736 = arith.constant 3 : i32
          %get3A_737 = arith.index_cast %rem3A_261 : i32 to index
          %get3A_738 = arith.index_cast %get3A_736 : i32 to index
          %get3A_739 = arith.index_cast %add3A_735 : i32 to index
          %get3A_740 = arith.constant 0 : index
          %get3A_741 = tpu.vector_load %arg8[%get3A_737, %get3A_738, %get3A_739, %get3A_740] {strides = array<i32>} : memref<4x4x128x16xi32, #tpu.memory_space<vmem>>, vector<1x1x1x16xi32>,
          %get3A_742 = vector.shape_cast %get3A_741 : vector<1x1x1x16xi32> to vector<16xi32>
          %shift_left3A_743 = arith.constant 16 : i32
          %shift_left3A_744 = vector.broadcast %shift_left3A_743 : i32 to vector<16xi32>
          %shift_left3A_745 = arith.shli %get3A_742, %shift_left3A_744 : vector<16xi32>
          %bitcast_convert_type3A_746 = tpu.bitcast %shift_left3A_745 : vector<16xi32> -> vector<16xf32>
          %and3A_747 = arith.constant -65536 : i32
          %and3A_748 = vector.broadcast %and3A_747 : i32 to vector<16xi32>
          %and3A_749 = arith.andi %get3A_742, %and3A_748 : vector<16xi32>
          %bitcast_convert_type3A_750 = tpu.bitcast %and3A_749 : vector<16xi32> -> vector<16xf32>
          %mul3A_751 = arith.mulf %gather3A_733, %bitcast_convert_type3A_746 : vector<16xf32>
          %add3A_752 = arith.addf %scan3A_593, %mul3A_751 : vector<16xf32>
          %mul3A_753 = arith.mulf %gather3A_733, %bitcast_convert_type3A_750 : vector<16xf32>
          %add3A_754 = arith.addf %scan3A_594, %mul3A_753 : vector<16xf32>
          %gather3A_755 = vector.shape_cast %broadcast_in_dim3A_597 : vector<16x1xi32> to vector<16xi32>
          %gather3A_756 = tpu.dynamic_gather %get3A_494[%gather3A_755] in [0] : vector<16xf32>, vector<16xi32> -> vector<16xf32>
          %add3A_757 = arith.constant 112 : i32
          %add3A_758 = arith.addi %add3A_757, %scan3A_580 : i32
          %get3A_759 = arith.constant 3 : i32
          %get3A_760 = arith.index_cast %rem3A_261 : i32 to index
          %get3A_761 = arith.index_cast %get3A_759 : i32 to index
          %get3A_762 = arith.index_cast %add3A_758 : i32 to index
          %get3A_763 = arith.constant 0 : index
          %get3A_764 = tpu.vector_load %arg8[%get3A_760, %get3A_761, %get3A_762, %get3A_763] {strides = array<i32>} : memref<4x4x128x16xi32, #tpu.memory_space<vmem>>, vector<1x1x1x16xi32>,
          %get3A_765 = vector.shape_cast %get3A_764 : vector<1x1x1x16xi32> to vector<16xi32>
          %shift_left3A_766 = arith.constant 16 : i32
          %shift_left3A_767 = vector.broadcast %shift_left3A_766 : i32 to vector<16xi32>
          %shift_left3A_768 = arith.shli %get3A_765, %shift_left3A_767 : vector<16xi32>
          %bitcast_convert_type3A_769 = tpu.bitcast %shift_left3A_768 : vector<16xi32> -> vector<16xf32>
          %and3A_770 = arith.constant -65536 : i32
          %and3A_771 = vector.broadcast %and3A_770 : i32 to vector<16xi32>
          %and3A_772 = arith.andi %get3A_765, %and3A_771 : vector<16xi32>
          %bitcast_convert_type3A_773 = tpu.bitcast %and3A_772 : vector<16xi32> -> vector<16xf32>
          %mul3A_774 = arith.mulf %gather3A_756, %bitcast_convert_type3A_769 : vector<16xf32>
          %add3A_775 = arith.addf %scan3A_595, %mul3A_774 : vector<16xf32>
          %mul3A_776 = arith.mulf %gather3A_756, %bitcast_convert_type3A_773 : vector<16xf32>
          %add3A_777 = arith.addf %scan3A_596, %mul3A_776 : vector<16xf32>
          scf.yield %add3A_614, %add3A_616, %add3A_637, %add3A_639, %add3A_660, %add3A_662, %add3A_683, %add3A_685, %add3A_706, %add3A_708, %add3A_729, %add3A_731, %add3A_752, %add3A_754, %add3A_775, %add3A_777 : vector<16xf32>, vector<16xf32>, vector<16xf32>, vector<16xf32>, vector<16xf32>, vector<16xf32>, vector<16xf32>, vector<16xf32>, vector<16xf32>, vector<16xf32>, vector<16xf32>, vector<16xf32>, vector<16xf32>, vector<16xf32>, vector<16xf32>, vector<16xf32>
        }
        %scan3A_500 = arith.constant 16 : i32
        %swap3A = arith.index_cast %scan3A_259 : i32 to index
        %swap3A_501 = arith.constant 0 : index
        %swap3A_502 = tpu.vector_load %arg9[%swap3A, %swap3A_501] {strides = array<i32>} : memref<32x256xf32, #tpu.memory_space<vmem>>, vector<1x16xf32>,
        %swap3A_503 = vector.shape_cast %swap3A_502 : vector<1x16xf32> to vector<16xf32>
        %swap3A_504 = vector.shape_cast %scan3A_499#0 : vector<16xf32> to vector<1x16xf32>
        tpu.vector_store %arg9[%swap3A, %swap3A_501], %swap3A_504 {strides = array<i32>} : memref<32x256xf32, #tpu.memory_space<vmem>>, vector<1x16xf32>,
        %swap3A_505 = arith.index_cast %scan3A_259 : i32 to index
        %swap3A_506 = arith.constant 16 : index
        %swap3A_507 = tpu.vector_load %arg9[%swap3A_505, %swap3A_506] {strides = array<i32>} : memref<32x256xf32, #tpu.memory_space<vmem>>, vector<1x16xf32>,
        %swap3A_508 = vector.shape_cast %swap3A_507 : vector<1x16xf32> to vector<16xf32>
        %swap3A_509 = vector.shape_cast %scan3A_499#1 : vector<16xf32> to vector<1x16xf32>
        tpu.vector_store %arg9[%swap3A_505, %swap3A_506], %swap3A_509 {strides = array<i32>} : memref<32x256xf32, #tpu.memory_space<vmem>>, vector<1x16xf32>,
        %swap3A_510 = arith.index_cast %scan3A_259 : i32 to index
        %swap3A_511 = arith.constant 32 : index
        %swap3A_512 = tpu.vector_load %arg9[%swap3A_510, %swap3A_511] {strides = array<i32>} : memref<32x256xf32, #tpu.memory_space<vmem>>, vector<1x16xf32>,
        %swap3A_513 = vector.shape_cast %swap3A_512 : vector<1x16xf32> to vector<16xf32>
        %swap3A_514 = vector.shape_cast %scan3A_499#2 : vector<16xf32> to vector<1x16xf32>
        tpu.vector_store %arg9[%swap3A_510, %swap3A_511], %swap3A_514 {strides = array<i32>} : memref<32x256xf32, #tpu.memory_space<vmem>>, vector<1x16xf32>,
        %swap3A_515 = arith.index_cast %scan3A_259 : i32 to index
        %swap3A_516 = arith.constant 48 : index
        %swap3A_517 = tpu.vector_load %arg9[%swap3A_515, %swap3A_516] {strides = array<i32>} : memref<32x256xf32, #tpu.memory_space<vmem>>, vector<1x16xf32>,
        %swap3A_518 = vector.shape_cast %swap3A_517 : vector<1x16xf32> to vector<16xf32>
        %swap3A_519 = vector.shape_cast %scan3A_499#3 : vector<16xf32> to vector<1x16xf32>
        tpu.vector_store %arg9[%swap3A_515, %swap3A_516], %swap3A_519 {strides = array<i32>} : memref<32x256xf32, #tpu.memory_space<vmem>>, vector<1x16xf32>,
        %swap3A_520 = arith.index_cast %scan3A_259 : i32 to index
        %swap3A_521 = arith.constant 64 : index
        %swap3A_522 = tpu.vector_load %arg9[%swap3A_520, %swap3A_521] {strides = array<i32>} : memref<32x256xf32, #tpu.memory_space<vmem>>, vector<1x16xf32>,
        %swap3A_523 = vector.shape_cast %swap3A_522 : vector<1x16xf32> to vector<16xf32>
        %swap3A_524 = vector.shape_cast %scan3A_499#4 : vector<16xf32> to vector<1x16xf32>
        tpu.vector_store %arg9[%swap3A_520, %swap3A_521], %swap3A_524 {strides = array<i32>} : memref<32x256xf32, #tpu.memory_space<vmem>>, vector<1x16xf32>,
        %swap3A_525 = arith.index_cast %scan3A_259 : i32 to index
        %swap3A_526 = arith.constant 80 : index
        %swap3A_527 = tpu.vector_load %arg9[%swap3A_525, %swap3A_526] {strides = array<i32>} : memref<32x256xf32, #tpu.memory_space<vmem>>, vector<1x16xf32>,
        %swap3A_528 = vector.shape_cast %swap3A_527 : vector<1x16xf32> to vector<16xf32>
        %swap3A_529 = vector.shape_cast %scan3A_499#5 : vector<16xf32> to vector<1x16xf32>
        tpu.vector_store %arg9[%swap3A_525, %swap3A_526], %swap3A_529 {strides = array<i32>} : memref<32x256xf32, #tpu.memory_space<vmem>>, vector<1x16xf32>,
        %swap3A_530 = arith.index_cast %scan3A_259 : i32 to index
        %swap3A_531 = arith.constant 96 : index
        %swap3A_532 = tpu.vector_load %arg9[%swap3A_530, %swap3A_531] {strides = array<i32>} : memref<32x256xf32, #tpu.memory_space<vmem>>, vector<1x16xf32>,
        %swap3A_533 = vector.shape_cast %swap3A_532 : vector<1x16xf32> to vector<16xf32>
        %swap3A_534 = vector.shape_cast %scan3A_499#6 : vector<16xf32> to vector<1x16xf32>
        tpu.vector_store %arg9[%swap3A_530, %swap3A_531], %swap3A_534 {strides = array<i32>} : memref<32x256xf32, #tpu.memory_space<vmem>>, vector<1x16xf32>,
        %swap3A_535 = arith.index_cast %scan3A_259 : i32 to index
        %swap3A_536 = arith.constant 112 : index
        %swap3A_537 = tpu.vector_load %arg9[%swap3A_535, %swap3A_536] {strides = array<i32>} : memref<32x256xf32, #tpu.memory_space<vmem>>, vector<1x16xf32>,
        %swap3A_538 = vector.shape_cast %swap3A_537 : vector<1x16xf32> to vector<16xf32>
        %swap3A_539 = vector.shape_cast %scan3A_499#7 : vector<16xf32> to vector<1x16xf32>
        tpu.vector_store %arg9[%swap3A_535, %swap3A_536], %swap3A_539 {strides = array<i32>} : memref<32x256xf32, #tpu.memory_space<vmem>>, vector<1x16xf32>,
        %swap3A_540 = arith.index_cast %scan3A_259 : i32 to index
        %swap3A_541 = arith.constant 128 : index
        %swap3A_542 = tpu.vector_load %arg9[%swap3A_540, %swap3A_541] {strides = array<i32>} : memref<32x256xf32, #tpu.memory_space<vmem>>, vector<1x16xf32>,
        %swap3A_543 = vector.shape_cast %swap3A_542 : vector<1x16xf32> to vector<16xf32>
        %swap3A_544 = vector.shape_cast %scan3A_499#8 : vector<16xf32> to vector<1x16xf32>
        tpu.vector_store %arg9[%swap3A_540, %swap3A_541], %swap3A_544 {strides = array<i32>} : memref<32x256xf32, #tpu.memory_space<vmem>>, vector<1x16xf32>,
        %swap3A_545 = arith.index_cast %scan3A_259 : i32 to index
        %swap3A_546 = arith.constant 144 : index
        %swap3A_547 = tpu.vector_load %arg9[%swap3A_545, %swap3A_546] {strides = array<i32>} : memref<32x256xf32, #tpu.memory_space<vmem>>, vector<1x16xf32>,
        %swap3A_548 = vector.shape_cast %swap3A_547 : vector<1x16xf32> to vector<16xf32>
        %swap3A_549 = vector.shape_cast %scan3A_499#9 : vector<16xf32> to vector<1x16xf32>
        tpu.vector_store %arg9[%swap3A_545, %swap3A_546], %swap3A_549 {strides = array<i32>} : memref<32x256xf32, #tpu.memory_space<vmem>>, vector<1x16xf32>,
        %swap3A_550 = arith.index_cast %scan3A_259 : i32 to index
        %swap3A_551 = arith.constant 160 : index
        %swap3A_552 = tpu.vector_load %arg9[%swap3A_550, %swap3A_551] {strides = array<i32>} : memref<32x256xf32, #tpu.memory_space<vmem>>, vector<1x16xf32>,
        %swap3A_553 = vector.shape_cast %swap3A_552 : vector<1x16xf32> to vector<16xf32>
        %swap3A_554 = vector.shape_cast %scan3A_499#10 : vector<16xf32> to vector<1x16xf32>
        tpu.vector_store %arg9[%swap3A_550, %swap3A_551], %swap3A_554 {strides = array<i32>} : memref<32x256xf32, #tpu.memory_space<vmem>>, vector<1x16xf32>,
        %swap3A_555 = arith.index_cast %scan3A_259 : i32 to index
        %swap3A_556 = arith.constant 176 : index
        %swap3A_557 = tpu.vector_load %arg9[%swap3A_555, %swap3A_556] {strides = array<i32>} : memref<32x256xf32, #tpu.memory_space<vmem>>, vector<1x16xf32>,
        %swap3A_558 = vector.shape_cast %swap3A_557 : vector<1x16xf32> to vector<16xf32>
        %swap3A_559 = vector.shape_cast %scan3A_499#11 : vector<16xf32> to vector<1x16xf32>
        tpu.vector_store %arg9[%swap3A_555, %swap3A_556], %swap3A_559 {strides = array<i32>} : memref<32x256xf32, #tpu.memory_space<vmem>>, vector<1x16xf32>,
        %swap3A_560 = arith.index_cast %scan3A_259 : i32 to index
        %swap3A_561 = arith.constant 192 : index
        %swap3A_562 = tpu.vector_load %arg9[%swap3A_560, %swap3A_561] {strides = array<i32>} : memref<32x256xf32, #tpu.memory_space<vmem>>, vector<1x16xf32>,
        %swap3A_563 = vector.shape_cast %swap3A_562 : vector<1x16xf32> to vector<16xf32>
        %swap3A_564 = vector.shape_cast %scan3A_499#12 : vector<16xf32> to vector<1x16xf32>
        tpu.vector_store %arg9[%swap3A_560, %swap3A_561], %swap3A_564 {strides = array<i32>} : memref<32x256xf32, #tpu.memory_space<vmem>>, vector<1x16xf32>,
        %swap3A_565 = arith.index_cast %scan3A_259 : i32 to index
        %swap3A_566 = arith.constant 208 : index
        %swap3A_567 = tpu.vector_load %arg9[%swap3A_565, %swap3A_566] {strides = array<i32>} : memref<32x256xf32, #tpu.memory_space<vmem>>, vector<1x16xf32>,
        %swap3A_568 = vector.shape_cast %swap3A_567 : vector<1x16xf32> to vector<16xf32>
        %swap3A_569 = vector.shape_cast %scan3A_499#13 : vector<16xf32> to vector<1x16xf32>
        tpu.vector_store %arg9[%swap3A_565, %swap3A_566], %swap3A_569 {strides = array<i32>} : memref<32x256xf32, #tpu.memory_space<vmem>>, vector<1x16xf32>,
        %swap3A_570 = arith.index_cast %scan3A_259 : i32 to index
        %swap3A_571 = arith.constant 224 : index
        %swap3A_572 = tpu.vector_load %arg9[%swap3A_570, %swap3A_571] {strides = array<i32>} : memref<32x256xf32, #tpu.memory_space<vmem>>, vector<1x16xf32>,
        %swap3A_573 = vector.shape_cast %swap3A_572 : vector<1x16xf32> to vector<16xf32>
        %swap3A_574 = vector.shape_cast %scan3A_499#14 : vector<16xf32> to vector<1x16xf32>
        tpu.vector_store %arg9[%swap3A_570, %swap3A_571], %swap3A_574 {strides = array<i32>} : memref<32x256xf32, #tpu.memory_space<vmem>>, vector<1x16xf32>,
        %swap3A_575 = arith.index_cast %scan3A_259 : i32 to index
        %swap3A_576 = arith.constant 240 : index
        %swap3A_577 = tpu.vector_load %arg9[%swap3A_575, %swap3A_576] {strides = array<i32>} : memref<32x256xf32, #tpu.memory_space<vmem>>, vector<1x16xf32>,
        %swap3A_578 = vector.shape_cast %swap3A_577 : vector<1x16xf32> to vector<16xf32>
        %swap3A_579 = vector.shape_cast %scan3A_499#15 : vector<16xf32> to vector<1x16xf32>
        tpu.vector_store %arg9[%swap3A_575, %swap3A_576], %swap3A_579 {strides = array<i32>} : memref<32x256xf32, #tpu.memory_space<vmem>>, vector<1x16xf32>,
      }
      %scan3A_258 = arith.constant 32 : i32
      "tpu.region"() ({
        %run_scoped3A = tpu.sem_alloc : memref<!tpu.dma_semaphore, #tpu.memory_space<semaphore_mem>>
        %dma_start3A_259 = arith.constant 0 : i32
        %dma_start3A_260 = tpu.memref_slice %arg5[%add3A_44, %dma_start3A_259] : memref<10240x256xf32, #tpu.memory_space<hbm>> -> memref<32x256xf32, #tpu.memory_space<hbm>>
        %dma_start3A_261 = arith.constant 0 : i32
        %dma_start3A_262 = tpu.memref_slice %arg5[%add3A_44, %dma_start3A_261] : memref<10240x256xf32, #tpu.memory_space<hbm>> -> memref<32x256xf32, #tpu.memory_space<hbm>>
        tpu.enqueue_dma source(%arg9 : memref<32x256xf32, #tpu.memory_space<vmem>>) target(%dma_start3A_262 : memref<32x256xf32, #tpu.memory_space<hbm>>) target_semaphore(%run_scoped3A : memref<!tpu.dma_semaphore, #tpu.memory_space<semaphore_mem>>)
        %dma_wait3A_263 = arith.constant 0 : i32
        %dma_wait3A_264 = tpu.memref_slice %arg5[%add3A_44, %dma_wait3A_263] : memref<10240x256xf32, #tpu.memory_space<hbm>> -> memref<32x256xf32, #tpu.memory_space<hbm>>
        %dma_wait3A_265 = arith.constant 0 : i32
        %dma_wait3A_266 = tpu.memref_slice %arg5[%add3A_44, %dma_wait3A_265] : memref<10240x256xf32, #tpu.memory_space<hbm>> -> memref<32x256xf32, #tpu.memory_space<hbm>>
        tpu.wait_dma2 semaphore(%run_scoped3A : memref<!tpu.dma_semaphore, #tpu.memory_space<semaphore_mem>>) src(%arg9 : memref<32x256xf32, #tpu.memory_space<vmem>>) dst(%dma_wait3A_266 : memref<32x256xf32, #tpu.memory_space<hbm>>)
        tpu.yield
      }) : () -> ()
    }
    %scan3A_38 = arith.constant 10 : i32
    return
  }
}

module attributes {stable_mosaic.version = 14 : i64} {
  func.func @_idxw_kernel(%arg0: i32, %arg1: memref<1024x256xf32, #tpu.memory_space<vmem>>, %arg2: memref<1024x2xf32, #tpu.memory_space<vmem>>, %arg3: memref<8x128xi32, #tpu.memory_space<vmem>>, %arg4: memref<256x128xf32, #tpu.memory_space<vmem>>, %arg5: memref<256x128xf32, #tpu.memory_space<vmem>>, %arg6: memref<8x128xf32, #tpu.memory_space<vmem>>, %arg7: memref<8x128xf32, #tpu.memory_space<vmem>>, %arg8: memref<256x128xf32, #tpu.memory_space<vmem>>, %arg9: memref<8x128xf32, #tpu.memory_space<vmem>>, %arg10: memref<128x128xf32, #tpu.memory_space<vmem>>, %arg11: memref<8x128xf32, #tpu.memory_space<vmem>>, %arg12: memref<8x128xi32, #tpu.memory_space<vmem>>, %arg13: memref<8x128xi32, #tpu.memory_space<vmem>>, %arg14: memref<8x128xi32, #tpu.memory_space<vmem>>, %arg15: memref<1024x512xi32, #tpu.memory_space<vmem>>, %arg16: memref<1024x512xf32, #tpu.memory_space<vmem>>) attributes {dimension_semantics = [#tpu.dimension_semantics<arbitrary>], iteration_bounds = array<i64: 10>, scalar_prefetch = 0 : i64, scratch_operands = 0 : i64, tpu.core_type = #tpu.core_type<tc>, window_params = [{transform_indices = @transform_0, window_bounds = array<i64: 1024, 256>}, {transform_indices = @transform_1, window_bounds = array<i64: 1024, 2>}, {pipeline_mode = #tpu.pipeline_mode<synchronous>, transform_indices = @transform_2, window_bounds = array<i64: 8, 128>}, {pipeline_mode = #tpu.pipeline_mode<synchronous>, transform_indices = @transform_3, window_bounds = array<i64: 256, 128>}, {pipeline_mode = #tpu.pipeline_mode<synchronous>, transform_indices = @transform_4, window_bounds = array<i64: 256, 128>}, {pipeline_mode = #tpu.pipeline_mode<synchronous>, transform_indices = @transform_5, window_bounds = array<i64: 8, 128>}, {pipeline_mode = #tpu.pipeline_mode<synchronous>, transform_indices = @transform_6, window_bounds = array<i64: 8, 128>}, {pipeline_mode = #tpu.pipeline_mode<synchronous>, transform_indices = @transform_7, window_bounds = array<i64: 256, 128>}, {pipeline_mode = #tpu.pipeline_mode<synchronous>, transform_indices = @transform_8, window_bounds = array<i64: 8, 128>}, {pipeline_mode = #tpu.pipeline_mode<synchronous>, transform_indices = @transform_9, window_bounds = array<i64: 128, 128>}, {pipeline_mode = #tpu.pipeline_mode<synchronous>, transform_indices = @transform_10, window_bounds = array<i64: 8, 128>}, {pipeline_mode = #tpu.pipeline_mode<synchronous>, transform_indices = @transform_11, window_bounds = array<i64: 8, 128>}, {pipeline_mode = #tpu.pipeline_mode<synchronous>, transform_indices = @transform_12, window_bounds = array<i64: 8, 128>}, {pipeline_mode = #tpu.pipeline_mode<synchronous>, transform_indices = @transform_13, window_bounds = array<i64: 8, 128>}, {transform_indices = @transform_14, window_bounds = array<i64: 1024, 512>}, {transform_indices = @transform_15, window_bounds = array<i64: 1024, 512>}]} {
    %iota3A = tpu.iota {dimensions = array<i32: 0>} : vector<1024x128xi32>
    %mul3A = arith.constant 1024 : i32
    %mul3A_0 = arith.muli %arg0, %mul3A : i32
    %add3A = vector.broadcast %mul3A_0 : i32 to vector<1024x128xi32>
    %add3A_1 = arith.addi %iota3A, %add3A : vector<1024x128xi32>
    %broadcast_in_dim3A = arith.constant -1 : i32
    %broadcast_in_dim3A_2 = vector.broadcast %broadcast_in_dim3A : i32 to vector<1024x128xi32>
    %get3A = arith.constant 0 : index
    %get3A_3 = arith.constant 0 : index
    %get3A_4 = vector.load %arg3[%get3A, %get3A_3] : memref<8x128xi32, #tpu.memory_space<vmem>>, vector<1x1xi32>
    %get3A_5 = vector.extract %get3A_4[0, 0] : i32 from vector<1x1xi32>
    %ge3A = vector.broadcast %get3A_5 : i32 to vector<1024x128xi32>
    %ge3A_6 = arith.cmpi sge, %add3A_1, %ge3A : vector<1024x128xi32>
    %convert_element_type3A = arith.extui %ge3A_6 : vector<1024x128xi1> to vector<1024x128xi32>
    %add3A_7 = arith.addi %broadcast_in_dim3A_2, %convert_element_type3A : vector<1024x128xi32>
    %get3A_8 = arith.constant 0 : index
    %get3A_9 = arith.constant 1 : index
    %get3A_10 = vector.load %arg3[%get3A_8, %get3A_9] : memref<8x128xi32, #tpu.memory_space<vmem>>, vector<1x1xi32>
    %get3A_11 = vector.extract %get3A_10[0, 0] : i32 from vector<1x1xi32>
    %ge3A_12 = vector.broadcast %get3A_11 : i32 to vector<1024x128xi32>
    %ge3A_13 = arith.cmpi sge, %add3A_1, %ge3A_12 : vector<1024x128xi32>
    %convert_element_type3A_14 = arith.extui %ge3A_13 : vector<1024x128xi1> to vector<1024x128xi32>
    %add3A_15 = arith.addi %add3A_7, %convert_element_type3A_14 : vector<1024x128xi32>
    %get3A_16 = arith.constant 0 : index
    %get3A_17 = arith.constant 0 : index
    %get3A_18 = vector.load %arg1[%get3A_16, %get3A_17] : memref<1024x256xf32, #tpu.memory_space<vmem>>, vector<1024x256xf32>
    %get3A_19 = arith.constant 0 : index
    %get3A_20 = arith.constant 0 : index
    %get3A_21 = vector.load %arg2[%get3A_19, %get3A_20] : memref<1024x2xf32, #tpu.memory_space<vmem>>, vector<1024x1xf32>
    %get3A_22 = arith.constant 0 : index
    %get3A_23 = arith.constant 1 : index
    %get3A_24 = vector.load %arg2[%get3A_22, %get3A_23] : memref<1024x2xf32, #tpu.memory_space<vmem>>, vector<1024x1xf32>
    %get3A_25 = arith.constant 0 : index
    %get3A_26 = arith.constant 0 : index
    %get3A_27 = vector.load %arg4[%get3A_25, %get3A_26] : memref<256x128xf32, #tpu.memory_space<vmem>>, vector<256x128xf32>
    %get3A_28 = arith.constant 0 : index
    %get3A_29 = arith.constant 0 : index
    %get3A_30 = vector.load %arg5[%get3A_28, %get3A_29] : memref<256x128xf32, #tpu.memory_space<vmem>>, vector<256x128xf32>
    %get3A_31 = arith.constant 0 : index
    %get3A_32 = arith.constant 0 : index
    %get3A_33 = vector.load %arg6[%get3A_31, %get3A_32] : memref<8x128xf32, #tpu.memory_space<vmem>>, vector<1x128xf32>
    %get3A_34 = arith.constant 0 : index
    %get3A_35 = arith.constant 0 : index
    %get3A_36 = vector.load %arg7[%get3A_34, %get3A_35] : memref<8x128xf32, #tpu.memory_space<vmem>>, vector<1x128xf32>
    %get3A_37 = arith.constant 0 : index
    %get3A_38 = arith.constant 0 : index
    %get3A_39 = vector.load %arg8[%get3A_37, %get3A_38] : memref<256x128xf32, #tpu.memory_space<vmem>>, vector<256x128xf32>
    %get3A_40 = arith.constant 0 : index
    %get3A_41 = arith.constant 0 : index
    %get3A_42 = vector.load %arg9[%get3A_40, %get3A_41] : memref<8x128xf32, #tpu.memory_space<vmem>>, vector<1x128xf32>
    %get3A_43 = arith.constant 0 : index
    %get3A_44 = arith.constant 0 : index
    %get3A_45 = vector.load %arg10[%get3A_43, %get3A_44] : memref<128x128xf32, #tpu.memory_space<vmem>>, vector<128x128xf32>
    %get3A_46 = arith.constant 0 : index
    %get3A_47 = arith.constant 0 : index
    %get3A_48 = vector.load %arg11[%get3A_46, %get3A_47] : memref<8x128xf32, #tpu.memory_space<vmem>>, vector<1x128xf32>
    %get3A_49 = arith.constant 0 : index
    %get3A_50 = arith.constant 0 : index
    %get3A_51 = vector.load %arg12[%get3A_49, %get3A_50] : memref<8x128xi32, #tpu.memory_space<vmem>>, vector<1x128xi32>
    %get3A_52 = arith.constant 0 : index
    %get3A_53 = arith.constant 0 : index
    %get3A_54 = vector.load %arg13[%get3A_52, %get3A_53] : memref<8x128xi32, #tpu.memory_space<vmem>>, vector<1x128xi32>
    %get3A_55 = arith.constant 0 : index
    %get3A_56 = arith.constant 0 : index
    %get3A_57 = vector.load %arg14[%get3A_55, %get3A_56] : memref<8x128xi32, #tpu.memory_space<vmem>>, vector<1x128xi32>
    %dot_general3A = arith.constant dense<0.000000e+00> : vector<1024x128xf32>
    %dot_general3A_58 = tpu.matmul %get3A_18, %get3A_27, %dot_general3A {dimension_numbers = #tpu.dot_dimension_numbers<[1], [0], [0], [1], [0, 0, 1, 1], [], []>, transpose_lhs_hint = false} : vector<1024x256xf32>, vector<256x128xf32>, vector<1024x128xf32> -> vector<1024x128xf32>
    %add3A_59 = vector.broadcast %get3A_33 : vector<1x128xf32> to vector<1024x128xf32>
    %add3A_60 = arith.addf %dot_general3A_58, %add3A_59 : vector<1024x128xf32>
    %dot_general3A_61 = arith.constant dense<0.000000e+00> : vector<1024x128xf32>
    %dot_general3A_62 = tpu.matmul %get3A_18, %get3A_30, %dot_general3A_61 {dimension_numbers = #tpu.dot_dimension_numbers<[1], [0], [0], [1], [0, 0, 1, 1], [], []>, transpose_lhs_hint = false} : vector<1024x256xf32>, vector<256x128xf32>, vector<1024x128xf32> -> vector<1024x128xf32>
    %add3A_63 = vector.broadcast %get3A_36 : vector<1x128xf32> to vector<1024x128xf32>
    %add3A_64 = arith.addf %dot_general3A_62, %add3A_63 : vector<1024x128xf32>
    %dot_general3A_65 = arith.constant dense<0.000000e+00> : vector<1024x128xf32>
    %dot_general3A_66 = tpu.matmul %get3A_18, %get3A_39, %dot_general3A_65 {dimension_numbers = #tpu.dot_dimension_numbers<[1], [0], [0], [1], [0, 0, 1, 1], [], []>, transpose_lhs_hint = false} : vector<1024x256xf32>, vector<256x128xf32>, vector<1024x128xf32> -> vector<1024x128xf32>
    %add3A_67 = vector.broadcast %get3A_42 : vector<1x128xf32> to vector<1024x128xf32>
    %add3A_68 = arith.addf %dot_general3A_66, %add3A_67 : vector<1024x128xf32>
    %reduce_max3A = arith.constant dense<0xFF800000> : vector<1024xf32>
    %reduce_max3A_69 = vector.multi_reduction <maximumf>, %add3A_68, %reduce_max3A [1] : vector<1024x128xf32> to vector<1024xf32>
    %broadcast_in_dim3A_70 = vector.shape_cast %reduce_max3A_69 : vector<1024xf32> to vector<1024x1xf32>
    %sub3A = vector.broadcast %broadcast_in_dim3A_70 : vector<1024x1xf32> to vector<1024x128xf32>
    %sub3A_71 = arith.subf %add3A_68, %sub3A : vector<1024x128xf32>
    %exp3A = math.exp %sub3A_71 : vector<1024x128xf32>
    %dot_general3A_72 = arith.constant dense<0.000000e+00> : vector<1024x128xf32>
    %dot_general3A_73 = tpu.matmul %exp3A, %get3A_45, %dot_general3A_72 {dimension_numbers = #tpu.dot_dimension_numbers<[1], [0], [0], [1], [0, 0, 1, 1], [], []>, transpose_lhs_hint = false} : vector<1024x128xf32>, vector<128x128xf32>, vector<1024x128xf32> -> vector<1024x128xf32>
    %div3A = arith.divf %exp3A, %dot_general3A_73 : vector<1024x128xf32>
    %add3A_74 = vector.broadcast %get3A_21 : vector<1024x1xf32> to vector<1024x128xf32>
    %add3A_75 = arith.addf %add3A_74, %add3A_60 : vector<1024x128xf32>
    %mul3A_76 = vector.broadcast %get3A_48 : vector<1x128xf32> to vector<1024x128xf32>
    %mul3A_77 = arith.mulf %add3A_75, %mul3A_76 : vector<1024x128xf32>
    %add3A_78 = vector.broadcast %get3A_24 : vector<1024x1xf32> to vector<1024x128xf32>
    %add3A_79 = arith.addf %add3A_78, %add3A_64 : vector<1024x128xf32>
    %mul3A_80 = vector.broadcast %get3A_48 : vector<1x128xf32> to vector<1024x128xf32>
    %mul3A_81 = arith.mulf %add3A_79, %mul3A_80 : vector<1024x128xf32>
    %sub3A_82 = arith.constant 5.000000e-01 : f32
    %sub3A_83 = vector.broadcast %sub3A_82 : f32 to vector<1024x128xf32>
    %sub3A_84 = arith.subf %mul3A_77, %sub3A_83 : vector<1024x128xf32>
    %max3A = arith.constant 0.000000e+00 : f32
    %max3A_85 = vector.broadcast %max3A : f32 to vector<1024x128xf32>
    %max3A_86 = arith.maximumf %sub3A_84, %max3A_85 : vector<1024x128xf32>
    %sub3A_87 = arith.constant 5.000000e-01 : f32
    %sub3A_88 = vector.broadcast %sub3A_87 : f32 to vector<1024x128xf32>
    %sub3A_89 = arith.subf %mul3A_81, %sub3A_88 : vector<1024x128xf32>
    %max3A_90 = arith.constant 0.000000e+00 : f32
    %max3A_91 = vector.broadcast %max3A_90 : f32 to vector<1024x128xf32>
    %max3A_92 = arith.maximumf %sub3A_89, %max3A_91 : vector<1024x128xf32>
    %floor3A = math.floor %max3A_86 : vector<1024x128xf32>
    %floor3A_93 = math.floor %max3A_92 : vector<1024x128xf32>
    %convert_element_type3A_94 = arith.fptosi %floor3A : vector<1024x128xf32> to vector<1024x128xi32>
    %convert_element_type3A_95 = arith.fptosi %floor3A_93 : vector<1024x128xf32> to vector<1024x128xi32>
    %sub3A_96 = arith.subf %max3A_86, %floor3A : vector<1024x128xf32>
    %sub3A_97 = arith.subf %max3A_92, %floor3A_93 : vector<1024x128xf32>
    %min3A = vector.broadcast %get3A_57 : vector<1x128xi32> to vector<1024x128xi32>
    %min3A_98 = arith.minsi %convert_element_type3A_94, %min3A : vector<1024x128xi32>
    %add3A_99 = arith.constant 1 : i32
    %add3A_100 = vector.broadcast %add3A_99 : i32 to vector<1024x128xi32>
    %add3A_101 = arith.addi %convert_element_type3A_94, %add3A_100 : vector<1024x128xi32>
    %min3A_102 = vector.broadcast %get3A_57 : vector<1x128xi32> to vector<1024x128xi32>
    %min3A_103 = arith.minsi %add3A_101, %min3A_102 : vector<1024x128xi32>
    %min3A_104 = vector.broadcast %get3A_57 : vector<1x128xi32> to vector<1024x128xi32>
    %min3A_105 = arith.minsi %convert_element_type3A_95, %min3A_104 : vector<1024x128xi32>
    %add3A_106 = arith.constant 1 : i32
    %add3A_107 = vector.broadcast %add3A_106 : i32 to vector<1024x128xi32>
    %add3A_108 = arith.addi %convert_element_type3A_95, %add3A_107 : vector<1024x128xi32>
    %min3A_109 = vector.broadcast %get3A_57 : vector<1x128xi32> to vector<1024x128xi32>
    %min3A_110 = arith.minsi %add3A_108, %min3A_109 : vector<1024x128xi32>
    %mul3A_111 = arith.constant 8 : i32
    %mul3A_112 = vector.broadcast %mul3A_111 : i32 to vector<1x128xi32>
    %mul3A_113 = arith.muli %get3A_54, %mul3A_112 : vector<1x128xi32>
    %mul3A_114 = vector.broadcast %get3A_54 : vector<1x128xi32> to vector<1024x128xi32>
    %mul3A_115 = arith.muli %add3A_15, %mul3A_114 : vector<1024x128xi32>
    %add3A_116 = arith.addi %mul3A_115, %min3A_98 : vector<1024x128xi32>
    %mul3A_117 = vector.broadcast %mul3A_113 : vector<1x128xi32> to vector<1024x128xi32>
    %mul3A_118 = arith.muli %add3A_116, %mul3A_117 : vector<1024x128xi32>
    %add3A_119 = vector.broadcast %get3A_51 : vector<1x128xi32> to vector<1024x128xi32>
    %add3A_120 = arith.addi %add3A_119, %mul3A_118 : vector<1024x128xi32>
    %mul3A_121 = vector.broadcast %get3A_54 : vector<1x128xi32> to vector<1024x128xi32>
    %mul3A_122 = arith.muli %add3A_15, %mul3A_121 : vector<1024x128xi32>
    %add3A_123 = arith.addi %mul3A_122, %min3A_103 : vector<1024x128xi32>
    %mul3A_124 = vector.broadcast %mul3A_113 : vector<1x128xi32> to vector<1024x128xi32>
    %mul3A_125 = arith.muli %add3A_123, %mul3A_124 : vector<1024x128xi32>
    %add3A_126 = vector.broadcast %get3A_51 : vector<1x128xi32> to vector<1024x128xi32>
    %add3A_127 = arith.addi %add3A_126, %mul3A_125 : vector<1024x128xi32>
    %mul3A_128 = arith.constant 8 : i32
    %mul3A_129 = vector.broadcast %mul3A_128 : i32 to vector<1024x128xi32>
    %mul3A_130 = arith.muli %min3A_105, %mul3A_129 : vector<1024x128xi32>
    %mul3A_131 = arith.constant 8 : i32
    %mul3A_132 = vector.broadcast %mul3A_131 : i32 to vector<1024x128xi32>
    %mul3A_133 = arith.muli %min3A_110, %mul3A_132 : vector<1024x128xi32>
    %add3A_134 = arith.addi %add3A_120, %mul3A_130 : vector<1024x128xi32>
    %add3A_135 = arith.addi %add3A_120, %mul3A_133 : vector<1024x128xi32>
    %add3A_136 = arith.addi %add3A_127, %mul3A_130 : vector<1024x128xi32>
    %add3A_137 = arith.addi %add3A_127, %mul3A_133 : vector<1024x128xi32>
    %concatenate3A = tpu.concatenate %add3A_134, %add3A_135, %add3A_136, %add3A_137 in 1 : vector<1024x128xi32>, vector<1024x128xi32>, vector<1024x128xi32>, vector<1024x128xi32> -> vector<1024x512xi32>
    %sub3A_138 = arith.constant 1.000000e+00 : f32
    %sub3A_139 = vector.broadcast %sub3A_138 : f32 to vector<1024x128xf32>
    %sub3A_140 = arith.subf %sub3A_139, %sub3A_96 : vector<1024x128xf32>
    %sub3A_141 = arith.constant 1.000000e+00 : f32
    %sub3A_142 = vector.broadcast %sub3A_141 : f32 to vector<1024x128xf32>
    %sub3A_143 = arith.subf %sub3A_142, %sub3A_97 : vector<1024x128xf32>
    %mul3A_144 = arith.mulf %sub3A_140, %sub3A_143 : vector<1024x128xf32>
    %mul3A_145 = arith.mulf %mul3A_144, %div3A : vector<1024x128xf32>
    %mul3A_146 = arith.mulf %sub3A_140, %sub3A_97 : vector<1024x128xf32>
    %mul3A_147 = arith.mulf %mul3A_146, %div3A : vector<1024x128xf32>
    %mul3A_148 = arith.mulf %sub3A_96, %sub3A_143 : vector<1024x128xf32>
    %mul3A_149 = arith.mulf %mul3A_148, %div3A : vector<1024x128xf32>
    %mul3A_150 = arith.mulf %sub3A_96, %sub3A_97 : vector<1024x128xf32>
    %mul3A_151 = arith.mulf %mul3A_150, %div3A : vector<1024x128xf32>
    %concatenate3A_152 = tpu.concatenate %mul3A_145, %mul3A_147, %mul3A_149, %mul3A_151 in 1 : vector<1024x128xf32>, vector<1024x128xf32>, vector<1024x128xf32>, vector<1024x128xf32> -> vector<1024x512xf32>
    %swap3A = arith.constant 0 : index
    %swap3A_153 = arith.constant 0 : index
    %swap3A_154 = vector.load %arg15[%swap3A, %swap3A_153] : memref<1024x512xi32, #tpu.memory_space<vmem>>, vector<1024x512xi32>
    tpu.vector_store %arg15[%swap3A, %swap3A_153], %concatenate3A {strides = array<i32>} : memref<1024x512xi32, #tpu.memory_space<vmem>>, vector<1024x512xi32>,
    %swap3A_155 = arith.constant 0 : index
    %swap3A_156 = arith.constant 0 : index
    %swap3A_157 = vector.load %arg16[%swap3A_155, %swap3A_156] : memref<1024x512xf32, #tpu.memory_space<vmem>>, vector<1024x512xf32>
    tpu.vector_store %arg16[%swap3A_155, %swap3A_156], %concatenate3A_152 {strides = array<i32>} : memref<1024x512xf32, #tpu.memory_space<vmem>>, vector<1024x512xf32>,
    return
  }
  func.func @transform_0(%arg0: i32) -> (i32, i32) {
    %c0_i32 = arith.constant 0 : i32
    %c0_i32_0 = arith.constant 0 : i32
    return %arg0, %c0_i32 : i32, i32
  }
  func.func @transform_1(%arg0: i32) -> (i32, i32) {
    %c0_i32 = arith.constant 0 : i32
    %c0_i32_0 = arith.constant 0 : i32
    return %arg0, %c0_i32 : i32, i32
  }
  func.func @transform_2(%arg0: i32) -> (i32, i32) {
    %c0_i32 = arith.constant 0 : i32
    %c0_i32_0 = arith.constant 0 : i32
    %c0_i32_1 = arith.constant 0 : i32
    return %c0_i32, %c0_i32_0 : i32, i32
  }
  func.func @transform_3(%arg0: i32) -> (i32, i32) {
    %c0_i32 = arith.constant 0 : i32
    %c0_i32_0 = arith.constant 0 : i32
    %c0_i32_1 = arith.constant 0 : i32
    return %c0_i32, %c0_i32_0 : i32, i32
  }
  func.func @transform_4(%arg0: i32) -> (i32, i32) {
    %c0_i32 = arith.constant 0 : i32
    %c0_i32_0 = arith.constant 0 : i32
    %c0_i32_1 = arith.constant 0 : i32
    return %c0_i32, %c0_i32_0 : i32, i32
  }
  func.func @transform_5(%arg0: i32) -> (i32, i32) {
    %c0_i32 = arith.constant 0 : i32
    %c0_i32_0 = arith.constant 0 : i32
    %c0_i32_1 = arith.constant 0 : i32
    return %c0_i32, %c0_i32_0 : i32, i32
  }
  func.func @transform_6(%arg0: i32) -> (i32, i32) {
    %c0_i32 = arith.constant 0 : i32
    %c0_i32_0 = arith.constant 0 : i32
    %c0_i32_1 = arith.constant 0 : i32
    return %c0_i32, %c0_i32_0 : i32, i32
  }
  func.func @transform_7(%arg0: i32) -> (i32, i32) {
    %c0_i32 = arith.constant 0 : i32
    %c0_i32_0 = arith.constant 0 : i32
    %c0_i32_1 = arith.constant 0 : i32
    return %c0_i32, %c0_i32_0 : i32, i32
  }
  func.func @transform_8(%arg0: i32) -> (i32, i32) {
    %c0_i32 = arith.constant 0 : i32
    %c0_i32_0 = arith.constant 0 : i32
    %c0_i32_1 = arith.constant 0 : i32
    return %c0_i32, %c0_i32_0 : i32, i32
  }
  func.func @transform_9(%arg0: i32) -> (i32, i32) {
    %c0_i32 = arith.constant 0 : i32
    %c0_i32_0 = arith.constant 0 : i32
    %c0_i32_1 = arith.constant 0 : i32
    return %c0_i32, %c0_i32_0 : i32, i32
  }
  func.func @transform_10(%arg0: i32) -> (i32, i32) {
    %c0_i32 = arith.constant 0 : i32
    %c0_i32_0 = arith.constant 0 : i32
    %c0_i32_1 = arith.constant 0 : i32
    return %c0_i32, %c0_i32_0 : i32, i32
  }
  func.func @transform_11(%arg0: i32) -> (i32, i32) {
    %c0_i32 = arith.constant 0 : i32
    %c0_i32_0 = arith.constant 0 : i32
    %c0_i32_1 = arith.constant 0 : i32
    return %c0_i32, %c0_i32_0 : i32, i32
  }
  func.func @transform_12(%arg0: i32) -> (i32, i32) {
    %c0_i32 = arith.constant 0 : i32
    %c0_i32_0 = arith.constant 0 : i32
    %c0_i32_1 = arith.constant 0 : i32
    return %c0_i32, %c0_i32_0 : i32, i32
  }
  func.func @transform_13(%arg0: i32) -> (i32, i32) {
    %c0_i32 = arith.constant 0 : i32
    %c0_i32_0 = arith.constant 0 : i32
    %c0_i32_1 = arith.constant 0 : i32
    return %c0_i32, %c0_i32_0 : i32, i32
  }
  func.func @transform_14(%arg0: i32) -> (i32, i32) {
    %c0_i32 = arith.constant 0 : i32
    %c0_i32_0 = arith.constant 0 : i32
    return %arg0, %c0_i32 : i32, i32
  }
  func.func @transform_15(%arg0: i32) -> (i32, i32) {
    %c0_i32 = arith.constant 0 : i32
    %c0_i32_0 = arith.constant 0 : i32
    return %arg0, %c0_i32 : i32, i32
  }
}

module attributes {stable_mosaic.version = 14 : i64} {
  func.func @_proj_kernel(%arg0: i32, %arg1: memref<512x256xf32, #tpu.memory_space<vmem>>, %arg2: memref<512x256xf32, #tpu.memory_space<vmem>>, %arg3: memref<512x256xf32, #tpu.memory_space<vmem>>, %arg4: memref<512x256xf32, #tpu.memory_space<vmem>>, %arg5: memref<256x128xf32, #tpu.memory_space<vmem>>, %arg6: memref<256x128xf32, #tpu.memory_space<vmem>>, %arg7: memref<8x128xf32, #tpu.memory_space<vmem>>, %arg8: memref<8x128xf32, #tpu.memory_space<vmem>>, %arg9: memref<512x128xi32, #tpu.memory_space<vmem>>) attributes {dimension_semantics = [#tpu.dimension_semantics<arbitrary>], iteration_bounds = array<i64: 85>, scalar_prefetch = 0 : i64, scratch_operands = 0 : i64, tpu.core_type = #tpu.core_type<tc>, window_params = [{transform_indices = @transform_0, window_bounds = array<i64: 512, 256>}, {transform_indices = @transform_1, window_bounds = array<i64: 512, 256>}, {transform_indices = @transform_2, window_bounds = array<i64: 512, 256>}, {transform_indices = @transform_3, window_bounds = array<i64: 512, 256>}, {pipeline_mode = #tpu.pipeline_mode<synchronous>, transform_indices = @transform_4, window_bounds = array<i64: 256, 128>}, {pipeline_mode = #tpu.pipeline_mode<synchronous>, transform_indices = @transform_5, window_bounds = array<i64: 256, 128>}, {pipeline_mode = #tpu.pipeline_mode<synchronous>, transform_indices = @transform_6, window_bounds = array<i64: 8, 128>}, {pipeline_mode = #tpu.pipeline_mode<synchronous>, transform_indices = @transform_7, window_bounds = array<i64: 8, 128>}, {transform_indices = @transform_8, window_bounds = array<i64: 512, 128>}]} {
    %ge3A = arith.constant 0 : i32
    %ge3A_0 = arith.cmpi sge, %arg0, %ge3A : i32
    %lt3A = arith.constant 64 : i32
    %lt3A_1 = arith.cmpi slt, %arg0, %lt3A : i32
    %and3A = arith.andi %ge3A_0, %lt3A_1 : i1
    %convert_element_type3A = arith.extui %and3A : i1 to i32
    %cond3A = arith.constant 0 : i32
    %cond3A_2 = arith.cmpi ne, %convert_element_type3A, %cond3A : i32
    scf.if %cond3A_2 {
      %get3A = arith.constant 0 : index
      %get3A_27 = arith.constant 0 : index
      %get3A_28 = vector.load %arg1[%get3A, %get3A_27] : memref<512x256xf32, #tpu.memory_space<vmem>>, vector<512x256xf32>
      %get3A_29 = arith.constant 0 : index
      %get3A_30 = arith.constant 0 : index
      %get3A_31 = vector.load %arg5[%get3A_29, %get3A_30] : memref<256x128xf32, #tpu.memory_space<vmem>>, vector<256x128xf32>
      %dot_general3A = arith.constant dense<0.000000e+00> : vector<512x128xf32>
      %dot_general3A_32 = tpu.matmul %get3A_28, %get3A_31, %dot_general3A {dimension_numbers = #tpu.dot_dimension_numbers<[1], [0], [0], [1], [0, 0, 1, 1], [], []>, transpose_lhs_hint = false} : vector<512x256xf32>, vector<256x128xf32>, vector<512x128xf32> -> vector<512x128xf32>
      %get3A_33 = arith.constant 0 : index
      %get3A_34 = arith.constant 0 : index
      %get3A_35 = vector.load %arg7[%get3A_33, %get3A_34] : memref<8x128xf32, #tpu.memory_space<vmem>>, vector<1x128xf32>
      %add3A = vector.broadcast %get3A_35 : vector<1x128xf32> to vector<512x128xf32>
      %add3A_36 = arith.addf %dot_general3A_32, %add3A : vector<512x128xf32>
      %get3A_37 = arith.constant 0 : index
      %get3A_38 = arith.constant 0 : index
      %get3A_39 = vector.load %arg6[%get3A_37, %get3A_38] : memref<256x128xf32, #tpu.memory_space<vmem>>, vector<256x128xf32>
      %dot_general3A_40 = arith.constant dense<0.000000e+00> : vector<512x128xf32>
      %dot_general3A_41 = tpu.matmul %get3A_28, %get3A_39, %dot_general3A_40 {dimension_numbers = #tpu.dot_dimension_numbers<[1], [0], [0], [1], [0, 0, 1, 1], [], []>, transpose_lhs_hint = false} : vector<512x256xf32>, vector<256x128xf32>, vector<512x128xf32> -> vector<512x128xf32>
      %get3A_42 = arith.constant 0 : index
      %get3A_43 = arith.constant 0 : index
      %get3A_44 = vector.load %arg8[%get3A_42, %get3A_43] : memref<8x128xf32, #tpu.memory_space<vmem>>, vector<1x128xf32>
      %add3A_45 = vector.broadcast %get3A_44 : vector<1x128xf32> to vector<512x128xf32>
      %add3A_46 = arith.addf %dot_general3A_41, %add3A_45 : vector<512x128xf32>
      %bitcast_convert_type3A = tpu.bitcast %add3A_36 : vector<512x128xf32> -> vector<512x128xi32>
      %add3A_47 = arith.constant 32767 : i32
      %add3A_48 = vector.broadcast %add3A_47 : i32 to vector<512x128xi32>
      %add3A_49 = arith.addi %bitcast_convert_type3A, %add3A_48 : vector<512x128xi32>
      %shift_right_logical3A = arith.constant 16 : i32
      %shift_right_logical3A_50 = vector.broadcast %shift_right_logical3A : i32 to vector<512x128xi32>
      %shift_right_logical3A_51 = arith.shrui %bitcast_convert_type3A, %shift_right_logical3A_50 : vector<512x128xi32>
      %and3A_52 = arith.constant 1 : i32
      %and3A_53 = vector.broadcast %and3A_52 : i32 to vector<512x128xi32>
      %and3A_54 = arith.andi %shift_right_logical3A_51, %and3A_53 : vector<512x128xi32>
      %add3A_55 = arith.addi %add3A_49, %and3A_54 : vector<512x128xi32>
      %shift_right_logical3A_56 = arith.constant 16 : i32
      %shift_right_logical3A_57 = vector.broadcast %shift_right_logical3A_56 : i32 to vector<512x128xi32>
      %shift_right_logical3A_58 = arith.shrui %add3A_55, %shift_right_logical3A_57 : vector<512x128xi32>
      %bitcast_convert_type3A_59 = tpu.bitcast %add3A_46 : vector<512x128xf32> -> vector<512x128xi32>
      %add3A_60 = arith.constant 32767 : i32
      %add3A_61 = vector.broadcast %add3A_60 : i32 to vector<512x128xi32>
      %add3A_62 = arith.addi %bitcast_convert_type3A_59, %add3A_61 : vector<512x128xi32>
      %shift_right_logical3A_63 = arith.constant 16 : i32
      %shift_right_logical3A_64 = vector.broadcast %shift_right_logical3A_63 : i32 to vector<512x128xi32>
      %shift_right_logical3A_65 = arith.shrui %bitcast_convert_type3A_59, %shift_right_logical3A_64 : vector<512x128xi32>
      %and3A_66 = arith.constant 1 : i32
      %and3A_67 = vector.broadcast %and3A_66 : i32 to vector<512x128xi32>
      %and3A_68 = arith.andi %shift_right_logical3A_65, %and3A_67 : vector<512x128xi32>
      %add3A_69 = arith.addi %add3A_62, %and3A_68 : vector<512x128xi32>
      %shift_right_logical3A_70 = arith.constant 16 : i32
      %shift_right_logical3A_71 = vector.broadcast %shift_right_logical3A_70 : i32 to vector<512x128xi32>
      %shift_right_logical3A_72 = arith.shrui %add3A_69, %shift_right_logical3A_71 : vector<512x128xi32>
      %shift_left3A = arith.constant 16 : i32
      %shift_left3A_73 = vector.broadcast %shift_left3A : i32 to vector<512x128xi32>
      %shift_left3A_74 = arith.shli %shift_right_logical3A_72, %shift_left3A_73 : vector<512x128xi32>
      %or3A = arith.ori %shift_right_logical3A_58, %shift_left3A_74 : vector<512x128xi32>
      %bitcast_convert_type3A_75 = tpu.bitcast %or3A : vector<512x128xi32> -> vector<512x128xi32>
      %swap3A = arith.constant 0 : index
      %swap3A_76 = arith.constant 0 : index
      %swap3A_77 = vector.load %arg9[%swap3A, %swap3A_76] : memref<512x128xi32, #tpu.memory_space<vmem>>, vector<512x128xi32>
      tpu.vector_store %arg9[%swap3A, %swap3A_76], %bitcast_convert_type3A_75 {strides = array<i32>} : memref<512x128xi32, #tpu.memory_space<vmem>>, vector<512x128xi32>,
    } else {
    }
    %ge3A_3 = arith.constant 64 : i32
    %ge3A_4 = arith.cmpi sge, %arg0, %ge3A_3 : i32
    %lt3A_5 = arith.constant 80 : i32
    %lt3A_6 = arith.cmpi slt, %arg0, %lt3A_5 : i32
    %and3A_7 = arith.andi %ge3A_4, %lt3A_6 : i1
    %convert_element_type3A_8 = arith.extui %and3A_7 : i1 to i32
    %cond3A_9 = arith.constant 0 : i32
    %cond3A_10 = arith.cmpi ne, %convert_element_type3A_8, %cond3A_9 : i32
    scf.if %cond3A_10 {
      %get3A = arith.constant 0 : index
      %get3A_27 = arith.constant 0 : index
      %get3A_28 = vector.load %arg2[%get3A, %get3A_27] : memref<512x256xf32, #tpu.memory_space<vmem>>, vector<512x256xf32>
      %get3A_29 = arith.constant 0 : index
      %get3A_30 = arith.constant 0 : index
      %get3A_31 = vector.load %arg5[%get3A_29, %get3A_30] : memref<256x128xf32, #tpu.memory_space<vmem>>, vector<256x128xf32>
      %dot_general3A = arith.constant dense<0.000000e+00> : vector<512x128xf32>
      %dot_general3A_32 = tpu.matmul %get3A_28, %get3A_31, %dot_general3A {dimension_numbers = #tpu.dot_dimension_numbers<[1], [0], [0], [1], [0, 0, 1, 1], [], []>, transpose_lhs_hint = false} : vector<512x256xf32>, vector<256x128xf32>, vector<512x128xf32> -> vector<512x128xf32>
      %get3A_33 = arith.constant 0 : index
      %get3A_34 = arith.constant 0 : index
      %get3A_35 = vector.load %arg7[%get3A_33, %get3A_34] : memref<8x128xf32, #tpu.memory_space<vmem>>, vector<1x128xf32>
      %add3A = vector.broadcast %get3A_35 : vector<1x128xf32> to vector<512x128xf32>
      %add3A_36 = arith.addf %dot_general3A_32, %add3A : vector<512x128xf32>
      %get3A_37 = arith.constant 0 : index
      %get3A_38 = arith.constant 0 : index
      %get3A_39 = vector.load %arg6[%get3A_37, %get3A_38] : memref<256x128xf32, #tpu.memory_space<vmem>>, vector<256x128xf32>
      %dot_general3A_40 = arith.constant dense<0.000000e+00> : vector<512x128xf32>
      %dot_general3A_41 = tpu.matmul %get3A_28, %get3A_39, %dot_general3A_40 {dimension_numbers = #tpu.dot_dimension_numbers<[1], [0], [0], [1], [0, 0, 1, 1], [], []>, transpose_lhs_hint = false} : vector<512x256xf32>, vector<256x128xf32>, vector<512x128xf32> -> vector<512x128xf32>
      %get3A_42 = arith.constant 0 : index
      %get3A_43 = arith.constant 0 : index
      %get3A_44 = vector.load %arg8[%get3A_42, %get3A_43] : memref<8x128xf32, #tpu.memory_space<vmem>>, vector<1x128xf32>
      %add3A_45 = vector.broadcast %get3A_44 : vector<1x128xf32> to vector<512x128xf32>
      %add3A_46 = arith.addf %dot_general3A_41, %add3A_45 : vector<512x128xf32>
      %bitcast_convert_type3A = tpu.bitcast %add3A_36 : vector<512x128xf32> -> vector<512x128xi32>
      %add3A_47 = arith.constant 32767 : i32
      %add3A_48 = vector.broadcast %add3A_47 : i32 to vector<512x128xi32>
      %add3A_49 = arith.addi %bitcast_convert_type3A, %add3A_48 : vector<512x128xi32>
      %shift_right_logical3A = arith.constant 16 : i32
      %shift_right_logical3A_50 = vector.broadcast %shift_right_logical3A : i32 to vector<512x128xi32>
      %shift_right_logical3A_51 = arith.shrui %bitcast_convert_type3A, %shift_right_logical3A_50 : vector<512x128xi32>
      %and3A_52 = arith.constant 1 : i32
      %and3A_53 = vector.broadcast %and3A_52 : i32 to vector<512x128xi32>
      %and3A_54 = arith.andi %shift_right_logical3A_51, %and3A_53 : vector<512x128xi32>
      %add3A_55 = arith.addi %add3A_49, %and3A_54 : vector<512x128xi32>
      %shift_right_logical3A_56 = arith.constant 16 : i32
      %shift_right_logical3A_57 = vector.broadcast %shift_right_logical3A_56 : i32 to vector<512x128xi32>
      %shift_right_logical3A_58 = arith.shrui %add3A_55, %shift_right_logical3A_57 : vector<512x128xi32>
      %bitcast_convert_type3A_59 = tpu.bitcast %add3A_46 : vector<512x128xf32> -> vector<512x128xi32>
      %add3A_60 = arith.constant 32767 : i32
      %add3A_61 = vector.broadcast %add3A_60 : i32 to vector<512x128xi32>
      %add3A_62 = arith.addi %bitcast_convert_type3A_59, %add3A_61 : vector<512x128xi32>
      %shift_right_logical3A_63 = arith.constant 16 : i32
      %shift_right_logical3A_64 = vector.broadcast %shift_right_logical3A_63 : i32 to vector<512x128xi32>
      %shift_right_logical3A_65 = arith.shrui %bitcast_convert_type3A_59, %shift_right_logical3A_64 : vector<512x128xi32>
      %and3A_66 = arith.constant 1 : i32
      %and3A_67 = vector.broadcast %and3A_66 : i32 to vector<512x128xi32>
      %and3A_68 = arith.andi %shift_right_logical3A_65, %and3A_67 : vector<512x128xi32>
      %add3A_69 = arith.addi %add3A_62, %and3A_68 : vector<512x128xi32>
      %shift_right_logical3A_70 = arith.constant 16 : i32
      %shift_right_logical3A_71 = vector.broadcast %shift_right_logical3A_70 : i32 to vector<512x128xi32>
      %shift_right_logical3A_72 = arith.shrui %add3A_69, %shift_right_logical3A_71 : vector<512x128xi32>
      %shift_left3A = arith.constant 16 : i32
      %shift_left3A_73 = vector.broadcast %shift_left3A : i32 to vector<512x128xi32>
      %shift_left3A_74 = arith.shli %shift_right_logical3A_72, %shift_left3A_73 : vector<512x128xi32>
      %or3A = arith.ori %shift_right_logical3A_58, %shift_left3A_74 : vector<512x128xi32>
      %bitcast_convert_type3A_75 = tpu.bitcast %or3A : vector<512x128xi32> -> vector<512x128xi32>
      %swap3A = arith.constant 0 : index
      %swap3A_76 = arith.constant 0 : index
      %swap3A_77 = vector.load %arg9[%swap3A, %swap3A_76] : memref<512x128xi32, #tpu.memory_space<vmem>>, vector<512x128xi32>
      tpu.vector_store %arg9[%swap3A, %swap3A_76], %bitcast_convert_type3A_75 {strides = array<i32>} : memref<512x128xi32, #tpu.memory_space<vmem>>, vector<512x128xi32>,
    } else {
    }
    %ge3A_11 = arith.constant 80 : i32
    %ge3A_12 = arith.cmpi sge, %arg0, %ge3A_11 : i32
    %lt3A_13 = arith.constant 84 : i32
    %lt3A_14 = arith.cmpi slt, %arg0, %lt3A_13 : i32
    %and3A_15 = arith.andi %ge3A_12, %lt3A_14 : i1
    %convert_element_type3A_16 = arith.extui %and3A_15 : i1 to i32
    %cond3A_17 = arith.constant 0 : i32
    %cond3A_18 = arith.cmpi ne, %convert_element_type3A_16, %cond3A_17 : i32
    scf.if %cond3A_18 {
      %get3A = arith.constant 0 : index
      %get3A_27 = arith.constant 0 : index
      %get3A_28 = vector.load %arg3[%get3A, %get3A_27] : memref<512x256xf32, #tpu.memory_space<vmem>>, vector<512x256xf32>
      %get3A_29 = arith.constant 0 : index
      %get3A_30 = arith.constant 0 : index
      %get3A_31 = vector.load %arg5[%get3A_29, %get3A_30] : memref<256x128xf32, #tpu.memory_space<vmem>>, vector<256x128xf32>
      %dot_general3A = arith.constant dense<0.000000e+00> : vector<512x128xf32>
      %dot_general3A_32 = tpu.matmul %get3A_28, %get3A_31, %dot_general3A {dimension_numbers = #tpu.dot_dimension_numbers<[1], [0], [0], [1], [0, 0, 1, 1], [], []>, transpose_lhs_hint = false} : vector<512x256xf32>, vector<256x128xf32>, vector<512x128xf32> -> vector<512x128xf32>
      %get3A_33 = arith.constant 0 : index
      %get3A_34 = arith.constant 0 : index
      %get3A_35 = vector.load %arg7[%get3A_33, %get3A_34] : memref<8x128xf32, #tpu.memory_space<vmem>>, vector<1x128xf32>
      %add3A = vector.broadcast %get3A_35 : vector<1x128xf32> to vector<512x128xf32>
      %add3A_36 = arith.addf %dot_general3A_32, %add3A : vector<512x128xf32>
      %get3A_37 = arith.constant 0 : index
      %get3A_38 = arith.constant 0 : index
      %get3A_39 = vector.load %arg6[%get3A_37, %get3A_38] : memref<256x128xf32, #tpu.memory_space<vmem>>, vector<256x128xf32>
      %dot_general3A_40 = arith.constant dense<0.000000e+00> : vector<512x128xf32>
      %dot_general3A_41 = tpu.matmul %get3A_28, %get3A_39, %dot_general3A_40 {dimension_numbers = #tpu.dot_dimension_numbers<[1], [0], [0], [1], [0, 0, 1, 1], [], []>, transpose_lhs_hint = false} : vector<512x256xf32>, vector<256x128xf32>, vector<512x128xf32> -> vector<512x128xf32>
      %get3A_42 = arith.constant 0 : index
      %get3A_43 = arith.constant 0 : index
      %get3A_44 = vector.load %arg8[%get3A_42, %get3A_43] : memref<8x128xf32, #tpu.memory_space<vmem>>, vector<1x128xf32>
      %add3A_45 = vector.broadcast %get3A_44 : vector<1x128xf32> to vector<512x128xf32>
      %add3A_46 = arith.addf %dot_general3A_41, %add3A_45 : vector<512x128xf32>
      %bitcast_convert_type3A = tpu.bitcast %add3A_36 : vector<512x128xf32> -> vector<512x128xi32>
      %add3A_47 = arith.constant 32767 : i32
      %add3A_48 = vector.broadcast %add3A_47 : i32 to vector<512x128xi32>
      %add3A_49 = arith.addi %bitcast_convert_type3A, %add3A_48 : vector<512x128xi32>
      %shift_right_logical3A = arith.constant 16 : i32
      %shift_right_logical3A_50 = vector.broadcast %shift_right_logical3A : i32 to vector<512x128xi32>
      %shift_right_logical3A_51 = arith.shrui %bitcast_convert_type3A, %shift_right_logical3A_50 : vector<512x128xi32>
      %and3A_52 = arith.constant 1 : i32
      %and3A_53 = vector.broadcast %and3A_52 : i32 to vector<512x128xi32>
      %and3A_54 = arith.andi %shift_right_logical3A_51, %and3A_53 : vector<512x128xi32>
      %add3A_55 = arith.addi %add3A_49, %and3A_54 : vector<512x128xi32>
      %shift_right_logical3A_56 = arith.constant 16 : i32
      %shift_right_logical3A_57 = vector.broadcast %shift_right_logical3A_56 : i32 to vector<512x128xi32>
      %shift_right_logical3A_58 = arith.shrui %add3A_55, %shift_right_logical3A_57 : vector<512x128xi32>
      %bitcast_convert_type3A_59 = tpu.bitcast %add3A_46 : vector<512x128xf32> -> vector<512x128xi32>
      %add3A_60 = arith.constant 32767 : i32
      %add3A_61 = vector.broadcast %add3A_60 : i32 to vector<512x128xi32>
      %add3A_62 = arith.addi %bitcast_convert_type3A_59, %add3A_61 : vector<512x128xi32>
      %shift_right_logical3A_63 = arith.constant 16 : i32
      %shift_right_logical3A_64 = vector.broadcast %shift_right_logical3A_63 : i32 to vector<512x128xi32>
      %shift_right_logical3A_65 = arith.shrui %bitcast_convert_type3A_59, %shift_right_logical3A_64 : vector<512x128xi32>
      %and3A_66 = arith.constant 1 : i32
      %and3A_67 = vector.broadcast %and3A_66 : i32 to vector<512x128xi32>
      %and3A_68 = arith.andi %shift_right_logical3A_65, %and3A_67 : vector<512x128xi32>
      %add3A_69 = arith.addi %add3A_62, %and3A_68 : vector<512x128xi32>
      %shift_right_logical3A_70 = arith.constant 16 : i32
      %shift_right_logical3A_71 = vector.broadcast %shift_right_logical3A_70 : i32 to vector<512x128xi32>
      %shift_right_logical3A_72 = arith.shrui %add3A_69, %shift_right_logical3A_71 : vector<512x128xi32>
      %shift_left3A = arith.constant 16 : i32
      %shift_left3A_73 = vector.broadcast %shift_left3A : i32 to vector<512x128xi32>
      %shift_left3A_74 = arith.shli %shift_right_logical3A_72, %shift_left3A_73 : vector<512x128xi32>
      %or3A = arith.ori %shift_right_logical3A_58, %shift_left3A_74 : vector<512x128xi32>
      %bitcast_convert_type3A_75 = tpu.bitcast %or3A : vector<512x128xi32> -> vector<512x128xi32>
      %swap3A = arith.constant 0 : index
      %swap3A_76 = arith.constant 0 : index
      %swap3A_77 = vector.load %arg9[%swap3A, %swap3A_76] : memref<512x128xi32, #tpu.memory_space<vmem>>, vector<512x128xi32>
      tpu.vector_store %arg9[%swap3A, %swap3A_76], %bitcast_convert_type3A_75 {strides = array<i32>} : memref<512x128xi32, #tpu.memory_space<vmem>>, vector<512x128xi32>,
    } else {
    }
    %ge3A_19 = arith.constant 84 : i32
    %ge3A_20 = arith.cmpi sge, %arg0, %ge3A_19 : i32
    %lt3A_21 = arith.constant 85 : i32
    %lt3A_22 = arith.cmpi slt, %arg0, %lt3A_21 : i32
    %and3A_23 = arith.andi %ge3A_20, %lt3A_22 : i1
    %convert_element_type3A_24 = arith.extui %and3A_23 : i1 to i32
    %cond3A_25 = arith.constant 0 : i32
    %cond3A_26 = arith.cmpi ne, %convert_element_type3A_24, %cond3A_25 : i32
    scf.if %cond3A_26 {
      %get3A = arith.constant 0 : index
      %get3A_27 = arith.constant 0 : index
      %get3A_28 = vector.load %arg4[%get3A, %get3A_27] : memref<512x256xf32, #tpu.memory_space<vmem>>, vector<512x256xf32>
      %get3A_29 = arith.constant 0 : index
      %get3A_30 = arith.constant 0 : index
      %get3A_31 = vector.load %arg5[%get3A_29, %get3A_30] : memref<256x128xf32, #tpu.memory_space<vmem>>, vector<256x128xf32>
      %dot_general3A = arith.constant dense<0.000000e+00> : vector<512x128xf32>
      %dot_general3A_32 = tpu.matmul %get3A_28, %get3A_31, %dot_general3A {dimension_numbers = #tpu.dot_dimension_numbers<[1], [0], [0], [1], [0, 0, 1, 1], [], []>, transpose_lhs_hint = false} : vector<512x256xf32>, vector<256x128xf32>, vector<512x128xf32> -> vector<512x128xf32>
      %get3A_33 = arith.constant 0 : index
      %get3A_34 = arith.constant 0 : index
      %get3A_35 = vector.load %arg7[%get3A_33, %get3A_34] : memref<8x128xf32, #tpu.memory_space<vmem>>, vector<1x128xf32>
      %add3A = vector.broadcast %get3A_35 : vector<1x128xf32> to vector<512x128xf32>
      %add3A_36 = arith.addf %dot_general3A_32, %add3A : vector<512x128xf32>
      %get3A_37 = arith.constant 0 : index
      %get3A_38 = arith.constant 0 : index
      %get3A_39 = vector.load %arg6[%get3A_37, %get3A_38] : memref<256x128xf32, #tpu.memory_space<vmem>>, vector<256x128xf32>
      %dot_general3A_40 = arith.constant dense<0.000000e+00> : vector<512x128xf32>
      %dot_general3A_41 = tpu.matmul %get3A_28, %get3A_39, %dot_general3A_40 {dimension_numbers = #tpu.dot_dimension_numbers<[1], [0], [0], [1], [0, 0, 1, 1], [], []>, transpose_lhs_hint = false} : vector<512x256xf32>, vector<256x128xf32>, vector<512x128xf32> -> vector<512x128xf32>
      %get3A_42 = arith.constant 0 : index
      %get3A_43 = arith.constant 0 : index
      %get3A_44 = vector.load %arg8[%get3A_42, %get3A_43] : memref<8x128xf32, #tpu.memory_space<vmem>>, vector<1x128xf32>
      %add3A_45 = vector.broadcast %get3A_44 : vector<1x128xf32> to vector<512x128xf32>
      %add3A_46 = arith.addf %dot_general3A_41, %add3A_45 : vector<512x128xf32>
      %bitcast_convert_type3A = tpu.bitcast %add3A_36 : vector<512x128xf32> -> vector<512x128xi32>
      %add3A_47 = arith.constant 32767 : i32
      %add3A_48 = vector.broadcast %add3A_47 : i32 to vector<512x128xi32>
      %add3A_49 = arith.addi %bitcast_convert_type3A, %add3A_48 : vector<512x128xi32>
      %shift_right_logical3A = arith.constant 16 : i32
      %shift_right_logical3A_50 = vector.broadcast %shift_right_logical3A : i32 to vector<512x128xi32>
      %shift_right_logical3A_51 = arith.shrui %bitcast_convert_type3A, %shift_right_logical3A_50 : vector<512x128xi32>
      %and3A_52 = arith.constant 1 : i32
      %and3A_53 = vector.broadcast %and3A_52 : i32 to vector<512x128xi32>
      %and3A_54 = arith.andi %shift_right_logical3A_51, %and3A_53 : vector<512x128xi32>
      %add3A_55 = arith.addi %add3A_49, %and3A_54 : vector<512x128xi32>
      %shift_right_logical3A_56 = arith.constant 16 : i32
      %shift_right_logical3A_57 = vector.broadcast %shift_right_logical3A_56 : i32 to vector<512x128xi32>
      %shift_right_logical3A_58 = arith.shrui %add3A_55, %shift_right_logical3A_57 : vector<512x128xi32>
      %bitcast_convert_type3A_59 = tpu.bitcast %add3A_46 : vector<512x128xf32> -> vector<512x128xi32>
      %add3A_60 = arith.constant 32767 : i32
      %add3A_61 = vector.broadcast %add3A_60 : i32 to vector<512x128xi32>
      %add3A_62 = arith.addi %bitcast_convert_type3A_59, %add3A_61 : vector<512x128xi32>
      %shift_right_logical3A_63 = arith.constant 16 : i32
      %shift_right_logical3A_64 = vector.broadcast %shift_right_logical3A_63 : i32 to vector<512x128xi32>
      %shift_right_logical3A_65 = arith.shrui %bitcast_convert_type3A_59, %shift_right_logical3A_64 : vector<512x128xi32>
      %and3A_66 = arith.constant 1 : i32
      %and3A_67 = vector.broadcast %and3A_66 : i32 to vector<512x128xi32>
      %and3A_68 = arith.andi %shift_right_logical3A_65, %and3A_67 : vector<512x128xi32>
      %add3A_69 = arith.addi %add3A_62, %and3A_68 : vector<512x128xi32>
      %shift_right_logical3A_70 = arith.constant 16 : i32
      %shift_right_logical3A_71 = vector.broadcast %shift_right_logical3A_70 : i32 to vector<512x128xi32>
      %shift_right_logical3A_72 = arith.shrui %add3A_69, %shift_right_logical3A_71 : vector<512x128xi32>
      %shift_left3A = arith.constant 16 : i32
      %shift_left3A_73 = vector.broadcast %shift_left3A : i32 to vector<512x128xi32>
      %shift_left3A_74 = arith.shli %shift_right_logical3A_72, %shift_left3A_73 : vector<512x128xi32>
      %or3A = arith.ori %shift_right_logical3A_58, %shift_left3A_74 : vector<512x128xi32>
      %bitcast_convert_type3A_75 = tpu.bitcast %or3A : vector<512x128xi32> -> vector<512x128xi32>
      %swap3A = arith.constant 0 : index
      %swap3A_76 = arith.constant 0 : index
      %swap3A_77 = vector.load %arg9[%swap3A, %swap3A_76] : memref<512x128xi32, #tpu.memory_space<vmem>>, vector<512x128xi32>
      tpu.vector_store %arg9[%swap3A, %swap3A_76], %bitcast_convert_type3A_75 {strides = array<i32>} : memref<512x128xi32, #tpu.memory_space<vmem>>, vector<512x128xi32>,
    } else {
    }
    return
  }
  func.func @transform_0(%arg0: i32) -> (i32, i32) {
    %sub3A = arith.constant 0 : i32
    %sub3A_0 = arith.subi %arg0, %sub3A : i32
    %jit3A = arith.constant 0 : i32
    %jit3A_1 = arith.constant 63 : i32
    %max3A = arith.maxsi %jit3A, %sub3A_0 : i32
    %min3A = arith.minsi %jit3A_1, %max3A : i32
    %c0_i32 = arith.constant 0 : i32
    %c0_i32_2 = arith.constant 0 : i32
    return %min3A, %c0_i32 : i32, i32
  }
  func.func @transform_1(%arg0: i32) -> (i32, i32) {
    %sub3A = arith.constant 64 : i32
    %sub3A_0 = arith.subi %arg0, %sub3A : i32
    %jit3A = arith.constant 0 : i32
    %jit3A_1 = arith.constant 15 : i32
    %max3A = arith.maxsi %jit3A, %sub3A_0 : i32
    %min3A = arith.minsi %jit3A_1, %max3A : i32
    %c0_i32 = arith.constant 0 : i32
    %c0_i32_2 = arith.constant 0 : i32
    return %min3A, %c0_i32 : i32, i32
  }
  func.func @transform_2(%arg0: i32) -> (i32, i32) {
    %sub3A = arith.constant 80 : i32
    %sub3A_0 = arith.subi %arg0, %sub3A : i32
    %jit3A = arith.constant 0 : i32
    %jit3A_1 = arith.constant 3 : i32
    %max3A = arith.maxsi %jit3A, %sub3A_0 : i32
    %min3A = arith.minsi %jit3A_1, %max3A : i32
    %c0_i32 = arith.constant 0 : i32
    %c0_i32_2 = arith.constant 0 : i32
    return %min3A, %c0_i32 : i32, i32
  }
  func.func @transform_3(%arg0: i32) -> (i32, i32) {
    %sub3A = arith.constant 84 : i32
    %sub3A_0 = arith.subi %arg0, %sub3A : i32
    %jit3A = arith.constant 0 : i32
    %jit3A_1 = arith.constant 0 : i32
    %max3A = arith.maxsi %jit3A, %sub3A_0 : i32
    %min3A = arith.minsi %jit3A_1, %max3A : i32
    %c0_i32 = arith.constant 0 : i32
    %c0_i32_2 = arith.constant 0 : i32
    return %min3A, %c0_i32 : i32, i32
  }
  func.func @transform_4(%arg0: i32) -> (i32, i32) {
    %c0_i32 = arith.constant 0 : i32
    %c0_i32_0 = arith.constant 0 : i32
    %c0_i32_1 = arith.constant 0 : i32
    return %c0_i32, %c0_i32_0 : i32, i32
  }
  func.func @transform_5(%arg0: i32) -> (i32, i32) {
    %c0_i32 = arith.constant 0 : i32
    %c0_i32_0 = arith.constant 0 : i32
    %c0_i32_1 = arith.constant 0 : i32
    return %c0_i32, %c0_i32_0 : i32, i32
  }
  func.func @transform_6(%arg0: i32) -> (i32, i32) {
    %c0_i32 = arith.constant 0 : i32
    %c0_i32_0 = arith.constant 0 : i32
    %c0_i32_1 = arith.constant 0 : i32
    return %c0_i32, %c0_i32_0 : i32, i32
  }
  func.func @transform_7(%arg0: i32) -> (i32, i32) {
    %c0_i32 = arith.constant 0 : i32
    %c0_i32_0 = arith.constant 0 : i32
    %c0_i32_1 = arith.constant 0 : i32
    return %c0_i32, %c0_i32_0 : i32, i32
  }
  func.func @transform_8(%arg0: i32) -> (i32, i32) {
    %c0_i32 = arith.constant 0 : i32
    %c0_i32_0 = arith.constant 0 : i32
    return %arg0, %c0_i32 : i32, i32
  }
}

module attributes {stable_mosaic.version = 14 : i64} {
  func.func @_matmul_bias_kernel(%arg0: i32, %arg1: memref<1024x256xf32, #tpu.memory_space<vmem>>, %arg2: memref<256x256xf32, #tpu.memory_space<vmem>>, %arg3: memref<8x256xf32, #tpu.memory_space<vmem>>, %arg4: memref<1024x256xf32, #tpu.memory_space<vmem>>) attributes {dimension_semantics = [#tpu.dimension_semantics<arbitrary>], iteration_bounds = array<i64: 10>, scalar_prefetch = 0 : i64, scratch_operands = 0 : i64, tpu.core_type = #tpu.core_type<tc>, window_params = [{transform_indices = @transform_0, window_bounds = array<i64: 1024, 256>}, {pipeline_mode = #tpu.pipeline_mode<synchronous>, transform_indices = @transform_1, window_bounds = array<i64: 256, 256>}, {pipeline_mode = #tpu.pipeline_mode<synchronous>, transform_indices = @transform_2, window_bounds = array<i64: 8, 256>}, {transform_indices = @transform_3, window_bounds = array<i64: 1024, 256>}]} {
    %get3A = arith.constant 0 : index
    %get3A_0 = arith.constant 0 : index
    %get3A_1 = vector.load %arg1[%get3A, %get3A_0] : memref<1024x256xf32, #tpu.memory_space<vmem>>, vector<1024x256xf32>
    %get3A_2 = arith.constant 0 : index
    %get3A_3 = arith.constant 0 : index
    %get3A_4 = vector.load %arg2[%get3A_2, %get3A_3] : memref<256x256xf32, #tpu.memory_space<vmem>>, vector<256x256xf32>
    %dot_general3A = arith.constant dense<0.000000e+00> : vector<1024x256xf32>
    %dot_general3A_5 = tpu.matmul %get3A_1, %get3A_4, %dot_general3A {dimension_numbers = #tpu.dot_dimension_numbers<[1], [0], [0], [1], [0, 0, 1, 1], [], []>, transpose_lhs_hint = false} : vector<1024x256xf32>, vector<256x256xf32>, vector<1024x256xf32> -> vector<1024x256xf32>
    %get3A_6 = arith.constant 0 : index
    %get3A_7 = arith.constant 0 : index
    %get3A_8 = vector.load %arg3[%get3A_6, %get3A_7] : memref<8x256xf32, #tpu.memory_space<vmem>>, vector<1x256xf32>
    %add3A = vector.broadcast %get3A_8 : vector<1x256xf32> to vector<1024x256xf32>
    %add3A_9 = arith.addf %dot_general3A_5, %add3A : vector<1024x256xf32>
    %swap3A = arith.constant 0 : index
    %swap3A_10 = arith.constant 0 : index
    %swap3A_11 = vector.load %arg4[%swap3A, %swap3A_10] : memref<1024x256xf32, #tpu.memory_space<vmem>>, vector<1024x256xf32>
    tpu.vector_store %arg4[%swap3A, %swap3A_10], %add3A_9 {strides = array<i32>} : memref<1024x256xf32, #tpu.memory_space<vmem>>, vector<1024x256xf32>,
    return
  }
  func.func @transform_0(%arg0: i32) -> (i32, i32) {
    %c0_i32 = arith.constant 0 : i32
    %c0_i32_0 = arith.constant 0 : i32
    return %arg0, %c0_i32 : i32, i32
  }
  func.func @transform_1(%arg0: i32) -> (i32, i32) {
    %c0_i32 = arith.constant 0 : i32
    %c0_i32_0 = arith.constant 0 : i32
    %c0_i32_1 = arith.constant 0 : i32
    return %c0_i32, %c0_i32_0 : i32, i32
  }
  func.func @transform_2(%arg0: i32) -> (i32, i32) {
    %c0_i32 = arith.constant 0 : i32
    %c0_i32_0 = arith.constant 0 : i32
    %c0_i32_1 = arith.constant 0 : i32
    return %c0_i32, %c0_i32_0 : i32, i32
  }
  func.func @transform_3(%arg0: i32) -> (i32, i32) {
    %c0_i32 = arith.constant 0 : i32
    %c0_i32_0 = arith.constant 0 : i32
    return %arg0, %c0_i32 : i32, i32
  }
}

</mosaic_0001>

<sc_bundles>
// kernel: kernel.6.cloned.1.call-start
scs
__scs_entry_jumppad:
0x0: {  	(pc) =	sbr.rel $0x88, $3  }
0x1: {  	(tag) =	ssettag $0x0;
	lr =	simm.s32 $0x1  }
0x2: {  	[smem:$0x3F92] =	sst lr;
	_ =	strace $0xD0000000  }
0x3: {  	_ = 	snop  }
0x4: {  	_ = 	snop  }
0x5: {  	_ = 	snop  }
0x6: {  	_ = 	snop  }
0x7: {  	_ = 	snop  }
__scs_overlays_trampoline_lowered:
0x8: {  	[smem:$0x3FA1] =	sst s0  }
0x9: {  	[smem:$0x3FA2] =	sst s1  }
0xa: {  	[smem:$0x3FA3] =	sst s2  }
0xb: {  	[smem:$0x3FA4] =	sst s3  }
0xc: {  	[smem:$0x3FA5] =	sst s4  }
0xd: {  	[smem:$0x3FA6] =	sst s5  }
0xe: {  	[smem:$0x3FA7] =	sst s6  }
0xf: {  	[smem:$0x3FA8] =	sst s7  }
0x10: {  	[smem:$0x3FA9] =	sst s8  }
0x11: {  	[smem:$0x3FAA] =	sst s9;
	s0 =	simm.s32 @!p0 $0x0  }
0x12: {  	s1 =	sld [smem:$0x3F90];
	s0 =	simm.s32 @p0 $0x1  }
0x13: {  	[smem:$0x3FAB] =	sst s0;
	s0 =	simm.s32 @!p1 $0x0  }
0x14: {  	s2 =	sld [smem:$0x3F8F];
	s0 =	simm.s32 @p1 $0x1  }
0x15: {  	[smem:$0x3FAC] =	sst s0;
	s0 =	simm.s32 @!p2 $0x0  }
0x16: {  	s3 =	sld [smem:$0x3FDB];
	s0 =	simm.s32 @p2 $0x1  }
0x17: {  	s4 =	simm.s32 $0x1BF5;
	[smem:$0x3FAE] =	sst s0  }
0x18: {  	s0 =	sld [smem:$0x3F91];
	_ =	swait.ge [sflag:s4], $0x0  }
0x19: {  	s7 =	sld [smem:$0x3F92]  }
0x1a: {  	s8 =	sadd.s32 $0xFFFFE003, lr  }
0x1b: {  	s9 =	sadd.s32 $0xFFFFFEF7, lr;
	s5 =	simm.s32 $0xFFFFFFFF;
	p2 =	slt.u32 s8, $0xFFFFF086  }
0x1c: {  	p1 =	slt.u32 s9, $0xF7A;
	s5 =	simm.s32 @!p2 $0x0  }
0x1d: {  	s5 =	simm.s32 @p1 $0x1;
	p0 =	seq.s32 s7, s2  }
0x1e: {  	s7 =	smul.u32 @!p0 $0xF7A, s2;
	p2 =	seq.s32 @!p0 s5, $0x0  }
0x1f: {  	s9 =	smul.u32 $0xF7A, s1;
	s8 =	simm.s32 @!p0 $0x1BF5;
	p2 =	por !p2, p0  }
0x20: {  	[sflag:s8] =	ssyncset.s32 @!p0 $0xFFFFF086;
	s6 =	sadd.s32 @!p0 s3, s7;
	s7 =	simm.s32 @!p0 $0x108  }
0x21: {  	s3 =	sadd.s32 s3, s9;
	s6 =	sadd.s32 @!p0 $0x88, s6;
	s7 =	simm.s32 @p2 $0x1082  }
0x22: {  	[simem:s7], [sflag:s8] =	dma.local @!p0 [hbm:s6], $0xF7A  }
0x23: {  	s9 =	sor.u32 $0xD0000000, s2;
	s6 =	simm.s32 $0x108;
	_ =	swait.ge @!p0 [sflag:s8], $0x0  }
0x24: {  	s3 =	sadd.s32 $0x88, s3;
	s6 =	simm.s32 @!p1 $0x1082;
	[sflag:s4] =	ssyncset.s32 $0xFFFFF086  }
0x25: {  	[simem:s6], [sflag:s4] =	dma.local [hbm:s3], $0xF7A  }
0x26: {  	[smem:$0x3F92] =	sst s1;
	(tag) =	ssettag s2;
	_ =	strace s9  }
0x27: {  	s1 =	sld [smem:$0x3FA2]  }
0x28: {  	s2 =	sld [smem:$0x3FA3]  }
0x29: {  	s4 =	sld [smem:$0x3FA5]  }
0x2a: {  	p0 =	seq.s32 s5, $0x0;
	s5 =	sld [smem:$0x3FA6]  }
0x2b: {  	s6 =	sld [smem:$0x3FA7]  }
0x2c: {  	s7 =	sld [smem:$0x3FA8]  }
0x2d: {  	s3 =	simm.s32 $0x108;
	s8 =	sld [smem:$0x3FA9]  }
0x2e: {  	s3 =	simm.s32 @!p0 $0x1082;
	s9 =	sld [smem:$0x3FAA]  }
0x2f: {  	lr =	sadd.s32 s0, s3;
	s0 =	sld [smem:$0x3FA1]  }
0x30: {  	s3 =	sld [smem:$0x3FA4]  }
0x31: {  	[smem:$0x3FAD] =	sst s10  }
0x32: {  	s10 =	sld [smem:$0x3FAB];
	_ =	sdelay $0x3  }
0x33: {  	p0 =	seq.s32 s10, $0x1;
	s10 =	sld [smem:$0x3FAD];
	_ =	sdelay $0x3  }
0x34: {  	[smem:$0x3FAD] =	sst s10  }
0x35: {  	s10 =	sld [smem:$0x3FAC];
	_ =	sdelay $0x3  }
0x36: {  	p1 =	seq.s32 s10, $0x1;
	s10 =	sld [smem:$0x3FAD];
	_ =	sdelay $0x3  }
0x37: {  	[smem:$0x3FAD] =	sst s10  }
0x38: {  	s10 =	sld [smem:$0x3FAE]  }
0x39: {  	_ = 	snop;
	(pc) =	sbr.ind lr, $3  }
0x3a: {  	_ = 	snop  }
0x3b: {  	_ = 	snop  }
0x3c: {  	p2 =	seq.s32 s10, $0x1;
	s10 =	sld [smem:$0x3FAD]  }
0x3d: {  	_ =	shalt  }
0x3e: {  	_ =	shalt  }
0x3f: {  	_ =	shalt  }
0x40: {  	_ =	shalt  }
0x41: {  	_ =	shalt  }
0x42: {  	_ =	shalt  }
0x43: {  	_ =	shalt  }
0x44: {  	_ =	shalt  }
0x45: {  	_ =	shalt  }
0x46: {  	_ =	shalt  }
0x47: {  	_ =	shalt  }
0x48: {  	_ =	shalt  }
0x49: {  	_ =	shalt  }
0x4a: {  	_ =	shalt  }
0x4b: {  	_ =	shalt  }
0x4c: {  	_ =	shalt  }
0x4d: {  	_ =	shalt  }
0x4e: {  	_ =	shalt  }
0x4f: {  	_ =	shalt  }
0x50: {  	_ =	shalt  }
0x51: {  	_ =	shalt  }
0x52: {  	_ =	shalt  }
0x53: {  	_ =	shalt  }
0x54: {  	_ =	shalt  }
0x55: {  	_ =	shalt  }
0x56: {  	_ =	shalt  }
0x57: {  	_ =	shalt  }
0x58: {  	_ =	shalt  }
0x59: {  	_ =	shalt  }
0x5a: {  	_ =	shalt  }
0x5b: {  	_ =	shalt  }
0x5c: {  	_ =	shalt  }
0x5d: {  	_ =	shalt  }
0x5e: {  	_ =	shalt  }
0x5f: {  	_ =	shalt  }
0x60: {  	_ =	shalt  }
0x61: {  	_ =	shalt  }
0x62: {  	_ =	shalt  }
0x63: {  	_ =	shalt  }
0x64: {  	_ =	shalt  }
0x65: {  	_ =	shalt  }
0x66: {  	_ =	shalt  }
0x67: {  	_ =	shalt  }
0x68: {  	_ =	shalt  }
0x69: {  	_ =	shalt  }
0x6a: {  	_ =	shalt  }
0x6b: {  	_ =	shalt  }
0x6c: {  	_ =	shalt  }
0x6d: {  	_ =	shalt  }
0x6e: {  	_ =	shalt  }
0x6f: {  	_ =	shalt  }
0x70: {  	_ =	shalt  }
0x71: {  	_ =	shalt  }
0x72: {  	_ =	shalt  }
0x73: {  	_ =	shalt  }
0x74: {  	_ =	shalt  }
0x75: {  	_ =	shalt  }
0x76: {  	_ =	shalt  }
0x77: {  	_ =	shalt  }
0x78: {  	_ =	shalt  }
0x79: {  	_ =	shalt  }
0x7a: {  	_ =	shalt  }
0x7b: {  	_ =	shalt  }
0x7c: {  	_ =	shalt  }
0x7d: {  	_ =	shalt  }
0x7e: {  	_ =	shalt  }
0x7f: {  	_ =	shalt  }
0x80: {  	_ =	shalt  }
0x81: {  	_ =	shalt  }
0x82: {  	_ =	shalt  }
0x83: {  	_ =	shalt  }
0x84: {  	_ =	shalt  }
0x85: {  	_ =	shalt  }
0x86: {  	_ =	shalt  }
0x87: {  	_ =	shalt  }
.Lfunc_end0:
.L_simem_size_0:
called_computation_lowered:
.L_overlay_start_0:
0x88: {  	s2 =	sld [smem:$0x3FD9]  }
0x89: {  	s3 =	sld [smem:$0x3FFE];
	_ =	sdelay $0x1  }
0x8a: {  	s1 =	srdreg.scid  }
0x8b: {  	s0 =	sand.u32 $0x1, s1  }
0x8c: {  	s16 =	sshll.u32 s0, $0xA;
	s2 =	sadd.s32 s3, s2  }
0x8d: {  	s2 =	sadd.s32 s2, s16  }
0x8e: {  	[smem:$0x3FB9] =	sst s2  }
0x8f: {  	_ = 	snop  }
0x90: {  	(tm) =	ssettm $0x1  }
0x91: {  	s17 =	sld [smem:$0x3FFB];
	_ =	sdelay $0x3  }
0x92: {  	_ =	strace s17  }
0x93: {  	s2 =	sld [smem:$0x3FFC];
	_ =	sdelay $0x3  }
0x94: {  	_ =	strace s2  }
0x95: {  	s2 =	sld [smem:$0x3FFD];
	_ =	sdelay $0x3  }
0x96: {  	_ =	strace s2  }
0x97: {  	_ =	strace $0x8FFFFFFF  }
0x98: {  	s18 =	sld [smem:$0x3FDB];
	_ =	sdelay $0x1  }
0x99: {  	s19 =	simm.s32 $_scs_section_size  }
0x9a: {  	s4 =	simm.s32 $_size__tile_overlayer_lowered;
	s5 =	simm.s32 $_tile_overlayer_lowered  }
0x9b: {  	s22 =	simm.s32 $0x1BFF;
	s21 =	sshll.u32 s5, $0x1;
	s2 =	sadd.s32 s19, s18  }
0x9c: {  	s6 =	simm.s32 $0x0;
	s20 =	sshll.u32 s4, $0x1;
	s4 =	sadd.s32 s21, s2  }
0x9d: {  	[timem:s6], [sflag:s22] =	dma.local [hbm:s4], s20  }
0x9e: {  	_ =	swait.ge [sflag:s22], s20  }
0x9f: {  	s3 =	ssub.s32 $0x0, s20;
	[sflag:s22] =	ssyncset.done $0x0  }
0xa0: {  	[sflag:s22] =	ssyncadd.s32 s3;
	_ =	sdelay $0x1  }
0xa1: {  	s23 =	simm.s32 $0x1B8B  }
0xa2: {  	_ =	swait.ge [sflag:s23], $0x1  }
0xa3: {  	[sflag:s23] =	ssyncset.done $0x0  }
0xa4: {  	s25 =	simm.s32 $0x1B8E;
	s24 =	sld [smem:$0x3FFE];
	[sflag:s23] =	ssyncadd.s32 $0xFFFFFFFF  }
0xa5: {  	s26 =	simm.s32 $execute0_lowered;
	[smem:$0x3FD2] =	sst s25  }
0xa6: {  	s4 =	sshll.u32 s26, $0x1;
	_ =	strace $0x80000046;
	[dreg:$0x1] =	wrdreg $0xFFFFFFFF  }
0xa7: {  	s28 =	simm.s32 $_size_execute0_lowered;
	s2 =	sadd.s32 s2, s4;
	[dreg:$0x0] =	wrdreg $0x0  }
0xa8: {  	s4 =	sshll.u32 s28, $0x1;
	[dreg:$0x2] =	wrdreg s2  }
0xa9: {  	[dreg:$0x3] =	wrdreg s4  }
0xaa: {  	[dreg:$0x4] =	wrdreg $0xC0  }
0xab: {  	_ =	task [dreg:s6], $0x5FFFF  }
0xac: {  	[dreg:$0x1] =	wrdreg $0xFFFFFFFF  }
0xad: {  	[dreg:$0x0] =	wrdreg $0x60  }
0xae: {  	[dreg:$0x2] =	wrdreg s24  }
0xaf: {  	[dreg:$0x3] =	wrdreg $0x9  }
0xb0: {  	_ =	task.clear_ibuf [dreg:s6], $0x4FFFF;
	_ =	strace $0x90000046  }
0xb1: {  	s29 =	simm.s32 $0x9;
	_ =	strace $0x80000048  }
0xb2: {  	_ =	swait.ge [sflag:s29], $0x1  }
0xb3: {  	[sflag:s29] =	ssyncadd.s32 $0xFFFFFFFF  }
0xb4: {  	_ =	strace $0x90000048  }
0xb5: {  	_ =	sfence  }
0xb6: {  	s30 =	sld [smem:$0x0];
	_ =	sdelay $0x2  }
0xb7: {  	s31 =	sshll.u32 s1, $0xD;
	s1 =	sshrl.u32 s1, $0x2  }
0xb8: {  	s3 =	sand.u32 $0x4000, s31;
	s1 =	sadd.s32 s1, s30  }
0xb9: {  	s0 =	sor.u32 s3, s0;
	s1 =	sshll.u32 s1, $0x11  }
0xba: {  	s0 =	sor.u32 s1, s0  }
0xbb: {  	s0 =	sadd.s32 $0x8F2B, s0  }
0xbc: {  	[sflag:s0] =	ssyncadd.remote.s32 $0x1  }
0xbd: {  	_ =	sfence.sel $0xFFFF  }
0xbe: {  	[dreg:$0x0] =	wrdreg $0xFFFFFFFF;
	(pc) =	sbr.abs _section_cstart, $3  }
0xbf: {  	[dreg:$0x1] =	wrdreg $0xFFFFFFFF  }
0xc0: {  	_ =	task.clear_ibuf [dreg:s6], $0x2FFFF;
	_ =	strace $0x9FFFFFFF  }
0xc1: {  	(tm) =	ssettm $0x7FFFFFFF  }
tec
execute0_lowered:
.L_overlay_start_1:
0x0: {  	(tag) =	ssettag $0x1  }
0x1: {  	s0 =	rddreg [dreg:$0x0]  }
0x2: {  	s2 =	simm.s32 $0x0;
	s1 =	srdreg.scid;
	s3 =	stileid.u32  }
0x3: {  	s13 =	simm.s32 $0x2;
	s14 =	simm.s32 $0x80;
	s21 =	simm.s32 $0x13000  }
0x4: {  	s22 =	simm.s32 $0x13800;
	s23 =	simm.s32 $0x14000;
	s24 =	simm.s32 $0x14800  }
0x5: {  	s28 =	simm.s32 $0x1;
	s29 =	simm.s32 $0x18000;
	s30 =	simm.s32 $0x3  }
0x6: {  	[smem:$0x7FF] =	sst s2;
	s1 =	sand.u32 $0x1, s1;
	s4 =	sshll.u32 s3, $0x1  }
0x7: {  	s3 =	sadd.s32 $0x1E3200, s0;
	s7 =	ssub.s32 $0x2, s1;
	s1 =	sor.u32 s1, s4  }
0x8: {  	s5 =	sadd.s32 $0x143200, s0;
	s6 =	sadd.s32 $0xA3200, s0;
	s9 =	smul.u32 $0x5000, s1  }
0x9: {  	_ =	strace $0x80000047;
	s4 =	sadd.s32 $0x3200, s0;
	s8 =	sshrl.u32 s7, $0x1  }
0xa: {  	s10 =	smul.u32 $0x14000, s1;
	s25 =	ssub.s32 s7, s8;
	s26 =	sadd.s32 s4, s9  }
0xb: {  	s31 =	sadd.s32 s5, s9;
	s9 =	smul.u32 $0x28000, s1;
	[dreg:$0x2] =	wrdreg s26  }
0xc: {  	s0 =	smax.u32 s25, $0x1;
	s25 =	simm.s32 $0x15000;
	[dreg:$0x3] =	wrdreg s31  }
0xd: {  	s1 =	simm.s32 $0x0;
	[dreg:$0x4] =	wrdreg s0;
	s26 =	simm.s32 $0x15800  }
.LBB2_1:
0xe: {  	[dreg:$0x5] =	wrdreg s1  }
0xf: {  	s0 =	rddreg [dreg:$0x2]  }
0x10: {  	[tilespmem:s2], [sflag:$0x2] =	stream.linear.gather [hbm4b:s0+s2], $0x4000, $0x38;
	[tilespmem:$0x1A000] =	vst v63  }
0x11: {  	s20 =	rddreg [dreg:$0x3];
	s31 =	simm.s32 $0x8000;
	s0 =	simm.s32 $0x0  }
0x12: {  	[tilespmem:s31], [sflag:$0x2] =	stream.linear.gather [hbm4b:s20+s2], $0x4000, $0x38;
	[tilespmem:$0x1A000] =	vst v63  }
.LBB2_2:
0x13: {  	_ =	swait.ge [sflag:s13], $0x4000  }
0x14: {  	s1 =	sadd.s32 $0x1, s0;
	p0 =	seq.s32 s0, $0x9;
	[sflag:s13] =	ssyncset.done $0x0  }
0x15: {  	s7 =	sshll.u32 @!p0 s1, $0xE;
	[sflag:s13] =	ssyncadd.s32 $0xFFFFC000  }
0x16: {  	s8 =	sadd.s32 @!p0 s9, s7;
	_ =	swait.ge [sflag:s13], $0x4000  }
0x17: {  	s12 =	simm.s32 @!p0 $0x0;
	s8 =	sshrl.u32 @!p0 s8, $0x3;
	[sflag:s13] =	ssyncset.done $0x0  }
0x18: {  	s7 =	sand.u32 @!p0 $0x4000, s7;
	s11 =	sadd.s32 @!p0 s4, s8;
	[sflag:s13] =	ssyncadd.s32 $0xFFFFC000  }
0x19: {  	[tilespmem:s7], [sflag:$0x2] =	stream.linear.gather @!p0 [hbm4b:s11+s12], $0x4000, $0x38;
	[tilespmem:$0x1A000] =	vst v63  }
0x1a: {  	s19 =	sshll.u32 s0, $0xE;
	s8 =	sadd.s32 @!p0 s5, s8;
	s7 =	sor.u32 @!p0 $0x8000, s7  }
0x1b: {  	[tilespmem:s7], [sflag:$0x2] =	stream.linear.gather @!p0 [hbm4b:s8+s12], $0x4000, $0x38;
	[tilespmem:$0x1A000] =	vst v63  }
0x1c: {  	s20 =	simm.s32 $0x10000;
	s12 =	sand.u32 $0x4000, s19  }
0x1d: {  	[tilespmem:s20], [sflag:$0x1] =	stream.indirect.gather [hbm4b:s3+s14], $0x10, s12, s14, $0xb8;
	[tilespmem:$0x1A000] =	vst v63  }
0x1e: {  	s11 =	simm.s32 $0x10800;
	s8 =	sor.u32 $0x80, s12  }
0x1f: {  	[tilespmem:s11], [sflag:$0x1] =	stream.indirect.gather [hbm4b:s3+s14], $0x10, s8, s14, $0xb8;
	[tilespmem:$0x1A000] =	vst v63  }
0x20: {  	s16 =	simm.s32 $0x11000;
	s15 =	sor.u32 $0x100, s12  }
0x21: {  	[tilespmem:s16], [sflag:$0x1] =	stream.indirect.gather [hbm4b:s3+s14], $0x10, s15, s14, $0xb8;
	[tilespmem:$0x1A000] =	vst v63  }
0x22: {  	s18 =	simm.s32 $0x11800;
	s17 =	sor.u32 $0x180, s12  }
0x23: {  	[tilespmem:s18], [sflag:$0x1] =	stream.indirect.gather [hbm4b:s3+s14], $0x10, s17, s14, $0xb8;
	[tilespmem:$0x1A000] =	vst v63  }
0x24: {  	s19 =	sor.u32 $0x200, s12;
	s20 =	simm.s32 $0x12000  }
0x25: {  	[tilespmem:s20], [sflag:$0x1] =	stream.indirect.gather [hbm4b:s3+s14], $0x10, s19, s14, $0xb8;
	[tilespmem:$0x1A000] =	vst v63  }
0x26: {  	s8 =	sor.u32 $0x280, s12;
	s11 =	simm.s32 $0x12800  }
0x27: {  	[tilespmem:s11], [sflag:$0x1] =	stream.indirect.gather [hbm4b:s3+s14], $0x10, s8, s14, $0xb8;
	[tilespmem:$0x1A000] =	vst v63  }
0x28: {  	s15 =	sor.u32 $0x300, s12  }
0x29: {  	[tilespmem:s21], [sflag:$0x1] =	stream.indirect.gather [hbm4b:s3+s14], $0x10, s15, s14, $0xb8;
	[tilespmem:$0x1A000] =	vst v63  }
0x2a: {  	s16 =	sor.u32 $0x380, s12  }
0x2b: {  	[tilespmem:s22], [sflag:$0x1] =	stream.indirect.gather [hbm4b:s3+s14], $0x10, s16, s14, $0xb8;
	[tilespmem:$0x1A000] =	vst v63  }
0x2c: {  	s17 =	sor.u32 $0x400, s12  }
0x2d: {  	[tilespmem:s23], [sflag:$0x1] =	stream.indirect.gather [hbm4b:s3+s14], $0x10, s17, s14, $0xb8;
	[tilespmem:$0x1A000] =	vst v63  }
0x2e: {  	s18 =	sor.u32 $0x480, s12  }
0x2f: {  	[tilespmem:s24], [sflag:$0x1] =	stream.indirect.gather [hbm4b:s3+s14], $0x10, s18, s14, $0xb8;
	[tilespmem:$0x1A000] =	vst v63  }
0x30: {  	s31 =	simm.s32 $0x0;
	s7 =	sor.u32 $0x8000, s12;
	s19 =	sor.u32 $0x500, s12  }
0x31: {  	[tilespmem:s25], [sflag:$0x1] =	stream.indirect.gather [hbm4b:s3+s14], $0x10, s19, s14, $0xb8;
	[tilespmem:$0x1A000] =	vst v63  }
0x32: {  	s20 =	sor.u32 $0x580, s12;
	s8 =	simm.s32 $0x0;
	s11 =	simm.s32 $0x0  }
0x33: {  	v0 =	vmov s7;
	[tilespmem:s26], [sflag:$0x1] =	stream.indirect.gather [hbm4b:s3+s14], $0x10, s20, s14, $0xb8;
	[tilespmem:$0x1A000] =	vst v63  }
.LBB2_3:
0x34: {  	p0 =	sgt.u32 s31, $0x1C  }
0x35: {  	s15 =	sadd.s32 @!p0 $0x3, s31  }
0x36: {  	s16 =	sshll.u32 @!p0 s15, $0xD;
	s15 =	sshll.u32 @!p0 s15, $0x9  }
0x37: {  	s16 =	sand.u32 @!p0 $0x6000, s16;
	s15 =	sand.u32 @!p0 $0x3FFFFE00, s15  }
0x38: {  	s18 =	simm.s32 @!p0 $0x80;
	s17 =	sor.u32 @!p0 $0x10000, s16;
	s15 =	sadd.s32 @!p0 s15, s12  }
0x39: {  	[tilespmem:s17], [sflag:$0x1] =	stream.indirect.gather @!p0 [hbm4b:s3+s18], $0x10, s15, s18, $0xb8;
	[tilespmem:$0x1A000] =	vst v63  }
0x3a: {  	s17 =	sor.u32 @!p0 $0x10800, s16;
	s19 =	sadd.s32 @!p0 $0x80, s15  }
0x3b: {  	[tilespmem:s17], [sflag:$0x1] =	stream.indirect.gather @!p0 [hbm4b:s3+s18], $0x10, s19, s18, $0xb8;
	[tilespmem:$0x1A000] =	vst v63  }
0x3c: {  	s17 =	sor.u32 @!p0 $0x11000, s16;
	s19 =	sadd.s32 @!p0 $0x100, s15  }
0x3d: {  	[tilespmem:s17], [sflag:$0x1] =	stream.indirect.gather @!p0 [hbm4b:s3+s18], $0x10, s19, s18, $0xb8;
	[tilespmem:$0x1A000] =	vst v63  }
0x3e: {  	s16 =	sor.u32 @!p0 $0x11800, s16;
	s15 =	sadd.s32 @!p0 $0x180, s15  }
0x3f: {  	[tilespmem:s16], [sflag:$0x1] =	stream.indirect.gather @!p0 [hbm4b:s3+s18], $0x10, s15, s18, $0xb8;
	[tilespmem:$0x1A000] =	vst v63  }
0x40: {  	_ =	swait.ge [sflag:s28], $0x800  }
0x41: {  	[sflag:s28] =	ssyncset.done $0x0  }
0x42: {  	[sflag:s28] =	ssyncadd.s32 $0xFFFFF800  }
0x43: {  	_ =	swait.ge [sflag:s28], $0x800  }
0x44: {  	[sflag:s28] =	ssyncset.done $0x0  }
0x45: {  	[sflag:s28] =	ssyncadd.s32 $0xFFFFF800  }
0x46: {  	_ =	swait.ge [sflag:s28], $0x800  }
0x47: {  	[sflag:s28] =	ssyncset.done $0x0  }
0x48: {  	[sflag:s28] =	ssyncadd.s32 $0xFFFFF800  }
0x49: {  	_ =	swait.ge [sflag:s28], $0x800  }
0x4a: {  	s18 =	sshll.u32 s31, $0x9;
	[sflag:s28] =	ssyncset.done $0x0  }
0x4b: {  	s16 =	sand.u32 $0x3FFFFE00, s18;
	[sflag:s28] =	ssyncadd.s32 $0xFFFFF800  }
0x4c: {  	v7 =	vld.idx.msk [tilespmem:v0+s16+$0x0 ss:$0x1], $0xffff  }
0x4d: {  	v5 =	vld.idx.msk [tilespmem:v0+s16+$0x10 ss:$0x1], $0xffff  }
0x4e: {  	v6 =	vld.idx.msk [tilespmem:v0+s16+$0x20 ss:$0x1], $0xffff  }
0x4f: {  	v4 =	vld.idx.msk [tilespmem:v0+s16+$0x30 ss:$0x1], $0xffff  }
0x50: {  	v1 =	vld.idx.msk [tilespmem:v0+s16+$0x40 ss:$0x1], $0xffff  }
0x51: {  	s19 =	sshll.u32 s11, $0xD;
	v2 =	vld.idx.msk [tilespmem:v0+s16+$0x50 ss:$0x1], $0xffff  }
0x52: {  	s18 =	sand.u32 $0x6000, s19;
	v3 =	vld.idx.msk [tilespmem:v0+s16+$0x60 ss:$0x1], $0xffff  }
0x53: {  	s19 =	sor.u32 $0x10400, s18;
	v8 =	vld.idx.msk [tilespmem:v0+s16+$0x70 ss:$0x1], $0xffff  }
0x54: {  	v10 =	vld [tilespmem:s19+$0x300]  }
0x55: {  	v9 =	vmov s8;
	v11 =	vld [tilespmem:s19+$0xFFFFFC00]  }
0x56: {  	v9 =	vand.u32 $0xF, v9;
	v12 =	vld [tilespmem:s19+$0xFFFFFD00]  }
0x57: {  	v9 =	vbroadcast v9, $0x0;
	v13 =	vld [tilespmem:s19+$0xFFFFFE00]  }
0x58: {  	v17 =	vld [tilespmem:s19+$0xFFFFFF00]  }
0x59: {  	v16 =	vimm.f32 $0.0e+00;
	v21 =	vld [tilespmem:s19+$0x0];
	v14 =	vperm.xlane v7, v9;
	v18 =	vperm.xlane v8, v9  }
0x5a: {  	v24 =	vld [tilespmem:s19+$0x100];
	v19 =	vperm.xlane v5, v9;
	v20 =	vperm.xlane v6, v9;
	v15 =	vand.u32 $0xFFFF0000, v10  }
0x5b: {  	v22 =	vshll.u32 v11, $0x10;
	v23 =	vperm.xlane v4, v9;
	v11 =	vand.u32 $0xFFFF0000, v11  }
0x5c: {  	v25 =	vperm.xlane v1, v9;
	v26 =	vperm.xlane v2, v9;
	v28 =	vshll.u32 v12, $0x10  }
0x5d: {  	v27 =	vld [tilespmem:s19+$0x200];
	v9 =	vperm.xlane v3, v9;
	v12 =	vand.u32 $0xFFFF0000, v12;
	v29 =	vshll.u32 v13, $0x10  }
0x5e: {  	v13 =	vand.u32 $0xFFFF0000, v13;
	v30 =	vshll.u32 v17, $0x10;
	v17 =	vand.u32 $0xFFFF0000, v17  }
0x5f: {  	v31 =	vshll.u32 v21, $0x10;
	v21 =	vand.u32 $0xFFFF0000, v21;
	v32 =	vshll.u32 v24, $0x10  }
0x60: {  	v24 =	vand.u32 $0xFFFF0000, v24;
	v15 =	vmul.f32 v15, v18;
	v22 =	vmul.f32 v22, v14  }
0x61: {  	v36 =	vshll.u32 v10, $0x10;
	v10 =	vmul.f32 v11, v14;
	v11 =	vmul.f32 v28, v19  }
0x62: {  	v35 =	vshll.u32 v27, $0x10;
	v19 =	vmul.f32 v12, v19;
	v33 =	vmul.f32 v30, v23  }
0x63: {  	s20 =	simm.s32 $0x1;
	v27 =	vand.u32 $0xFFFF0000, v27;
	v34 =	vmul.f32 v17, v23;
	v30 =	vmul.f32 v21, v25  }
0x64: {  	v28 =	vmul.f32 v35, v9;
	v35 =	vmov s20;
	v21 =	vimm.f32 $0.0e+00  }
0x65: {  	v23 =	vimm.f32 $0.0e+00;
	v17 =	vimm.f32 $0.0e+00;
	v15 =	vadd.f32 v15, v16  }
0x66: {  	v14 =	vadd.f32 v22, v16;
	v22 =	vmul.f32 v29, v20;
	v20 =	vmul.f32 v13, v20  }
0x67: {  	v13 =	vadd.f32 v10, v16;
	v12 =	vadd.f32 v11, v16;
	v29 =	vmul.f32 v31, v25  }
0x68: {  	v10 =	vadd.f32 v19, v16;
	v31 =	vmul.f32 v32, v26;
	v32 =	vmul.f32 v24, v26  }
0x69: {  	v19 =	vmul.f32 v27, v9;
	v25 =	vimm.f32 $0.0e+00;
	v24 =	vimm.f32 $0.0e+00  }
0x6a: {  	s15 =	sor.u32 $0x11F00, s18;
	s17 =	sor.u32 $0x11700, s18;
	s19 =	sadd.s32 $0x10, s19;
	v26 =	vimm.f32 $0.0e+00;
	v11 =	vadd.f32 v22, v16;
	v9 =	vadd.f32 v20, v16  }
0x6b: {  	s18 =	sor.u32 $0x10F00, s18;
	s16 =	sadd.s32 s16, s7;
	s20 =	simm.s32 $0x2;
	v27 =	vld [tilespmem:s19+$0x300];
	v20 =	vmul.f32 v36, v18;
	v22 =	vimm.f32 $0.0e+00;
	v18 =	vimm.f32 $0.0e+00  }
.LBB2_4:
0x6c: {  	p0 =	sne.s32 s20, $0xF;
	v35 =	vand.u32 $0xF, v35;
	v36 =	vld [tilespmem:s19+$0xFFFFFC00];
	v16 =	vadd.f32 v33, v16;
	v22 =	vadd.f32 v34, v22  }
0x6d: {  	v21 =	vadd.f32 v29, v21;
	v25 =	vadd.f32 v30, v25;
	v33 =	vbroadcast v35, $0x0;
	v34 =	vld [tilespmem:s19+$0xFFFFFD00]  }
0x6e: {  	v23 =	vadd.f32 v31, v23;
	v24 =	vadd.f32 v32, v24;
	v29 =	vld [tilespmem:s19+$0xFFFFFE00]  }
0x6f: {  	v26 =	vadd.f32 v28, v26;
	v30 =	vperm.xlane v7, v33;
	v31 =	vld [tilespmem:s19+$0xFFFFFF00];
	v37 =	vperm.xlane v8, v33  }
0x70: {  	v28 =	vperm.xlane v5, v33;
	v32 =	vperm.xlane v6, v33;
	v35 =	vld [tilespmem:s19+$0x0];
	v38 =	vand.u32 $0xFFFF0000, v27  }
0x71: {  	v40 =	vperm.xlane v4, v33;
	v39 =	vshll.u32 v36, $0x10;
	v41 =	vld [tilespmem:s19+$0x100];
	v38 =	vmul.f32 v38, v37  }
0x72: {  	v42 =	vperm.xlane v1, v33;
	v43 =	vperm.xlane v2, v33;
	v36 =	vand.u32 $0xFFFF0000, v36;
	v44 =	vld [tilespmem:s19+$0x200]  }
0x73: {  	v46 =	vperm.xlane v3, v33;
	v45 =	vshll.u32 v34, $0x10;
	v15 =	vadd.f32 v38, v15  }
0x74: {  	v33 =	vand.u32 $0xFFFF0000, v34;
	v34 =	vshll.u32 v29, $0x10;
	v29 =	vand.u32 $0xFFFF0000, v29  }
0x75: {  	v38 =	vshll.u32 v31, $0x10;
	v31 =	vand.u32 $0xFFFF0000, v31;
	v47 =	vshll.u32 v35, $0x10  }
0x76: {  	v35 =	vand.u32 $0xFFFF0000, v35;
	v48 =	vshll.u32 v41, $0x10;
	v41 =	vand.u32 $0xFFFF0000, v41  }
0x77: {  	v50 =	vshll.u32 v27, $0x10;
	v49 =	vshll.u32 v44, $0x10;
	v44 =	vand.u32 $0xFFFF0000, v44  }
0x78: {  	v18 =	vadd.f32 v19, v18;
	v27 =	vmul.f32 v39, v30;
	v30 =	vmul.f32 v36, v30  }
0x79: {  	v17 =	vadd.f32 v20, v17;
	v19 =	vmul.f32 v45, v28;
	v28 =	vmul.f32 v33, v28  }
0x7a: {  	v14 =	vadd.f32 v27, v14;
	v20 =	vmul.f32 v34, v32;
	v36 =	vmul.f32 v29, v32  }
.Ltmp0:
0x7b: {  	v13 =	vadd.f32 v30, v13;
	v33 =	vmul.f32 v38, v40;
	v34 =	vmul.f32 v31, v40;
	(pc) =	sbr.rel @p0 .LBB2_4-.Ltmp0, $4  }
0x7c: {  	v12 =	vadd.f32 v19, v12;
	v29 =	vmul.f32 v47, v42;
	v30 =	vmul.f32 v35, v42  }
0x7d: {  	v10 =	vadd.f32 v28, v10;
	v31 =	vmul.f32 v48, v43;
	v32 =	vmul.f32 v41, v43  }
0x7e: {  	s19 =	sadd.s32 $0x10, s19;
	v11 =	vadd.f32 v20, v11;
	v28 =	vmul.f32 v49, v46;
	v19 =	vmul.f32 v44, v46  }
0x7f: {  	v35 =	vmov s20;
	s20 =	sadd.s32 $0x1, s20;
	v9 =	vadd.f32 v36, v9;
	v20 =	vmul.f32 v50, v37;
	v27 =	vld [tilespmem:s19+$0x300]  }
0x80: {  	v35 =	vand.u32 $0xF, v35;
	v16 =	vadd.f32 v33, v16  }
0x81: {  	v36 =	vld [tilespmem:s19+$0xFFFFFC00];
	v22 =	vadd.f32 v34, v22;
	v21 =	vadd.f32 v29, v21;
	v60 =	vbroadcast v35, $0x0  }
0x82: {  	v61 =	vld [tilespmem:s19+$0xFFFFFD00];
	v25 =	vadd.f32 v30, v25;
	v23 =	vadd.f32 v31, v23  }
0x83: {  	v29 =	vld [tilespmem:s19+$0xFFFFFE00];
	v24 =	vadd.f32 v32, v24;
	v7 =	vperm.xlane v7, v60;
	v8 =	vperm.xlane v8, v60  }
0x84: {  	v30 =	vld [tilespmem:s19+$0xFFFFFF00];
	v26 =	vadd.f32 v28, v26;
	v5 =	vperm.xlane v5, v60;
	v6 =	vperm.xlane v6, v60  }
0x85: {  	v28 =	vld [tilespmem:s19+$0x0];
	v48 =	vadd.f32 v19, v18;
	v35 =	vperm.xlane v4, v60;
	v37 =	vperm.xlane v1, v60  }
0x86: {  	v56 =	vld [tilespmem:s18+$0xFFFFFE00];
	v49 =	vadd.f32 v20, v17;
	v38 =	vperm.xlane v2, v60;
	v33 =	vperm.xlane v3, v60  }
0x87: {  	v52 =	vld [tilespmem:s18+$0x0];
	v31 =	vand.u32 $0xFFFF0000, v27;
	v27 =	vshll.u32 v27, $0x10;
	v62 =	vshll.u32 v36, $0x10  }
0x88: {  	v58 =	vld [tilespmem:s18+$0xFFFFFF00];
	v31 =	vmul.f32 v31, v8;
	v36 =	vand.u32 $0xFFFF0000, v36;
	v39 =	vshll.u32 v61, $0x10  }
0x89: {  	v4 =	vld [tilespmem:s19+$0x100];
	v3 =	vand.u32 $0xFFFF0000, v61;
	v63 =	vshll.u32 v30, $0x10;
	v30 =	vand.u32 $0xFFFF0000, v30  }
0x8a: {  	v1 =	vld [tilespmem:s19+$0x200];
	v40 =	vshll.u32 v28, $0x10;
	v28 =	vand.u32 $0xFFFF0000, v28;
	v8 =	vmul.f32 v27, v8  }
0x8b: {  	v47 =	vshll.u32 v56, $0x10;
	v18 =	vmul.f32 v39, v5;
	v19 =	vmul.f32 v3, v5  }
0x8c: {  	v30 =	vmul.f32 v30, v35;
	v28 =	vmul.f32 v28, v37;
	v39 =	vshll.u32 v52, $0x10  }
0x8d: {  	v15 =	vadd.f32 v31, v15;
	v31 =	vshll.u32 v29, $0x10;
	v29 =	vand.u32 $0xFFFF0000, v29  }
0x8e: {  	v2 =	vld [tilespmem:s16+$0x90];
	v8 =	vadd.f32 v8, v49;
	v49 =	vshll.u32 v58, $0x10;
	v41 =	vshll.u32 v4, $0x10  }
0x8f: {  	v3 =	vld [tilespmem:s16+$0xA0];
	v42 =	vand.u32 $0xFFFF0000, v4;
	v43 =	vshll.u32 v1, $0x10;
	v4 =	vmul.f32 v62, v7  }
0x90: {  	v5 =	vld [tilespmem:s16+$0xC0];
	v44 =	vand.u32 $0xFFFF0000, v1;
	v7 =	vmul.f32 v36, v7;
	v17 =	vmul.f32 v31, v6  }
0x91: {  	v1 =	vld [tilespmem:s16+$0x80];
	v20 =	vmul.f32 v29, v6;
	v29 =	vmul.f32 v63, v35;
	v12 =	vadd.f32 v18, v12  }
0x92: {  	v18 =	vmul.f32 v40, v37;
	v6 =	vld [tilespmem:s16+$0xD0];
	v31 =	vadd.f32 v19, v10;
	v19 =	vadd.f32 v28, v25  }
0x93: {  	v10 =	vld [tilespmem:s16+$0xF0];
	v40 =	vand.u32 $0xFFFF0000, v58;
	v50 =	vmul.f32 v41, v38;
	v14 =	vadd.f32 v4, v14  }
0x94: {  	s20 =	simm.s32 $0x0;
	v25 =	vld [tilespmem:s18+$0xFFFFFA00];
	v51 =	vmul.f32 v42, v38;
	v13 =	vadd.f32 v7, v13;
	v37 =	vadd.f32 v17, v11  }
0x95: {  	v4 =	vld [tilespmem:s16+$0xB0];
	v11 =	vmul.f32 v43, v33;
	v38 =	vadd.f32 v20, v9;
	v9 =	vmov s20  }
0x96: {  	v7 =	vld [tilespmem:s16+$0xE0];
	v33 =	vmul.f32 v44, v33;
	v16 =	vadd.f32 v29, v16;
	v9 =	vand.u32 $0xF, v9  }
0x97: {  	v17 =	vadd.f32 v30, v22;
	v29 =	vld [tilespmem:s18+$0xFFFFF900];
	v18 =	vadd.f32 v18, v21;
	v21 =	vbroadcast v9, $0x0  }
0x98: {  	v30 =	vld [tilespmem:s18+$0xFFFFFD00];
	v22 =	vadd.f32 v50, v23;
	v23 =	vadd.f32 v51, v24;
	v24 =	vand.u32 $0xFFFF0000, v52  }
0x99: {  	v20 =	vadd.f32 v11, v26;
	v11 =	vperm.xlane v1, v21;
	v53 =	vperm.xlane v10, v21  }
0x9a: {  	v9 =	vadd.f32 v33, v48;
	v28 =	vperm.xlane v2, v21;
	v54 =	vperm.xlane v3, v21  }
0x9b: {  	v26 =	vld [tilespmem:s18+$0xFFFFFC00];
	v61 =	vshll.u32 v25, $0x10;
	v59 =	vperm.xlane v5, v21;
	v60 =	vperm.xlane v6, v21  }
0x9c: {  	v27 =	vld [tilespmem:s18+$0xFFFFFB00];
	v55 =	vshll.u32 v29, $0x10;
	v57 =	vperm.xlane v4, v21;
	v29 =	vand.u32 $0xFFFF0000, v29  }
0x9d: {  	v62 =	vperm.xlane v7, v21;
	v46 =	vshll.u32 v30, $0x10;
	v24 =	vmul.f32 v24, v53  }
0x9e: {  	v30 =	vand.u32 $0xFFFF0000, v30;
	v21 =	vmul.f32 v55, v11;
	v11 =	vmul.f32 v29, v11  }
0x9f: {  	v48 =	vand.u32 $0xFFFF0000, v56;
	v29 =	vmul.f32 v61, v28;
	v30 =	vmul.f32 v30, v59  }
0xa0: {  	v32 =	vmul.f32 v48, v60;
	v45 =	vshll.u32 v26, $0x10;
	v26 =	vand.u32 $0xFFFF0000, v26  }
0xa1: {  	v24 =	vadd.f32 v24, v15;
	v15 =	vand.u32 $0xFFFF0000, v25;
	v25 =	vshll.u32 v27, $0x10  }
0xa2: {  	v21 =	vadd.f32 v21, v14;
	v14 =	vadd.f32 v11, v13;
	v33 =	vmul.f32 v45, v57  }
0xa3: {  	v34 =	vmul.f32 v26, v57;
	v13 =	vadd.f32 v29, v12;
	v29 =	vmul.f32 v46, v59  }
0xa4: {  	s20 =	simm.s32 $0x1;
	v27 =	vand.u32 $0xFFFF0000, v27;
	v26 =	vmul.f32 v39, v53;
	v15 =	vmul.f32 v15, v28  }
0xa5: {  	v35 =	vmov s20;
	v25 =	vmul.f32 v25, v54;
	v63 =	vmul.f32 v27, v54  }
0xa6: {  	s18 =	sadd.s32 $0x10, s18;
	v28 =	vmul.f32 v49, v62;
	v11 =	vadd.f32 v15, v31;
	v31 =	vmul.f32 v47, v60  }
0xa7: {  	s19 =	simm.s32 $0x2;
	v27 =	vld [tilespmem:s18+$0x0];
	v12 =	vadd.f32 v25, v37;
	v25 =	vmul.f32 v40, v62;
	v15 =	vadd.f32 v63, v38  }
.LBB2_6:
0xa8: {  	p0 =	sne.s32 s19, $0xF;
	v35 =	vand.u32 $0xF, v35;
	v36 =	vld [tilespmem:s18+$0xFFFFF900];
	v16 =	vadd.f32 v33, v16;
	v17 =	vadd.f32 v34, v17  }
0xa9: {  	v18 =	vadd.f32 v29, v18;
	v19 =	vadd.f32 v30, v19;
	v33 =	vbroadcast v35, $0x0;
	v34 =	vld [tilespmem:s18+$0xFFFFFA00]  }
0xaa: {  	v22 =	vadd.f32 v31, v22;
	v23 =	vadd.f32 v32, v23;
	v29 =	vld [tilespmem:s18+$0xFFFFFB00]  }
0xab: {  	v20 =	vadd.f32 v28, v20;
	v30 =	vperm.xlane v1, v33;
	v31 =	vld [tilespmem:s18+$0xFFFFFC00];
	v37 =	vperm.xlane v10, v33  }
0xac: {  	v28 =	vperm.xlane v2, v33;
	v32 =	vperm.xlane v3, v33;
	v35 =	vld [tilespmem:s18+$0xFFFFFD00];
	v38 =	vand.u32 $0xFFFF0000, v27  }
0xad: {  	v40 =	vperm.xlane v4, v33;
	v39 =	vshll.u32 v36, $0x10;
	v41 =	vld [tilespmem:s18+$0xFFFFFE00];
	v38 =	vmul.f32 v38, v37  }
0xae: {  	v42 =	vperm.xlane v5, v33;
	v43 =	vperm.xlane v6, v33;
	v36 =	vand.u32 $0xFFFF0000, v36;
	v44 =	vld [tilespmem:s18+$0xFFFFFF00]  }
0xaf: {  	v46 =	vperm.xlane v7, v33;
	v45 =	vshll.u32 v34, $0x10;
	v24 =	vadd.f32 v38, v24  }
0xb0: {  	v33 =	vand.u32 $0xFFFF0000, v34;
	v34 =	vshll.u32 v29, $0x10;
	v29 =	vand.u32 $0xFFFF0000, v29  }
0xb1: {  	v38 =	vshll.u32 v31, $0x10;
	v31 =	vand.u32 $0xFFFF0000, v31;
	v47 =	vshll.u32 v35, $0x10  }
0xb2: {  	v35 =	vand.u32 $0xFFFF0000, v35;
	v48 =	vshll.u32 v41, $0x10;
	v41 =	vand.u32 $0xFFFF0000, v41  }
0xb3: {  	v50 =	vshll.u32 v27, $0x10;
	v49 =	vshll.u32 v44, $0x10;
	v44 =	vand.u32 $0xFFFF0000, v44  }
0xb4: {  	v9 =	vadd.f32 v25, v9;
	v27 =	vmul.f32 v39, v30;
	v30 =	vmul.f32 v36, v30  }
0xb5: {  	v8 =	vadd.f32 v26, v8;
	v25 =	vmul.f32 v45, v28;
	v28 =	vmul.f32 v33, v28  }
0xb6: {  	v21 =	vadd.f32 v27, v21;
	v26 =	vmul.f32 v34, v32;
	v36 =	vmul.f32 v29, v32  }
.Ltmp1:
0xb7: {  	v14 =	vadd.f32 v30, v14;
	v33 =	vmul.f32 v38, v40;
	v34 =	vmul.f32 v31, v40;
	(pc) =	sbr.rel @p0 .LBB2_6-.Ltmp1, $4  }
0xb8: {  	v13 =	vadd.f32 v25, v13;
	v29 =	vmul.f32 v47, v42;
	v30 =	vmul.f32 v35, v42  }
0xb9: {  	v11 =	vadd.f32 v28, v11;
	v31 =	vmul.f32 v48, v43;
	v32 =	vmul.f32 v41, v43  }
0xba: {  	s18 =	sadd.s32 $0x10, s18;
	v12 =	vadd.f32 v26, v12;
	v28 =	vmul.f32 v49, v46;
	v25 =	vmul.f32 v44, v46  }
0xbb: {  	v35 =	vmov s19;
	s19 =	sadd.s32 $0x1, s19;
	v15 =	vadd.f32 v36, v15;
	v26 =	vmul.f32 v50, v37;
	v27 =	vld [tilespmem:s18+$0x0]  }
0xbc: {  	v35 =	vand.u32 $0xF, v35;
	v36 =	vld [tilespmem:s18+$0xFFFFF900];
	v16 =	vadd.f32 v33, v16  }
0xbd: {  	v17 =	vadd.f32 v34, v17;
	v57 =	vld [tilespmem:s18+$0xFFFFFA00];
	v18 =	vadd.f32 v29, v18;
	v56 =	vbroadcast v35, $0x0  }
0xbe: {  	v19 =	vadd.f32 v30, v19;
	v29 =	vld [tilespmem:s18+$0xFFFFFB00];
	v22 =	vadd.f32 v31, v22  }
0xbf: {  	v23 =	vadd.f32 v32, v23;
	v63 =	vld [tilespmem:s17+$0x0];
	v30 =	vperm.xlane v1, v56;
	v31 =	vperm.xlane v10, v56  }
0xc0: {  	v20 =	vadd.f32 v28, v20;
	v49 =	vld [tilespmem:s17+$0xFFFFFD00];
	v10 =	vperm.xlane v2, v56;
	v28 =	vperm.xlane v3, v56  }
0xc1: {  	v9 =	vadd.f32 v25, v9;
	v53 =	vld [tilespmem:s17+$0xFFFFFE00];
	v35 =	vperm.xlane v4, v56;
	v37 =	vperm.xlane v5, v56  }
0xc2: {  	v55 =	vld [tilespmem:s17+$0xFFFFFF00];
	v8 =	vadd.f32 v26, v8;
	v38 =	vperm.xlane v6, v56;
	v33 =	vperm.xlane v7, v56  }
0xc3: {  	v1 =	vld [tilespmem:s18+$0xFFFFFC00];
	v3 =	vand.u32 $0xFFFF0000, v27;
	v27 =	vshll.u32 v27, $0x10;
	v58 =	vshll.u32 v36, $0x10  }
0xc4: {  	v2 =	vld [tilespmem:s18+$0xFFFFFD00];
	v3 =	vmul.f32 v3, v31;
	v36 =	vand.u32 $0xFFFF0000, v36;
	v6 =	vshll.u32 v57, $0x10  }
0xc5: {  	v4 =	vld [tilespmem:s18+$0xFFFFFE00];
	v7 =	vshll.u32 v29, $0x10;
	v29 =	vand.u32 $0xFFFF0000, v29;
	v27 =	vmul.f32 v27, v31  }
0xc6: {  	v5 =	vld [tilespmem:s18+$0xFFFFFF00];
	v51 =	vand.u32 $0xFFFF0000, v63;
	v32 =	vand.u32 $0xFFFF0000, v49;
	v46 =	vshll.u32 v53, $0x10  }
0xc7: {  	v47 =	vshll.u32 v55, $0x10;
	v6 =	vmul.f32 v6, v10;
	v25 =	vmul.f32 v7, v28  }
0xc8: {  	v26 =	vmul.f32 v29, v28;
	v24 =	vadd.f32 v3, v24;
	v3 =	vand.u32 $0xFFFF0000, v57  }
0xc9: {  	v8 =	vadd.f32 v27, v8;
	v59 =	vshll.u32 v1, $0x10;
	v39 =	vand.u32 $0xFFFF0000, v1  }
0xca: {  	v40 =	vshll.u32 v2, $0x10;
	v41 =	vand.u32 $0xFFFF0000, v2;
	v42 =	vshll.u32 v4, $0x10  }
0xcb: {  	v31 =	vld [tilespmem:s17+$0xFFFFFC00];
	v43 =	vand.u32 $0xFFFF0000, v4;
	v44 =	vshll.u32 v5, $0x10;
	v4 =	vmul.f32 v58, v30  }
0xcc: {  	v7 =	vld [tilespmem:s16+$0x160];
	v45 =	vand.u32 $0xFFFF0000, v5;
	v5 =	vmul.f32 v36, v30;
	v10 =	vmul.f32 v3, v10  }
0xcd: {  	v1 =	vld [tilespmem:s16+$0x100];
	v13 =	vadd.f32 v6, v13;
	v12 =	vadd.f32 v25, v12;
	v28 =	vmul.f32 v59, v35  }
0xce: {  	s19 =	simm.s32 $0x0;
	v2 =	vld [tilespmem:s16+$0x110];
	v15 =	vadd.f32 v26, v15;
	v29 =	vmul.f32 v39, v35;
	v30 =	vmul.f32 v40, v37  }
0xcf: {  	v3 =	vld [tilespmem:s16+$0x120];
	v26 =	vmov s19;
	v60 =	vmul.f32 v41, v37;
	v61 =	vmul.f32 v42, v38  }
0xd0: {  	v6 =	vld [tilespmem:s16+$0x150];
	v36 =	vshll.u32 v63, $0x10;
	v62 =	vmul.f32 v43, v38;
	v25 =	vmul.f32 v44, v33  }
0xd1: {  	v33 =	vmul.f32 v45, v33;
	v26 =	vand.u32 $0xF, v26;
	v21 =	vadd.f32 v4, v21;
	v4 =	vld [tilespmem:s16+$0x130]  }
0xd2: {  	v38 =	vand.u32 $0xFFFF0000, v53;
	v14 =	vadd.f32 v5, v14;
	v11 =	vadd.f32 v10, v11;
	v10 =	vld [tilespmem:s16+$0x170]  }
0xd3: {  	v5 =	vld [tilespmem:s16+$0x140];
	v26 =	vbroadcast v26, $0x0;
	v16 =	vadd.f32 v28, v16;
	v17 =	vadd.f32 v29, v17  }
0xd4: {  	v40 =	vand.u32 $0xFFFF0000, v55;
	v28 =	vld [tilespmem:s17+$0xFFFFF900];
	v18 =	vadd.f32 v30, v18;
	v19 =	vadd.f32 v60, v19  }
0xd5: {  	v29 =	vld [tilespmem:s17+$0xFFFFFA00];
	v22 =	vadd.f32 v61, v22;
	v20 =	vadd.f32 v25, v20;
	v25 =	vperm.xlane v1, v26  }
0xd6: {  	v23 =	vadd.f32 v62, v23;
	v30 =	vld [tilespmem:s17+$0xFFFFFB00];
	v27 =	vperm.xlane v2, v26;
	v50 =	vperm.xlane v3, v26  }
0xd7: {  	v9 =	vadd.f32 v33, v9;
	v57 =	vperm.xlane v6, v26;
	v48 =	vperm.xlane v10, v26  }
0xd8: {  	v60 =	vshll.u32 v31, $0x10;
	v54 =	vperm.xlane v4, v26;
	v56 =	vperm.xlane v5, v26  }
0xd9: {  	v26 =	vperm.xlane v7, v26;
	v52 =	vshll.u32 v28, $0x10;
	v28 =	vand.u32 $0xFFFF0000, v28  }
0xda: {  	v58 =	vshll.u32 v29, $0x10;
	v29 =	vand.u32 $0xFFFF0000, v29;
	v34 =	vmul.f32 v51, v48  }
0xdb: {  	v59 =	vshll.u32 v30, $0x10;
	v35 =	vmul.f32 v52, v25;
	v25 =	vmul.f32 v28, v25  }
0xdc: {  	v30 =	vand.u32 $0xFFFF0000, v30;
	v28 =	vmul.f32 v58, v27;
	v27 =	vmul.f32 v29, v27  }
0xdd: {  	v61 =	vshll.u32 v49, $0x10;
	v62 =	vmul.f32 v59, v50;
	v63 =	vmul.f32 v30, v50  }
0xde: {  	v31 =	vand.u32 $0xFFFF0000, v31;
	v33 =	vmul.f32 v60, v54;
	v29 =	vmul.f32 v61, v56  }
0xdf: {  	v30 =	vmul.f32 v32, v56;
	v32 =	vmul.f32 v38, v57;
	v24 =	vadd.f32 v34, v24  }
0xe0: {  	v21 =	vadd.f32 v35, v21;
	v14 =	vadd.f32 v25, v14;
	v34 =	vmul.f32 v31, v54  }
0xe1: {  	v13 =	vadd.f32 v28, v13;
	v11 =	vadd.f32 v27, v11;
	v31 =	vmul.f32 v46, v57  }
0xe2: {  	s20 =	simm.s32 $0x1;
	s17 =	sadd.s32 $0x10, s17;
	v12 =	vadd.f32 v62, v12;
	v28 =	vmul.f32 v47, v26;
	v25 =	vmul.f32 v40, v26  }
0xe3: {  	s18 =	simm.s32 $0x2;
	v35 =	vmov s20;
	v27 =	vld [tilespmem:s17+$0x0];
	v15 =	vadd.f32 v63, v15;
	v26 =	vmul.f32 v36, v48  }
.LBB2_8:
0xe4: {  	p0 =	sne.s32 s18, $0xF;
	v35 =	vand.u32 $0xF, v35;
	v36 =	vld [tilespmem:s17+$0xFFFFF900];
	v16 =	vadd.f32 v33, v16;
	v17 =	vadd.f32 v34, v17  }
0xe5: {  	v18 =	vadd.f32 v29, v18;
	v19 =	vadd.f32 v30, v19;
	v33 =	vbroadcast v35, $0x0;
	v34 =	vld [tilespmem:s17+$0xFFFFFA00]  }
0xe6: {  	v22 =	vadd.f32 v31, v22;
	v23 =	vadd.f32 v32, v23;
	v29 =	vld [tilespmem:s17+$0xFFFFFB00]  }
0xe7: {  	v20 =	vadd.f32 v28, v20;
	v30 =	vperm.xlane v1, v33;
	v31 =	vld [tilespmem:s17+$0xFFFFFC00];
	v37 =	vperm.xlane v10, v33  }
0xe8: {  	v28 =	vperm.xlane v2, v33;
	v32 =	vperm.xlane v3, v33;
	v35 =	vld [tilespmem:s17+$0xFFFFFD00];
	v38 =	vand.u32 $0xFFFF0000, v27  }
0xe9: {  	v40 =	vperm.xlane v4, v33;
	v39 =	vshll.u32 v36, $0x10;
	v41 =	vld [tilespmem:s17+$0xFFFFFE00];
	v38 =	vmul.f32 v38, v37  }
0xea: {  	v42 =	vperm.xlane v5, v33;
	v43 =	vperm.xlane v6, v33;
	v36 =	vand.u32 $0xFFFF0000, v36;
	v44 =	vld [tilespmem:s17+$0xFFFFFF00]  }
0xeb: {  	v46 =	vperm.xlane v7, v33;
	v45 =	vshll.u32 v34, $0x10;
	v24 =	vadd.f32 v38, v24  }
0xec: {  	v33 =	vand.u32 $0xFFFF0000, v34;
	v34 =	vshll.u32 v29, $0x10;
	v29 =	vand.u32 $0xFFFF0000, v29  }
0xed: {  	v38 =	vshll.u32 v31, $0x10;
	v31 =	vand.u32 $0xFFFF0000, v31;
	v47 =	vshll.u32 v35, $0x10  }
0xee: {  	v35 =	vand.u32 $0xFFFF0000, v35;
	v48 =	vshll.u32 v41, $0x10;
	v41 =	vand.u32 $0xFFFF0000, v41  }
0xef: {  	v50 =	vshll.u32 v27, $0x10;
	v49 =	vshll.u32 v44, $0x10;
	v44 =	vand.u32 $0xFFFF0000, v44  }
0xf0: {  	v9 =	vadd.f32 v25, v9;
	v27 =	vmul.f32 v39, v30;
	v30 =	vmul.f32 v36, v30  }
0xf1: {  	v8 =	vadd.f32 v26, v8;
	v25 =	vmul.f32 v45, v28;
	v28 =	vmul.f32 v33, v28  }
0xf2: {  	v21 =	vadd.f32 v27, v21;
	v26 =	vmul.f32 v34, v32;
	v36 =	vmul.f32 v29, v32  }
.Ltmp2:
0xf3: {  	v14 =	vadd.f32 v30, v14;
	v33 =	vmul.f32 v38, v40;
	v34 =	vmul.f32 v31, v40;
	(pc) =	sbr.rel @p0 .LBB2_8-.Ltmp2, $4  }
0xf4: {  	v13 =	vadd.f32 v25, v13;
	v29 =	vmul.f32 v47, v42;
	v30 =	vmul.f32 v35, v42  }
0xf5: {  	v11 =	vadd.f32 v28, v11;
	v31 =	vmul.f32 v48, v43;
	v32 =	vmul.f32 v41, v43  }
0xf6: {  	s17 =	sadd.s32 $0x10, s17;
	v12 =	vadd.f32 v26, v12;
	v28 =	vmul.f32 v49, v46;
	v25 =	vmul.f32 v44, v46  }
0xf7: {  	v35 =	vmov s18;
	s18 =	sadd.s32 $0x1, s18;
	v15 =	vadd.f32 v36, v15;
	v26 =	vmul.f32 v50, v37;
	v27 =	vld [tilespmem:s17+$0x0]  }
0xf8: {  	v35 =	vand.u32 $0xF, v35;
	v16 =	vadd.f32 v33, v16  }
0xf9: {  	v36 =	vld [tilespmem:s17+$0xFFFFF900];
	v17 =	vadd.f32 v34, v17;
	v18 =	vadd.f32 v29, v18;
	v55 =	vbroadcast v35, $0x0  }
0xfa: {  	v56 =	vld [tilespmem:s17+$0xFFFFFA00];
	v19 =	vadd.f32 v30, v19;
	v22 =	vadd.f32 v31, v22  }
0xfb: {  	v23 =	vadd.f32 v32, v23;
	v30 =	vld [tilespmem:s17+$0xFFFFFC00];
	v1 =	vperm.xlane v1, v55;
	v31 =	vperm.xlane v10, v55  }
0xfc: {  	v20 =	vadd.f32 v28, v20;
	v63 =	vld [tilespmem:s15+$0x0];
	v2 =	vperm.xlane v2, v55;
	v3 =	vperm.xlane v3, v55  }
0xfd: {  	v25 =	vadd.f32 v25, v9;
	v51 =	vld [tilespmem:s15+$0xFFFFFA00];
	v35 =	vperm.xlane v4, v55;
	v37 =	vperm.xlane v5, v55  }
0xfe: {  	v54 =	vld [tilespmem:s15+$0xFFFFFE00];
	v26 =	vadd.f32 v26, v8;
	v38 =	vperm.xlane v6, v55;
	v33 =	vperm.xlane v7, v55  }
0xff: {  	v29 =	vld [tilespmem:s17+$0xFFFFFB00];
	v28 =	vand.u32 $0xFFFF0000, v27;
	v27 =	vshll.u32 v27, $0x10;
	v57 =	vshll.u32 v36, $0x10  }
0x100: {  	v10 =	vld [tilespmem:s17+$0xFFFFFD00];
	v28 =	vmul.f32 v28, v31;
	v36 =	vand.u32 $0xFFFF0000, v36;
	v6 =	vshll.u32 v56, $0x10  }
0x101: {  	v4 =	vld [tilespmem:s17+$0xFFFFFE00];
	v7 =	vand.u32 $0xFFFF0000, v56;
	v58 =	vshll.u32 v30, $0x10;
	v30 =	vand.u32 $0xFFFF0000, v30  }
0x102: {  	v5 =	vld [tilespmem:s17+$0xFFFFFF00];
	v52 =	vand.u32 $0xFFFF0000, v63;
	v44 =	vshll.u32 v51, $0x10;
	v32 =	vmul.f32 v57, v1  }
0x103: {  	v47 =	vshll.u32 v54, $0x10;
	v1 =	vmul.f32 v36, v1;
	v9 =	vmul.f32 v6, v2  }
0x104: {  	v2 =	vmul.f32 v7, v2;
	v36 =	vand.u32 $0xFFFF0000, v54;
	v24 =	vadd.f32 v28, v24  }
0x105: {  	v28 =	vshll.u32 v29, $0x10;
	v29 =	vand.u32 $0xFFFF0000, v29;
	v39 =	vshll.u32 v10, $0x10  }
0x106: {  	v8 =	vld [tilespmem:s16+$0x1C0];
	v10 =	vand.u32 $0xFFFF0000, v10;
	v40 =	vshll.u32 v4, $0x10;
	v41 =	vand.u32 $0xFFFF0000, v4  }
0x107: {  	v6 =	vld [tilespmem:s16+$0x1A0];
	v42 =	vshll.u32 v5, $0x10;
	v43 =	vand.u32 $0xFFFF0000, v5;
	v28 =	vmul.f32 v28, v3  }
0x108: {  	v7 =	vld [tilespmem:s16+$0x1B0];
	v3 =	vmul.f32 v29, v3;
	v29 =	vadd.f32 v1, v14;
	v1 =	vmul.f32 v58, v35  }
0x109: {  	v57 =	vld [tilespmem:s15+$0xFFFFFF00];
	v21 =	vadd.f32 v32, v21;
	v14 =	vmul.f32 v30, v35;
	v59 =	vmul.f32 v39, v37  }
0x10a: {  	v4 =	vld [tilespmem:s16+$0x180];
	v35 =	vadd.f32 v2, v11;
	v60 =	vmul.f32 v10, v37;
	v2 =	vmul.f32 v40, v38  }
0x10b: {  	v5 =	vld [tilespmem:s16+$0x190];
	v30 =	vadd.f32 v9, v13;
	v61 =	vmul.f32 v41, v38;
	v62 =	vmul.f32 v42, v33  }
0x10c: {  	s19 =	simm.s32 $0x0;
	v11 =	vld [tilespmem:s16+$0x1F0];
	v33 =	vmul.f32 v43, v33;
	v28 =	vadd.f32 v28, v12;
	v38 =	vadd.f32 v3, v15  }
0x10d: {  	v9 =	vld [tilespmem:s16+$0x1D0];
	v3 =	vmov s19;
	v12 =	vadd.f32 v1, v16;
	v13 =	vadd.f32 v14, v17  }
0x10e: {  	v10 =	vld [tilespmem:s16+$0x1E0];
	v1 =	vand.u32 $0xF, v3;
	v14 =	vadd.f32 v59, v18;
	v15 =	vadd.f32 v60, v19  }
0x10f: {  	v3 =	vld [tilespmem:s15+$0xFFFFF900];
	v17 =	vadd.f32 v2, v22;
	v19 =	vbroadcast v1, $0x0;
	v1 =	vmul.f32 v27, v31  }
0x110: {  	v39 =	vshll.u32 v63, $0x10;
	v18 =	vadd.f32 v61, v23;
	v22 =	vld [tilespmem:s15+$0xFFFFFB00];
	v16 =	vadd.f32 v62, v20  }
0x111: {  	v23 =	vld [tilespmem:s15+$0xFFFFFC00];
	v20 =	vperm.xlane v4, v19;
	v1 =	vadd.f32 v1, v26;
	v26 =	vperm.xlane v11, v19  }
0x112: {  	v2 =	vadd.f32 v33, v25;
	v25 =	vperm.xlane v5, v19;
	v31 =	vperm.xlane v6, v19  }
0x113: {  	v48 =	vshll.u32 v57, $0x10;
	v27 =	vld [tilespmem:s15+$0xFFFFFD00];
	v55 =	vperm.xlane v7, v19;
	v58 =	vperm.xlane v8, v19  }
0x114: {  	v41 =	vand.u32 $0xFFFF0000, v57;
	v59 =	vperm.xlane v9, v19;
	v19 =	vperm.xlane v10, v19  }
0x115: {  	v53 =	vshll.u32 v3, $0x10;
	v33 =	vmul.f32 v52, v26;
	v56 =	vand.u32 $0xFFFF0000, v3  }
0x116: {  	v60 =	vshll.u32 v22, $0x10;
	v22 =	vand.u32 $0xFFFF0000, v22;
	v61 =	vshll.u32 v23, $0x10  }
0x117: {  	v45 =	vand.u32 $0xFFFF0000, v23;
	v62 =	vmul.f32 v44, v25;
	v32 =	vmul.f32 v36, v59  }
0x118: {  	v26 =	vmul.f32 v39, v26;
	v46 =	vshll.u32 v27, $0x10;
	v23 =	vmul.f32 v53, v20  }
0x119: {  	v27 =	vand.u32 $0xFFFF0000, v27;
	v20 =	vmul.f32 v56, v20;
	v63 =	vmul.f32 v22, v31  }
0x11a: {  	v34 =	vmul.f32 v45, v55;
	v3 =	vadd.f32 v33, v24;
	v24 =	vand.u32 $0xFFFF0000, v51  }
0x11b: {  	v33 =	vmul.f32 v61, v55;
	v22 =	vadd.f32 v62, v30;
	v30 =	vmul.f32 v27, v58  }
0x11c: {  	v24 =	vmul.f32 v24, v25;
	v25 =	vadd.f32 v23, v21;
	v21 =	vmul.f32 v60, v31  }
0x11d: {  	v23 =	vadd.f32 v20, v29;
	v29 =	vmul.f32 v46, v58;
	v31 =	vmul.f32 v47, v59  }
0x11e: {  	s20 =	simm.s32 $0x1;
	s15 =	sadd.s32 $0x10, s15;
	v20 =	vadd.f32 v24, v35;
	v21 =	vadd.f32 v21, v28;
	v28 =	vmul.f32 v48, v19  }
0x11f: {  	s16 =	simm.s32 $0x2;
	v27 =	vld [tilespmem:s15+$0x0];
	v19 =	vmul.f32 v41, v19;
	v35 =	vmov s20;
	v24 =	vadd.f32 v63, v38  }
.LBB2_10:
0x120: {  	p0 =	sne.s32 s16, $0xF;
	v35 =	vand.u32 $0xF, v35;
	v36 =	vld [tilespmem:s15+$0xFFFFF900];
	v12 =	vadd.f32 v33, v12;
	v13 =	vadd.f32 v34, v13  }
0x121: {  	v14 =	vadd.f32 v29, v14;
	v15 =	vadd.f32 v30, v15;
	v33 =	vbroadcast v35, $0x0;
	v34 =	vld [tilespmem:s15+$0xFFFFFA00]  }
0x122: {  	v17 =	vadd.f32 v31, v17;
	v18 =	vadd.f32 v32, v18;
	v29 =	vld [tilespmem:s15+$0xFFFFFB00]  }
0x123: {  	v16 =	vadd.f32 v28, v16;
	v30 =	vperm.xlane v4, v33;
	v31 =	vld [tilespmem:s15+$0xFFFFFC00];
	v37 =	vperm.xlane v11, v33  }
0x124: {  	v28 =	vperm.xlane v5, v33;
	v32 =	vperm.xlane v6, v33;
	v35 =	vld [tilespmem:s15+$0xFFFFFD00];
	v38 =	vand.u32 $0xFFFF0000, v27  }
0x125: {  	v40 =	vperm.xlane v7, v33;
	v39 =	vshll.u32 v36, $0x10;
	v41 =	vld [tilespmem:s15+$0xFFFFFE00];
	v38 =	vmul.f32 v38, v37  }
0x126: {  	v42 =	vperm.xlane v8, v33;
	v43 =	vperm.xlane v9, v33;
	v36 =	vand.u32 $0xFFFF0000, v36;
	v44 =	vld [tilespmem:s15+$0xFFFFFF00]  }
0x127: {  	v46 =	vperm.xlane v10, v33;
	v45 =	vshll.u32 v34, $0x10;
	v3 =	vadd.f32 v38, v3  }
0x128: {  	v33 =	vand.u32 $0xFFFF0000, v34;
	v34 =	vshll.u32 v29, $0x10;
	v29 =	vand.u32 $0xFFFF0000, v29  }
0x129: {  	v38 =	vshll.u32 v31, $0x10;
	v31 =	vand.u32 $0xFFFF0000, v31;
	v47 =	vshll.u32 v35, $0x10  }
0x12a: {  	v35 =	vand.u32 $0xFFFF0000, v35;
	v48 =	vshll.u32 v41, $0x10;
	v41 =	vand.u32 $0xFFFF0000, v41  }
0x12b: {  	v50 =	vshll.u32 v27, $0x10;
	v49 =	vshll.u32 v44, $0x10;
	v44 =	vand.u32 $0xFFFF0000, v44  }
0x12c: {  	v2 =	vadd.f32 v19, v2;
	v27 =	vmul.f32 v39, v30;
	v30 =	vmul.f32 v36, v30  }
0x12d: {  	v1 =	vadd.f32 v26, v1;
	v19 =	vmul.f32 v45, v28;
	v28 =	vmul.f32 v33, v28  }
0x12e: {  	v25 =	vadd.f32 v27, v25;
	v26 =	vmul.f32 v34, v32;
	v36 =	vmul.f32 v29, v32  }
.Ltmp3:
0x12f: {  	v23 =	vadd.f32 v30, v23;
	v33 =	vmul.f32 v38, v40;
	v34 =	vmul.f32 v31, v40;
	(pc) =	sbr.rel @p0 .LBB2_10-.Ltmp3, $4  }
0x130: {  	v22 =	vadd.f32 v19, v22;
	v29 =	vmul.f32 v47, v42;
	v30 =	vmul.f32 v35, v42  }
0x131: {  	v20 =	vadd.f32 v28, v20;
	v31 =	vmul.f32 v48, v43;
	v32 =	vmul.f32 v41, v43  }
0x132: {  	s15 =	sadd.s32 $0x10, s15;
	v21 =	vadd.f32 v26, v21;
	v28 =	vmul.f32 v49, v46;
	v19 =	vmul.f32 v44, v46  }
0x133: {  	v35 =	vmov s16;
	s16 =	sadd.s32 $0x1, s16;
	v24 =	vadd.f32 v36, v24;
	v26 =	vmul.f32 v50, v37;
	v27 =	vld [tilespmem:s15+$0x0]  }
0x134: {  	v35 =	vand.u32 $0xF, v35;
	v36 =	vld [tilespmem:s15+$0xFFFFF900];
	v12 =	vadd.f32 v33, v12;
	v13 =	vadd.f32 v34, v13  }
0x135: {  	v63 =	vld [tilespmem:s15+$0xFFFFFA00];
	v14 =	vadd.f32 v29, v14;
	v15 =	vadd.f32 v30, v15;
	v62 =	vbroadcast v35, $0x0  }
0x136: {  	v17 =	vadd.f32 v31, v17;
	v18 =	vadd.f32 v32, v18  }
0x137: {  	v16 =	vadd.f32 v28, v16;
	v4 =	vperm.xlane v4, v62;
	v11 =	vperm.xlane v11, v62  }
0x138: {  	v2 =	vadd.f32 v19, v2;
	v5 =	vperm.xlane v5, v62;
	v6 =	vperm.xlane v6, v62  }
0x139: {  	v40 =	vld [tilespmem:s15+$0xFFFFFB00];
	v7 =	vperm.xlane v7, v62;
	v41 =	vand.u32 $0xFFFF0000, v27;
	v42 =	vshll.u32 v36, $0x10  }
0x13a: {  	v45 =	vshll.u32 v63, $0x10;
	v47 =	vand.u32 $0xFFFF0000, v63;
	v63 =	vmul.f32 v41, v11  }
0x13b: {  	v43 =	vld [tilespmem:s15+$0xFFFFFC00];
	v8 =	vperm.xlane v8, v62;
	v44 =	vand.u32 $0xFFFF0000, v36;
	v30 =	vmul.f32 v42, v4  }
0x13c: {  	v46 =	vld [tilespmem:s15+$0xFFFFFD00];
	s16 =	sshll.u32 s31, $0x8;
	v9 =	vperm.xlane v9, v62;
	v4 =	vmul.f32 v44, v4;
	v3 =	vadd.f32 v63, v3  }
0x13d: {  	v50 =	vld [tilespmem:s15+$0xFFFFFF00];
	s20 =	sand.u32 $0x3FFFFF00, s16;
	v10 =	vperm.xlane v10, v62;
	v35 =	vmul.f32 v45, v5;
	v25 =	vadd.f32 v30, v25  }
0x13e: {  	v48 =	vld [tilespmem:s15+$0xFFFFFE00];
	v49 =	vshll.u32 v40, $0x10;
	v5 =	vmul.f32 v47, v5;
	v4 =	vadd.f32 v4, v23;
	[tilespmem:s20+$0x180F0] =	vst v3  }
0x13f: {  	v29 =	vand.u32 $0xFFFF0000, v40;
	v52 =	vmul.f32 v49, v6;
	v22 =	vadd.f32 v35, v22;
	[tilespmem:s20+$0x18000] =	vst v25  }
0x140: {  	v51 =	vshll.u32 v43, $0x10;
	v6 =	vmul.f32 v29, v6;
	v5 =	vadd.f32 v5, v20;
	[tilespmem:s20+$0x18010] =	vst v4  }
0x141: {  	v53 =	vand.u32 $0xFFFF0000, v43;
	v55 =	vmul.f32 v51, v7;
	v21 =	vadd.f32 v52, v21;
	[tilespmem:s20+$0x18020] =	vst v22  }
0x142: {  	v60 =	vand.u32 $0xFFFF0000, v50;
	v7 =	vmul.f32 v53, v7;
	v6 =	vadd.f32 v6, v24;
	[tilespmem:s20+$0x18030] =	vst v5  }
0x143: {  	v54 =	vshll.u32 v46, $0x10;
	v62 =	vmul.f32 v60, v10;
	v12 =	vadd.f32 v55, v12;
	[tilespmem:s20+$0x18040] =	vst v21  }
0x144: {  	v56 =	vand.u32 $0xFFFF0000, v46;
	v7 =	vadd.f32 v7, v13;
	v4 =	vmul.f32 v54, v8;
	[tilespmem:s20+$0x18050] =	vst v6  }
0x145: {  	v57 =	vshll.u32 v48, $0x10;
	v2 =	vadd.f32 v62, v2;
	v8 =	vmul.f32 v56, v8;
	[tilespmem:s20+$0x18060] =	vst v12  }
0x146: {  	v58 =	vand.u32 $0xFFFF0000, v48;
	v5 =	vmul.f32 v57, v9;
	[tilespmem:s20+$0x18070] =	vst v7;
	v4 =	vadd.f32 v4, v14  }
0x147: {  	s31 =	sadd.s32 $0x1, s31;
	v59 =	vshll.u32 v50, $0x10;
	v9 =	vmul.f32 v58, v9;
	[tilespmem:s20+$0x180D0] =	vst v2;
	v8 =	vadd.f32 v8, v15  }
0x148: {  	p0 =	sne.s32 s31, $0x20;
	v61 =	vshll.u32 v27, $0x10;
	v6 =	vmul.f32 v59, v10;
	v5 =	vadd.f32 v5, v17;
	[tilespmem:s20+$0x18080] =	vst v4  }
.Ltmp4:
0x149: {  	v1 =	vadd.f32 v26, v1;
	v7 =	vmul.f32 v61, v11;
	v9 =	vadd.f32 v9, v18;
	[tilespmem:s20+$0x18090] =	vst v8;
	(pc) =	sbr.rel @p0 .LBB2_3-.Ltmp4, $4  }
0x14a: {  	v6 =	vadd.f32 v6, v16;
	[tilespmem:s20+$0x180A0] =	vst v5  }
0x14b: {  	v1 =	vadd.f32 v7, v1;
	[tilespmem:s20+$0x180B0] =	vst v9  }
0x14c: {  	[tilespmem:s20+$0x180C0] =	vst v6  }
0x14d: {  	s11 =	sadd.s32 $0x1, s11;
	[tilespmem:s20+$0x180E0] =	vst v1  }
0x14e: {  	s0 =	sshll.u32 s0, $0xD  }
0x14f: {  	s0 =	sadd.s32 s10, s0  }
0x150: {  	p0 =	sne.s32 s1, $0xA;
	s0 =	sshrl.u32 s0, $0x3  }
.Ltmp5:
0x151: {  	s0 =	sadd.s32 s6, s0;
	(pc) =	sbr.rel @p0 .LBB2_2-.Ltmp5, $4  }
0x152: {  	[hbm4b:s0+s2] =	stream.linear.scatter [tilespmem:s29], [sflag:$0x3], $0x2000, $0x38;
	[tilespmem:$0x1A000] =	vst v63  }
0x153: {  	_ =	swait.ge [sflag:s30], $0x2000  }
0x154: {  	[sflag:s30] =	ssyncset.done $0x0  }
0x155: {  	s0 =	smov.u32 s1;
	[sflag:s30] =	ssyncadd.s32 $0xFFFFE000  }
0x156: {  	s1 =	rddreg [dreg:$0x5]  }
0x157: {  	s0 =	rddreg [dreg:$0x4];
	s1 =	sadd.s32 $0x1, s1  }
0x158: {  	p0 =	sne.s32 s1, s0  }
.Ltmp6:
0x159: {  	_ = 	snop;
	(pc) =	sbr.rel @p0 .LBB2_1-.Ltmp6, $1  }
0x15a: {  	_ =	sdelay $0x3  }
0x15b: {  	_ =	sfence.sel $0x180000  }
0x15c: {  	[bflag:$0x0] =	sbarrier.arrive $0xFFFF  }
0x15d: {  	_ =	strace $0x90000047  }
0x15e: {  	s0 =	stileid.u32;
	[bflag:$0x2] =	sbarrier.arrive $0xFFFF  }
0x15f: {  	p0 =	sne.s32 s0, $0x0;
	s0 =	rddreg [dreg:$0x1]  }
0x160: {  	s0 =	sadd.s32 @!p0 $0x100000, s0  }
0x161: {  	[sflag:s0] =	ssyncadd.tile.s32 @!p0 $0x1;
	_ =	shalt  }
.Lfunc_end2:
_tile_overlayer_lowered:
.L_overlay_start_2:
0x162: {  	(tag) =	ssettag $0x2  }
0x163: {  	s0 =	rddreg [dreg:$0x0];
	s2 =	stileid.u32  }
0x164: {  	s1 =	rddreg [dreg:$0x1];
	p0 =	sne.s32 s2, $0x0  }
0x165: {  	s3 =	rddreg [dreg:$0x2];
	[bflag:$0x3] =	sbarrier.arrive $0xFFFF;
	s2 =	simm.s32 @!p0 $0x1C03  }
0x166: {  	[timem:s3], [sflag:s2] =	dma.local @!p0 [hbm:s0], s1  }
0x167: {  	s0 =	simm.s32 @!p0 $0x3  }
0x168: {  	_ =	swait.ge @!p0 [sflag:s0], s1  }
0x169: {  	s1 =	ssub.s32 @!p0 $0x0, s1;
	[sflag:s0] =	ssyncset.done @!p0 $0x0  }
0x16a: {  	[sflag:s0] =	ssyncadd.s32 @!p0 s1  }
0x16b: {  	[bflag:$0x3] =	sbarrier.arrive $0xFFFF  }
0x16c: {  	_ =	shalt  }

</sc_bundles>
